<compile_context>
chip_gen: v7x
topology: tpu7x:2x2x1
jax: 0.10.2.dev20260603
libtpu: 0.0.44.dev20260713+nightly
codegen_flags: <defaults>
</compile_context>

<pallas_src>
import functools
import jax
import jax.numpy as jnp
from jax import lax
from jax.experimental import pallas as pl
from jax.experimental.pallas import tpu as pltpu
from jax.experimental.pallas import tpu_sc as plsc

S = 32768
A = 1024
N = 256
NC = 2
NS = 16
NW = NC * NS
CH_ROWS = 32
CH = CH_ROWS * A
NK = S // (CH_ROWS * NW)
TOT_CH = S // CH_ROWS
TERM_CH0 = TOT_CH - (N // CH_ROWS)
PREV_CH0 = TERM_CH0 - (N // CH_ROWS)
NBUF = 3
TERM_W0 = NW - (N // CH_ROWS)


def _sc_body(x_ref, d2_ref, o_ref, b0, b1, b2, dbuf, isem, osem):
    cidx = lax.axis_index("c")
    sidx = lax.axis_index("s")
    w = sidx * NC + cidx
    bufs = (b0, b1, b2)
    cins = {}
    couts = {}

    def g_of(k):
        return k * NW + w

    def start_in(k):
        b = k % NBUF
        c = pltpu.make_async_copy(
            x_ref.at[pl.ds(g_of(k) * CH, CH)], bufs[b], isem.at[b])
        if k == NK - 1:
            @pl.when(w < TERM_W0)
            def _():
                c.start()
        else:
            c.start()
        cins[k] = c

    def wait_in(k):
        if k == NK - 1:
            @pl.when(w < TERM_W0)
            def _():
                cins[k].wait()
        else:
            cins[k].wait()

    def start_out(k):
        b = k % NBUF
        c = pltpu.make_async_copy(
            bufs[b], o_ref.at[pl.ds(g_of(k) * CH, CH)], osem.at[b])
        if k == NK - 1:
            @pl.when(w < TERM_W0)
            def _():
                c.start()
        else:
            c.start()
        couts[k] = c

    def wait_out(k):
        if k == NK - 1:
            @pl.when(w < TERM_W0)
            def _():
                couts[k].wait()
        else:
            couts[k].wait()

    for k in range(NBUF):
        start_in(k)
    for k in range(NK):
        wait_in(k)
        start_out(k)
        if k + NBUF < NK:
            wait_out(k)
            start_in(k + NBUF)
    for k in range(NK - NBUF, NK):
        wait_out(k)

    wp = jnp.maximum(w - TERM_W0, 0)

    @pl.when(w >= TERM_W0)
    def _term():
        pltpu.sync_copy(x_ref.at[pl.ds((PREV_CH0 + wp) * CH, CH)], b0)
        pltpu.sync_copy(d2_ref.at[pl.ds(wp * CH_ROWS * 16, CH_ROWS * 16)], dbuf)

        def addbody(i, carry):
            off = i * 16
            doff = (i // (A // 16)) * 16
            b0[pl.ds(off, 16)] = b0[pl.ds(off, 16)] + dbuf[pl.ds(doff, 16)]
            return carry

        lax.fori_loop(0, CH // 16, addbody, 0)
        pltpu.sync_copy(b0, o_ref.at[pl.ds((TERM_CH0 + wp) * CH, CH)])


def sc_kernel(expected, drift):
    x_flat = expected.reshape(S * A)
    d2 = jnp.broadcast_to(drift[:, None], (N, 16)).reshape(N * 16)
    mesh = plsc.VectorSubcoreMesh(core_axis_name="c", subcore_axis_name="s")
    body = functools.partial(
        pl.kernel,
        out_type=jax.ShapeDtypeStruct((S * A,), jnp.float32),
        mesh=mesh,
        scratch_types=[
            pltpu.VMEM((CH,), jnp.float32),
            pltpu.VMEM((CH,), jnp.float32),
            pltpu.VMEM((CH,), jnp.float32),
            pltpu.VMEM((CH_ROWS * 16,), jnp.float32),
            pltpu.SemaphoreType.DMA((NBUF,)),
            pltpu.SemaphoreType.DMA((NBUF,)),
        ],
    )(_sc_body)
    out = body(x_flat, d2)
    return out.reshape(S, A)


def kernel(expected, drift):
    return sc_kernel(expected, drift)

# --- scband reference (transcript-rebuilt; emitter-appended) ---
"""Pipeline reference for scband-linear-trend-terminal-25589415150048 (READ-ONLY COPY).

The authoritative reference and input builder live on the scoring server;
editing this copy changes nothing except your own understanding.
"""

import jax, jax.numpy as jnp
import numpy as np

S, A, N = 32768, 1024, 256
TERM_IDX = jnp.arange(32512, 32768, dtype=jnp.int32)
PREV_IDX = jnp.arange(32256, 32512, dtype=jnp.int32)

def setup_inputs(seed: int = 0):
    key = jax.random.key(seed)
    k1, k2 = jax.random.split(key)
    expected = jax.random.normal(k1, (S, A), dtype=jnp.float32)
    drift = jax.random.normal(k2, (N,), dtype=jnp.float32)
    return {"expected": expected, "drift": drift}

def reference(expected, drift):
    # Exogenous branch of LinearTrendTerminal.approximate:
    # delta is a drift vector of length n (one scalar per terminal state),
    # retrieved from the params PyTree under key 'drift' and reshaped to (n, 1)
    # for broadcasting over the action dimension.
    val_t_minus_1 = jnp.take(expected, PREV_IDX, axis=0)          # gather T-1 rows
    delta_effective = drift[:, jnp.newaxis]                        # (n, 1) broadcast
    updated_val = val_t_minus_1 + delta_effective
    return expected.at[TERM_IDX, :].set(updated_val)               # scatter-overwrite terminal rows

if __name__ == "__main__":
    import jax
    _d = setup_inputs()
    print(jax.jit(kernel)(*tuple(_d.values())))

</pallas_src>

<mosaic_0001>
#map = affine_map<(d0, d1) -> (0)>
module attributes {stable_mosaic.version = 14 : i64} {
  func.func @_sc_body(%arg0: i32, %arg1: i32, %arg2: memref<33554432xf32, #tpu.memory_space<hbm>>, %arg3: memref<4096xf32, #tpu.memory_space<hbm>>, %arg4: memref<33554432xf32, #tpu.memory_space<hbm>>, %arg5: memref<32768xf32, #tpu.memory_space<vmem>>, %arg6: memref<32768xf32, #tpu.memory_space<vmem>>, %arg7: memref<32768xf32, #tpu.memory_space<vmem>>, %arg8: memref<512xf32, #tpu.memory_space<vmem>>, %arg9: memref<3x!tpu.dma_semaphore, #tpu.memory_space<semaphore_mem>>, %arg10: memref<3x!tpu.dma_semaphore, #tpu.memory_space<semaphore_mem>>) attributes {dimension_semantics = [#tpu.dimension_semantics<core_parallel>, #tpu.dimension_semantics<subcore_parallel>], iteration_bounds = array<i64: 2, 16>, scalar_prefetch = 0 : i64, scratch_operands = 6 : i64, tpu.core_type = #tpu.core_type<sc_vector_subcore>, window_params = [{transform_indices = #map}, {transform_indices = #map}, {transform_indices = #map}]} {
    %mul3A = arith.constant 2 : i32
    %mul3A_0 = arith.muli %arg1, %mul3A : i32
    %add3A = arith.addi %mul3A_0, %arg0 : i32
    %add3A_1 = arith.constant 0 : i32
    %add3A_2 = arith.addi %add3A_1, %add3A : i32
    %mul3A_3 = arith.constant 32768 : i32
    %mul3A_4 = arith.muli %add3A_2, %mul3A_3 : i32
    %dma_start3A = arith.constant 0 : i32
    %dma_start3A_5 = tpu.memref_slice %arg2[%mul3A_4] : memref<33554432xf32, #tpu.memory_space<hbm>> -> memref<32768xf32, #tpu.memory_space<hbm>>
    %dma_start3A_6 = tpu.memref_slice %arg9[%dma_start3A] : memref<3x!tpu.dma_semaphore, #tpu.memory_space<semaphore_mem>> -> memref<1x!tpu.dma_semaphore, #tpu.memory_space<semaphore_mem>>
    %dma_start3A_7 = tpu.memref_squeeze %dma_start3A_6 : memref<1x!tpu.dma_semaphore, #tpu.memory_space<semaphore_mem>> -> memref<!tpu.dma_semaphore, #tpu.memory_space<semaphore_mem>>
    %dma_start3A_8 = tpu.memref_slice %arg2[%mul3A_4] : memref<33554432xf32, #tpu.memory_space<hbm>> -> memref<32768xf32, #tpu.memory_space<hbm>>
    tpu.enqueue_dma source(%dma_start3A_8 : memref<32768xf32, #tpu.memory_space<hbm>>) target(%arg5 : memref<32768xf32, #tpu.memory_space<vmem>>) target_semaphore(%dma_start3A_7 : memref<!tpu.dma_semaphore, #tpu.memory_space<semaphore_mem>>)
    %add3A_9 = arith.constant 32 : i32
    %add3A_10 = arith.addi %add3A_9, %add3A : i32
    %mul3A_11 = arith.constant 32768 : i32
    %mul3A_12 = arith.muli %add3A_10, %mul3A_11 : i32
    %dma_start3A_13 = arith.constant 1 : i32
    %dma_start3A_14 = tpu.memref_slice %arg2[%mul3A_12] : memref<33554432xf32, #tpu.memory_space<hbm>> -> memref<32768xf32, #tpu.memory_space<hbm>>
    %dma_start3A_15 = tpu.memref_slice %arg9[%dma_start3A_13] : memref<3x!tpu.dma_semaphore, #tpu.memory_space<semaphore_mem>> -> memref<1x!tpu.dma_semaphore, #tpu.memory_space<semaphore_mem>>
    %dma_start3A_16 = tpu.memref_squeeze %dma_start3A_15 : memref<1x!tpu.dma_semaphore, #tpu.memory_space<semaphore_mem>> -> memref<!tpu.dma_semaphore, #tpu.memory_space<semaphore_mem>>
    %dma_start3A_17 = tpu.memref_slice %arg2[%mul3A_12] : memref<33554432xf32, #tpu.memory_space<hbm>> -> memref<32768xf32, #tpu.memory_space<hbm>>
    tpu.enqueue_dma source(%dma_start3A_17 : memref<32768xf32, #tpu.memory_space<hbm>>) target(%arg6 : memref<32768xf32, #tpu.memory_space<vmem>>) target_semaphore(%dma_start3A_16 : memref<!tpu.dma_semaphore, #tpu.memory_space<semaphore_mem>>)
    %add3A_18 = arith.constant 64 : i32
    %add3A_19 = arith.addi %add3A_18, %add3A : i32
    %mul3A_20 = arith.constant 32768 : i32
    %mul3A_21 = arith.muli %add3A_19, %mul3A_20 : i32
    %dma_start3A_22 = arith.constant 2 : i32
    %dma_start3A_23 = tpu.memref_slice %arg2[%mul3A_21] : memref<33554432xf32, #tpu.memory_space<hbm>> -> memref<32768xf32, #tpu.memory_space<hbm>>
    %dma_start3A_24 = tpu.memref_slice %arg9[%dma_start3A_22] : memref<3x!tpu.dma_semaphore, #tpu.memory_space<semaphore_mem>> -> memref<1x!tpu.dma_semaphore, #tpu.memory_space<semaphore_mem>>
    %dma_start3A_25 = tpu.memref_squeeze %dma_start3A_24 : memref<1x!tpu.dma_semaphore, #tpu.memory_space<semaphore_mem>> -> memref<!tpu.dma_semaphore, #tpu.memory_space<semaphore_mem>>
    %dma_start3A_26 = tpu.memref_slice %arg2[%mul3A_21] : memref<33554432xf32, #tpu.memory_space<hbm>> -> memref<32768xf32, #tpu.memory_space<hbm>>
    tpu.enqueue_dma source(%dma_start3A_26 : memref<32768xf32, #tpu.memory_space<hbm>>) target(%arg7 : memref<32768xf32, #tpu.memory_space<vmem>>) target_semaphore(%dma_start3A_25 : memref<!tpu.dma_semaphore, #tpu.memory_space<semaphore_mem>>)
    %dma_wait3A = arith.constant 0 : i32
    %dma_wait3A_27 = tpu.memref_slice %arg2[%mul3A_4] : memref<33554432xf32, #tpu.memory_space<hbm>> -> memref<32768xf32, #tpu.memory_space<hbm>>
    %dma_wait3A_28 = tpu.memref_slice %arg9[%dma_wait3A] : memref<3x!tpu.dma_semaphore, #tpu.memory_space<semaphore_mem>> -> memref<1x!tpu.dma_semaphore, #tpu.memory_space<semaphore_mem>>
    %dma_wait3A_29 = tpu.memref_squeeze %dma_wait3A_28 : memref<1x!tpu.dma_semaphore, #tpu.memory_space<semaphore_mem>> -> memref<!tpu.dma_semaphore, #tpu.memory_space<semaphore_mem>>
    %dma_wait3A_30 = tpu.memref_slice %arg2[%mul3A_4] : memref<33554432xf32, #tpu.memory_space<hbm>> -> memref<32768xf32, #tpu.memory_space<hbm>>
    tpu.wait_dma2 semaphore(%dma_wait3A_29 : memref<!tpu.dma_semaphore, #tpu.memory_space<semaphore_mem>>) src(%dma_wait3A_30 : memref<32768xf32, #tpu.memory_space<hbm>>) dst(%arg5 : memref<32768xf32, #tpu.memory_space<vmem>>)
    %add3A_31 = arith.constant 0 : i32
    %add3A_32 = arith.addi %add3A_31, %add3A : i32
    %mul3A_33 = arith.constant 32768 : i32
    %mul3A_34 = arith.muli %add3A_32, %mul3A_33 : i32
    %dma_start3A_35 = arith.constant 0 : i32
    %dma_start3A_36 = tpu.memref_slice %arg4[%mul3A_34] : memref<33554432xf32, #tpu.memory_space<hbm>> -> memref<32768xf32, #tpu.memory_space<hbm>>
    %dma_start3A_37 = tpu.memref_slice %arg10[%dma_start3A_35] : memref<3x!tpu.dma_semaphore, #tpu.memory_space<semaphore_mem>> -> memref<1x!tpu.dma_semaphore, #tpu.memory_space<semaphore_mem>>
    %dma_start3A_38 = tpu.memref_squeeze %dma_start3A_37 : memref<1x!tpu.dma_semaphore, #tpu.memory_space<semaphore_mem>> -> memref<!tpu.dma_semaphore, #tpu.memory_space<semaphore_mem>>
    %dma_start3A_39 = tpu.memref_slice %arg4[%mul3A_34] : memref<33554432xf32, #tpu.memory_space<hbm>> -> memref<32768xf32, #tpu.memory_space<hbm>>
    tpu.enqueue_dma source(%arg5 : memref<32768xf32, #tpu.memory_space<vmem>>) target(%dma_start3A_39 : memref<32768xf32, #tpu.memory_space<hbm>>) target_semaphore(%dma_start3A_38 : memref<!tpu.dma_semaphore, #tpu.memory_space<semaphore_mem>>)
    %dma_wait3A_40 = arith.constant 0 : i32
    %dma_wait3A_41 = tpu.memref_slice %arg4[%mul3A_34] : memref<33554432xf32, #tpu.memory_space<hbm>> -> memref<32768xf32, #tpu.memory_space<hbm>>
    %dma_wait3A_42 = tpu.memref_slice %arg10[%dma_wait3A_40] : memref<3x!tpu.dma_semaphore, #tpu.memory_space<semaphore_mem>> -> memref<1x!tpu.dma_semaphore, #tpu.memory_space<semaphore_mem>>
    %dma_wait3A_43 = tpu.memref_squeeze %dma_wait3A_42 : memref<1x!tpu.dma_semaphore, #tpu.memory_space<semaphore_mem>> -> memref<!tpu.dma_semaphore, #tpu.memory_space<semaphore_mem>>
    %dma_wait3A_44 = tpu.memref_slice %arg4[%mul3A_34] : memref<33554432xf32, #tpu.memory_space<hbm>> -> memref<32768xf32, #tpu.memory_space<hbm>>
    tpu.wait_dma2 semaphore(%dma_wait3A_43 : memref<!tpu.dma_semaphore, #tpu.memory_space<semaphore_mem>>) src(%arg5 : memref<32768xf32, #tpu.memory_space<vmem>>) dst(%dma_wait3A_44 : memref<32768xf32, #tpu.memory_space<hbm>>)
    %add3A_45 = arith.constant 96 : i32
    %add3A_46 = arith.addi %add3A_45, %add3A : i32
    %mul3A_47 = arith.constant 32768 : i32
    %mul3A_48 = arith.muli %add3A_46, %mul3A_47 : i32
    %dma_start3A_49 = arith.constant 0 : i32
    %dma_start3A_50 = tpu.memref_slice %arg2[%mul3A_48] : memref<33554432xf32, #tpu.memory_space<hbm>> -> memref<32768xf32, #tpu.memory_space<hbm>>
    %dma_start3A_51 = tpu.memref_slice %arg9[%dma_start3A_49] : memref<3x!tpu.dma_semaphore, #tpu.memory_space<semaphore_mem>> -> memref<1x!tpu.dma_semaphore, #tpu.memory_space<semaphore_mem>>
    %dma_start3A_52 = tpu.memref_squeeze %dma_start3A_51 : memref<1x!tpu.dma_semaphore, #tpu.memory_space<semaphore_mem>> -> memref<!tpu.dma_semaphore, #tpu.memory_space<semaphore_mem>>
    %dma_start3A_53 = tpu.memref_slice %arg2[%mul3A_48] : memref<33554432xf32, #tpu.memory_space<hbm>> -> memref<32768xf32, #tpu.memory_space<hbm>>
    tpu.enqueue_dma source(%dma_start3A_53 : memref<32768xf32, #tpu.memory_space<hbm>>) target(%arg5 : memref<32768xf32, #tpu.memory_space<vmem>>) target_semaphore(%dma_start3A_52 : memref<!tpu.dma_semaphore, #tpu.memory_space<semaphore_mem>>)
    %dma_wait3A_54 = arith.constant 1 : i32
    %dma_wait3A_55 = tpu.memref_slice %arg2[%mul3A_12] : memref<33554432xf32, #tpu.memory_space<hbm>> -> memref<32768xf32, #tpu.memory_space<hbm>>
    %dma_wait3A_56 = tpu.memref_slice %arg9[%dma_wait3A_54] : memref<3x!tpu.dma_semaphore, #tpu.memory_space<semaphore_mem>> -> memref<1x!tpu.dma_semaphore, #tpu.memory_space<semaphore_mem>>
    %dma_wait3A_57 = tpu.memref_squeeze %dma_wait3A_56 : memref<1x!tpu.dma_semaphore, #tpu.memory_space<semaphore_mem>> -> memref<!tpu.dma_semaphore, #tpu.memory_space<semaphore_mem>>
    %dma_wait3A_58 = tpu.memref_slice %arg2[%mul3A_12] : memref<33554432xf32, #tpu.memory_space<hbm>> -> memref<32768xf32, #tpu.memory_space<hbm>>
    tpu.wait_dma2 semaphore(%dma_wait3A_57 : memref<!tpu.dma_semaphore, #tpu.memory_space<semaphore_mem>>) src(%dma_wait3A_58 : memref<32768xf32, #tpu.memory_space<hbm>>) dst(%arg6 : memref<32768xf32, #tpu.memory_space<vmem>>)
    %add3A_59 = arith.constant 32 : i32
    %add3A_60 = arith.addi %add3A_59, %add3A : i32
    %mul3A_61 = arith.constant 32768 : i32
    %mul3A_62 = arith.muli %add3A_60, %mul3A_61 : i32
    %dma_start3A_63 = arith.constant 1 : i32
    %dma_start3A_64 = tpu.memref_slice %arg4[%mul3A_62] : memref<33554432xf32, #tpu.memory_space<hbm>> -> memref<32768xf32, #tpu.memory_space<hbm>>
    %dma_start3A_65 = tpu.memref_slice %arg10[%dma_start3A_63] : memref<3x!tpu.dma_semaphore, #tpu.memory_space<semaphore_mem>> -> memref<1x!tpu.dma_semaphore, #tpu.memory_space<semaphore_mem>>
    %dma_start3A_66 = tpu.memref_squeeze %dma_start3A_65 : memref<1x!tpu.dma_semaphore, #tpu.memory_space<semaphore_mem>> -> memref<!tpu.dma_semaphore, #tpu.memory_space<semaphore_mem>>
    %dma_start3A_67 = tpu.memref_slice %arg4[%mul3A_62] : memref<33554432xf32, #tpu.memory_space<hbm>> -> memref<32768xf32, #tpu.memory_space<hbm>>
    tpu.enqueue_dma source(%arg6 : memref<32768xf32, #tpu.memory_space<vmem>>) target(%dma_start3A_67 : memref<32768xf32, #tpu.memory_space<hbm>>) target_semaphore(%dma_start3A_66 : memref<!tpu.dma_semaphore, #tpu.memory_space<semaphore_mem>>)
    %dma_wait3A_68 = arith.constant 1 : i32
    %dma_wait3A_69 = tpu.memref_slice %arg4[%mul3A_62] : memref<33554432xf32, #tpu.memory_space<hbm>> -> memref<32768xf32, #tpu.memory_space<hbm>>
    %dma_wait3A_70 = tpu.memref_slice %arg10[%dma_wait3A_68] : memref<3x!tpu.dma_semaphore, #tpu.memory_space<semaphore_mem>> -> memref<1x!tpu.dma_semaphore, #tpu.memory_space<semaphore_mem>>
    %dma_wait3A_71 = tpu.memref_squeeze %dma_wait3A_70 : memref<1x!tpu.dma_semaphore, #tpu.memory_space<semaphore_mem>> -> memref<!tpu.dma_semaphore, #tpu.memory_space<semaphore_mem>>
    %dma_wait3A_72 = tpu.memref_slice %arg4[%mul3A_62] : memref<33554432xf32, #tpu.memory_space<hbm>> -> memref<32768xf32, #tpu.memory_space<hbm>>
    tpu.wait_dma2 semaphore(%dma_wait3A_71 : memref<!tpu.dma_semaphore, #tpu.memory_space<semaphore_mem>>) src(%arg6 : memref<32768xf32, #tpu.memory_space<vmem>>) dst(%dma_wait3A_72 : memref<32768xf32, #tpu.memory_space<hbm>>)
    %add3A_73 = arith.constant 128 : i32
    %add3A_74 = arith.addi %add3A_73, %add3A : i32
    %mul3A_75 = arith.constant 32768 : i32
    %mul3A_76 = arith.muli %add3A_74, %mul3A_75 : i32
    %dma_start3A_77 = arith.constant 1 : i32
    %dma_start3A_78 = tpu.memref_slice %arg2[%mul3A_76] : memref<33554432xf32, #tpu.memory_space<hbm>> -> memref<32768xf32, #tpu.memory_space<hbm>>
    %dma_start3A_79 = tpu.memref_slice %arg9[%dma_start3A_77] : memref<3x!tpu.dma_semaphore, #tpu.memory_space<semaphore_mem>> -> memref<1x!tpu.dma_semaphore, #tpu.memory_space<semaphore_mem>>
    %dma_start3A_80 = tpu.memref_squeeze %dma_start3A_79 : memref<1x!tpu.dma_semaphore, #tpu.memory_space<semaphore_mem>> -> memref<!tpu.dma_semaphore, #tpu.memory_space<semaphore_mem>>
    %dma_start3A_81 = tpu.memref_slice %arg2[%mul3A_76] : memref<33554432xf32, #tpu.memory_space<hbm>> -> memref<32768xf32, #tpu.memory_space<hbm>>
    tpu.enqueue_dma source(%dma_start3A_81 : memref<32768xf32, #tpu.memory_space<hbm>>) target(%arg6 : memref<32768xf32, #tpu.memory_space<vmem>>) target_semaphore(%dma_start3A_80 : memref<!tpu.dma_semaphore, #tpu.memory_space<semaphore_mem>>)
    %dma_wait3A_82 = arith.constant 2 : i32
    %dma_wait3A_83 = tpu.memref_slice %arg2[%mul3A_21] : memref<33554432xf32, #tpu.memory_space<hbm>> -> memref<32768xf32, #tpu.memory_space<hbm>>
    %dma_wait3A_84 = tpu.memref_slice %arg9[%dma_wait3A_82] : memref<3x!tpu.dma_semaphore, #tpu.memory_space<semaphore_mem>> -> memref<1x!tpu.dma_semaphore, #tpu.memory_space<semaphore_mem>>
    %dma_wait3A_85 = tpu.memref_squeeze %dma_wait3A_84 : memref<1x!tpu.dma_semaphore, #tpu.memory_space<semaphore_mem>> -> memref<!tpu.dma_semaphore, #tpu.memory_space<semaphore_mem>>
    %dma_wait3A_86 = tpu.memref_slice %arg2[%mul3A_21] : memref<33554432xf32, #tpu.memory_space<hbm>> -> memref<32768xf32, #tpu.memory_space<hbm>>
    tpu.wait_dma2 semaphore(%dma_wait3A_85 : memref<!tpu.dma_semaphore, #tpu.memory_space<semaphore_mem>>) src(%dma_wait3A_86 : memref<32768xf32, #tpu.memory_space<hbm>>) dst(%arg7 : memref<32768xf32, #tpu.memory_space<vmem>>)
    %add3A_87 = arith.constant 64 : i32
    %add3A_88 = arith.addi %add3A_87, %add3A : i32
    %mul3A_89 = arith.constant 32768 : i32
    %mul3A_90 = arith.muli %add3A_88, %mul3A_89 : i32
    %dma_start3A_91 = arith.constant 2 : i32
    %dma_start3A_92 = tpu.memref_slice %arg4[%mul3A_90] : memref<33554432xf32, #tpu.memory_space<hbm>> -> memref<32768xf32, #tpu.memory_space<hbm>>
    %dma_start3A_93 = tpu.memref_slice %arg10[%dma_start3A_91] : memref<3x!tpu.dma_semaphore, #tpu.memory_space<semaphore_mem>> -> memref<1x!tpu.dma_semaphore, #tpu.memory_space<semaphore_mem>>
    %dma_start3A_94 = tpu.memref_squeeze %dma_start3A_93 : memref<1x!tpu.dma_semaphore, #tpu.memory_space<semaphore_mem>> -> memref<!tpu.dma_semaphore, #tpu.memory_space<semaphore_mem>>
    %dma_start3A_95 = tpu.memref_slice %arg4[%mul3A_90] : memref<33554432xf32, #tpu.memory_space<hbm>> -> memref<32768xf32, #tpu.memory_space<hbm>>
    tpu.enqueue_dma source(%arg7 : memref<32768xf32, #tpu.memory_space<vmem>>) target(%dma_start3A_95 : memref<32768xf32, #tpu.memory_space<hbm>>) target_semaphore(%dma_start3A_94 : memref<!tpu.dma_semaphore, #tpu.memory_space<semaphore_mem>>)
    %dma_wait3A_96 = arith.constant 2 : i32
    %dma_wait3A_97 = tpu.memref_slice %arg4[%mul3A_90] : memref<33554432xf32, #tpu.memory_space<hbm>> -> memref<32768xf32, #tpu.memory_space<hbm>>
    %dma_wait3A_98 = tpu.memref_slice %arg10[%dma_wait3A_96] : memref<3x!tpu.dma_semaphore, #tpu.memory_space<semaphore_mem>> -> memref<1x!tpu.dma_semaphore, #tpu.memory_space<semaphore_mem>>
    %dma_wait3A_99 = tpu.memref_squeeze %dma_wait3A_98 : memref<1x!tpu.dma_semaphore, #tpu.memory_space<semaphore_mem>> -> memref<!tpu.dma_semaphore, #tpu.memory_space<semaphore_mem>>
    %dma_wait3A_100 = tpu.memref_slice %arg4[%mul3A_90] : memref<33554432xf32, #tpu.memory_space<hbm>> -> memref<32768xf32, #tpu.memory_space<hbm>>
    tpu.wait_dma2 semaphore(%dma_wait3A_99 : memref<!tpu.dma_semaphore, #tpu.memory_space<semaphore_mem>>) src(%arg7 : memref<32768xf32, #tpu.memory_space<vmem>>) dst(%dma_wait3A_100 : memref<32768xf32, #tpu.memory_space<hbm>>)
    %add3A_101 = arith.constant 160 : i32
    %add3A_102 = arith.addi %add3A_101, %add3A : i32
    %mul3A_103 = arith.constant 32768 : i32
    %mul3A_104 = arith.muli %add3A_102, %mul3A_103 : i32
    %dma_start3A_105 = arith.constant 2 : i32
    %dma_start3A_106 = tpu.memref_slice %arg2[%mul3A_104] : memref<33554432xf32, #tpu.memory_space<hbm>> -> memref<32768xf32, #tpu.memory_space<hbm>>
    %dma_start3A_107 = tpu.memref_slice %arg9[%dma_start3A_105] : memref<3x!tpu.dma_semaphore, #tpu.memory_space<semaphore_mem>> -> memref<1x!tpu.dma_semaphore, #tpu.memory_space<semaphore_mem>>
    %dma_start3A_108 = tpu.memref_squeeze %dma_start3A_107 : memref<1x!tpu.dma_semaphore, #tpu.memory_space<semaphore_mem>> -> memref<!tpu.dma_semaphore, #tpu.memory_space<semaphore_mem>>
    %dma_start3A_109 = tpu.memref_slice %arg2[%mul3A_104] : memref<33554432xf32, #tpu.memory_space<hbm>> -> memref<32768xf32, #tpu.memory_space<hbm>>
    tpu.enqueue_dma source(%dma_start3A_109 : memref<32768xf32, #tpu.memory_space<hbm>>) target(%arg7 : memref<32768xf32, #tpu.memory_space<vmem>>) target_semaphore(%dma_start3A_108 : memref<!tpu.dma_semaphore, #tpu.memory_space<semaphore_mem>>)
    %dma_wait3A_110 = arith.constant 0 : i32
    %dma_wait3A_111 = tpu.memref_slice %arg2[%mul3A_48] : memref<33554432xf32, #tpu.memory_space<hbm>> -> memref<32768xf32, #tpu.memory_space<hbm>>
    %dma_wait3A_112 = tpu.memref_slice %arg9[%dma_wait3A_110] : memref<3x!tpu.dma_semaphore, #tpu.memory_space<semaphore_mem>> -> memref<1x!tpu.dma_semaphore, #tpu.memory_space<semaphore_mem>>
    %dma_wait3A_113 = tpu.memref_squeeze %dma_wait3A_112 : memref<1x!tpu.dma_semaphore, #tpu.memory_space<semaphore_mem>> -> memref<!tpu.dma_semaphore, #tpu.memory_space<semaphore_mem>>
    %dma_wait3A_114 = tpu.memref_slice %arg2[%mul3A_48] : memref<33554432xf32, #tpu.memory_space<hbm>> -> memref<32768xf32, #tpu.memory_space<hbm>>
    tpu.wait_dma2 semaphore(%dma_wait3A_113 : memref<!tpu.dma_semaphore, #tpu.memory_space<semaphore_mem>>) src(%dma_wait3A_114 : memref<32768xf32, #tpu.memory_space<hbm>>) dst(%arg5 : memref<32768xf32, #tpu.memory_space<vmem>>)
    %add3A_115 = arith.constant 96 : i32
    %add3A_116 = arith.addi %add3A_115, %add3A : i32
    %mul3A_117 = arith.constant 32768 : i32
    %mul3A_118 = arith.muli %add3A_116, %mul3A_117 : i32
    %dma_start3A_119 = arith.constant 0 : i32
    %dma_start3A_120 = tpu.memref_slice %arg4[%mul3A_118] : memref<33554432xf32, #tpu.memory_space<hbm>> -> memref<32768xf32, #tpu.memory_space<hbm>>
    %dma_start3A_121 = tpu.memref_slice %arg10[%dma_start3A_119] : memref<3x!tpu.dma_semaphore, #tpu.memory_space<semaphore_mem>> -> memref<1x!tpu.dma_semaphore, #tpu.memory_space<semaphore_mem>>
    %dma_start3A_122 = tpu.memref_squeeze %dma_start3A_121 : memref<1x!tpu.dma_semaphore, #tpu.memory_space<semaphore_mem>> -> memref<!tpu.dma_semaphore, #tpu.memory_space<semaphore_mem>>
    %dma_start3A_123 = tpu.memref_slice %arg4[%mul3A_118] : memref<33554432xf32, #tpu.memory_space<hbm>> -> memref<32768xf32, #tpu.memory_space<hbm>>
    tpu.enqueue_dma source(%arg5 : memref<32768xf32, #tpu.memory_space<vmem>>) target(%dma_start3A_123 : memref<32768xf32, #tpu.memory_space<hbm>>) target_semaphore(%dma_start3A_122 : memref<!tpu.dma_semaphore, #tpu.memory_space<semaphore_mem>>)
    %dma_wait3A_124 = arith.constant 0 : i32
    %dma_wait3A_125 = tpu.memref_slice %arg4[%mul3A_118] : memref<33554432xf32, #tpu.memory_space<hbm>> -> memref<32768xf32, #tpu.memory_space<hbm>>
    %dma_wait3A_126 = tpu.memref_slice %arg10[%dma_wait3A_124] : memref<3x!tpu.dma_semaphore, #tpu.memory_space<semaphore_mem>> -> memref<1x!tpu.dma_semaphore, #tpu.memory_space<semaphore_mem>>
    %dma_wait3A_127 = tpu.memref_squeeze %dma_wait3A_126 : memref<1x!tpu.dma_semaphore, #tpu.memory_space<semaphore_mem>> -> memref<!tpu.dma_semaphore, #tpu.memory_space<semaphore_mem>>
    %dma_wait3A_128 = tpu.memref_slice %arg4[%mul3A_118] : memref<33554432xf32, #tpu.memory_space<hbm>> -> memref<32768xf32, #tpu.memory_space<hbm>>
    tpu.wait_dma2 semaphore(%dma_wait3A_127 : memref<!tpu.dma_semaphore, #tpu.memory_space<semaphore_mem>>) src(%arg5 : memref<32768xf32, #tpu.memory_space<vmem>>) dst(%dma_wait3A_128 : memref<32768xf32, #tpu.memory_space<hbm>>)
    %add3A_129 = arith.constant 192 : i32
    %add3A_130 = arith.addi %add3A_129, %add3A : i32
    %mul3A_131 = arith.constant 32768 : i32
    %mul3A_132 = arith.muli %add3A_130, %mul3A_131 : i32
    %dma_start3A_133 = arith.constant 0 : i32
    %dma_start3A_134 = tpu.memref_slice %arg2[%mul3A_132] : memref<33554432xf32, #tpu.memory_space<hbm>> -> memref<32768xf32, #tpu.memory_space<hbm>>
    %dma_start3A_135 = tpu.memref_slice %arg9[%dma_start3A_133] : memref<3x!tpu.dma_semaphore, #tpu.memory_space<semaphore_mem>> -> memref<1x!tpu.dma_semaphore, #tpu.memory_space<semaphore_mem>>
    %dma_start3A_136 = tpu.memref_squeeze %dma_start3A_135 : memref<1x!tpu.dma_semaphore, #tpu.memory_space<semaphore_mem>> -> memref<!tpu.dma_semaphore, #tpu.memory_space<semaphore_mem>>
    %dma_start3A_137 = tpu.memref_slice %arg2[%mul3A_132] : memref<33554432xf32, #tpu.memory_space<hbm>> -> memref<32768xf32, #tpu.memory_space<hbm>>
    tpu.enqueue_dma source(%dma_start3A_137 : memref<32768xf32, #tpu.memory_space<hbm>>) target(%arg5 : memref<32768xf32, #tpu.memory_space<vmem>>) target_semaphore(%dma_start3A_136 : memref<!tpu.dma_semaphore, #tpu.memory_space<semaphore_mem>>)
    %dma_wait3A_138 = arith.constant 1 : i32
    %dma_wait3A_139 = tpu.memref_slice %arg2[%mul3A_76] : memref<33554432xf32, #tpu.memory_space<hbm>> -> memref<32768xf32, #tpu.memory_space<hbm>>
    %dma_wait3A_140 = tpu.memref_slice %arg9[%dma_wait3A_138] : memref<3x!tpu.dma_semaphore, #tpu.memory_space<semaphore_mem>> -> memref<1x!tpu.dma_semaphore, #tpu.memory_space<semaphore_mem>>
    %dma_wait3A_141 = tpu.memref_squeeze %dma_wait3A_140 : memref<1x!tpu.dma_semaphore, #tpu.memory_space<semaphore_mem>> -> memref<!tpu.dma_semaphore, #tpu.memory_space<semaphore_mem>>
    %dma_wait3A_142 = tpu.memref_slice %arg2[%mul3A_76] : memref<33554432xf32, #tpu.memory_space<hbm>> -> memref<32768xf32, #tpu.memory_space<hbm>>
    tpu.wait_dma2 semaphore(%dma_wait3A_141 : memref<!tpu.dma_semaphore, #tpu.memory_space<semaphore_mem>>) src(%dma_wait3A_142 : memref<32768xf32, #tpu.memory_space<hbm>>) dst(%arg6 : memref<32768xf32, #tpu.memory_space<vmem>>)
    %add3A_143 = arith.constant 128 : i32
    %add3A_144 = arith.addi %add3A_143, %add3A : i32
    %mul3A_145 = arith.constant 32768 : i32
    %mul3A_146 = arith.muli %add3A_144, %mul3A_145 : i32
    %dma_start3A_147 = arith.constant 1 : i32
    %dma_start3A_148 = tpu.memref_slice %arg4[%mul3A_146] : memref<33554432xf32, #tpu.memory_space<hbm>> -> memref<32768xf32, #tpu.memory_space<hbm>>
    %dma_start3A_149 = tpu.memref_slice %arg10[%dma_start3A_147] : memref<3x!tpu.dma_semaphore, #tpu.memory_space<semaphore_mem>> -> memref<1x!tpu.dma_semaphore, #tpu.memory_space<semaphore_mem>>
    %dma_start3A_150 = tpu.memref_squeeze %dma_start3A_149 : memref<1x!tpu.dma_semaphore, #tpu.memory_space<semaphore_mem>> -> memref<!tpu.dma_semaphore, #tpu.memory_space<semaphore_mem>>
    %dma_start3A_151 = tpu.memref_slice %arg4[%mul3A_146] : memref<33554432xf32, #tpu.memory_space<hbm>> -> memref<32768xf32, #tpu.memory_space<hbm>>
    tpu.enqueue_dma source(%arg6 : memref<32768xf32, #tpu.memory_space<vmem>>) target(%dma_start3A_151 : memref<32768xf32, #tpu.memory_space<hbm>>) target_semaphore(%dma_start3A_150 : memref<!tpu.dma_semaphore, #tpu.memory_space<semaphore_mem>>)
    %dma_wait3A_152 = arith.constant 1 : i32
    %dma_wait3A_153 = tpu.memref_slice %arg4[%mul3A_146] : memref<33554432xf32, #tpu.memory_space<hbm>> -> memref<32768xf32, #tpu.memory_space<hbm>>
    %dma_wait3A_154 = tpu.memref_slice %arg10[%dma_wait3A_152] : memref<3x!tpu.dma_semaphore, #tpu.memory_space<semaphore_mem>> -> memref<1x!tpu.dma_semaphore, #tpu.memory_space<semaphore_mem>>
    %dma_wait3A_155 = tpu.memref_squeeze %dma_wait3A_154 : memref<1x!tpu.dma_semaphore, #tpu.memory_space<semaphore_mem>> -> memref<!tpu.dma_semaphore, #tpu.memory_space<semaphore_mem>>
    %dma_wait3A_156 = tpu.memref_slice %arg4[%mul3A_146] : memref<33554432xf32, #tpu.memory_space<hbm>> -> memref<32768xf32, #tpu.memory_space<hbm>>
    tpu.wait_dma2 semaphore(%dma_wait3A_155 : memref<!tpu.dma_semaphore, #tpu.memory_space<semaphore_mem>>) src(%arg6 : memref<32768xf32, #tpu.memory_space<vmem>>) dst(%dma_wait3A_156 : memref<32768xf32, #tpu.memory_space<hbm>>)
    %add3A_157 = arith.constant 224 : i32
    %add3A_158 = arith.addi %add3A_157, %add3A : i32
    %mul3A_159 = arith.constant 32768 : i32
    %mul3A_160 = arith.muli %add3A_158, %mul3A_159 : i32
    %dma_start3A_161 = arith.constant 1 : i32
    %dma_start3A_162 = tpu.memref_slice %arg2[%mul3A_160] : memref<33554432xf32, #tpu.memory_space<hbm>> -> memref<32768xf32, #tpu.memory_space<hbm>>
    %dma_start3A_163 = tpu.memref_slice %arg9[%dma_start3A_161] : memref<3x!tpu.dma_semaphore, #tpu.memory_space<semaphore_mem>> -> memref<1x!tpu.dma_semaphore, #tpu.memory_space<semaphore_mem>>
    %dma_start3A_164 = tpu.memref_squeeze %dma_start3A_163 : memref<1x!tpu.dma_semaphore, #tpu.memory_space<semaphore_mem>> -> memref<!tpu.dma_semaphore, #tpu.memory_space<semaphore_mem>>
    %dma_start3A_165 = tpu.memref_slice %arg2[%mul3A_160] : memref<33554432xf32, #tpu.memory_space<hbm>> -> memref<32768xf32, #tpu.memory_space<hbm>>
    tpu.enqueue_dma source(%dma_start3A_165 : memref<32768xf32, #tpu.memory_space<hbm>>) target(%arg6 : memref<32768xf32, #tpu.memory_space<vmem>>) target_semaphore(%dma_start3A_164 : memref<!tpu.dma_semaphore, #tpu.memory_space<semaphore_mem>>)
    %dma_wait3A_166 = arith.constant 2 : i32
    %dma_wait3A_167 = tpu.memref_slice %arg2[%mul3A_104] : memref<33554432xf32, #tpu.memory_space<hbm>> -> memref<32768xf32, #tpu.memory_space<hbm>>
    %dma_wait3A_168 = tpu.memref_slice %arg9[%dma_wait3A_166] : memref<3x!tpu.dma_semaphore, #tpu.memory_space<semaphore_mem>> -> memref<1x!tpu.dma_semaphore, #tpu.memory_space<semaphore_mem>>
    %dma_wait3A_169 = tpu.memref_squeeze %dma_wait3A_168 : memref<1x!tpu.dma_semaphore, #tpu.memory_space<semaphore_mem>> -> memref<!tpu.dma_semaphore, #tpu.memory_space<semaphore_mem>>
    %dma_wait3A_170 = tpu.memref_slice %arg2[%mul3A_104] : memref<33554432xf32, #tpu.memory_space<hbm>> -> memref<32768xf32, #tpu.memory_space<hbm>>
    tpu.wait_dma2 semaphore(%dma_wait3A_169 : memref<!tpu.dma_semaphore, #tpu.memory_space<semaphore_mem>>) src(%dma_wait3A_170 : memref<32768xf32, #tpu.memory_space<hbm>>) dst(%arg7 : memref<32768xf32, #tpu.memory_space<vmem>>)
    %add3A_171 = arith.constant 160 : i32
    %add3A_172 = arith.addi %add3A_171, %add3A : i32
    %mul3A_173 = arith.constant 32768 : i32
    %mul3A_174 = arith.muli %add3A_172, %mul3A_173 : i32
    %dma_start3A_175 = arith.constant 2 : i32
    %dma_start3A_176 = tpu.memref_slice %arg4[%mul3A_174] : memref<33554432xf32, #tpu.memory_space<hbm>> -> memref<32768xf32, #tpu.memory_space<hbm>>
    %dma_start3A_177 = tpu.memref_slice %arg10[%dma_start3A_175] : memref<3x!tpu.dma_semaphore, #tpu.memory_space<semaphore_mem>> -> memref<1x!tpu.dma_semaphore, #tpu.memory_space<semaphore_mem>>
    %dma_start3A_178 = tpu.memref_squeeze %dma_start3A_177 : memref<1x!tpu.dma_semaphore, #tpu.memory_space<semaphore_mem>> -> memref<!tpu.dma_semaphore, #tpu.memory_space<semaphore_mem>>
    %dma_start3A_179 = tpu.memref_slice %arg4[%mul3A_174] : memref<33554432xf32, #tpu.memory_space<hbm>> -> memref<32768xf32, #tpu.memory_space<hbm>>
    tpu.enqueue_dma source(%arg7 : memref<32768xf32, #tpu.memory_space<vmem>>) target(%dma_start3A_179 : memref<32768xf32, #tpu.memory_space<hbm>>) target_semaphore(%dma_start3A_178 : memref<!tpu.dma_semaphore, #tpu.memory_space<semaphore_mem>>)
    %dma_wait3A_180 = arith.constant 2 : i32
    %dma_wait3A_181 = tpu.memref_slice %arg4[%mul3A_174] : memref<33554432xf32, #tpu.memory_space<hbm>> -> memref<32768xf32, #tpu.memory_space<hbm>>
    %dma_wait3A_182 = tpu.memref_slice %arg10[%dma_wait3A_180] : memref<3x!tpu.dma_semaphore, #tpu.memory_space<semaphore_mem>> -> memref<1x!tpu.dma_semaphore, #tpu.memory_space<semaphore_mem>>
    %dma_wait3A_183 = tpu.memref_squeeze %dma_wait3A_182 : memref<1x!tpu.dma_semaphore, #tpu.memory_space<semaphore_mem>> -> memref<!tpu.dma_semaphore, #tpu.memory_space<semaphore_mem>>
    %dma_wait3A_184 = tpu.memref_slice %arg4[%mul3A_174] : memref<33554432xf32, #tpu.memory_space<hbm>> -> memref<32768xf32, #tpu.memory_space<hbm>>
    tpu.wait_dma2 semaphore(%dma_wait3A_183 : memref<!tpu.dma_semaphore, #tpu.memory_space<semaphore_mem>>) src(%arg7 : memref<32768xf32, #tpu.memory_space<vmem>>) dst(%dma_wait3A_184 : memref<32768xf32, #tpu.memory_space<hbm>>)
    %add3A_185 = arith.constant 256 : i32
    %add3A_186 = arith.addi %add3A_185, %add3A : i32
    %mul3A_187 = arith.constant 32768 : i32
    %mul3A_188 = arith.muli %add3A_186, %mul3A_187 : i32
    %dma_start3A_189 = arith.constant 2 : i32
    %dma_start3A_190 = tpu.memref_slice %arg2[%mul3A_188] : memref<33554432xf32, #tpu.memory_space<hbm>> -> memref<32768xf32, #tpu.memory_space<hbm>>
    %dma_start3A_191 = tpu.memref_slice %arg9[%dma_start3A_189] : memref<3x!tpu.dma_semaphore, #tpu.memory_space<semaphore_mem>> -> memref<1x!tpu.dma_semaphore, #tpu.memory_space<semaphore_mem>>
    %dma_start3A_192 = tpu.memref_squeeze %dma_start3A_191 : memref<1x!tpu.dma_semaphore, #tpu.memory_space<semaphore_mem>> -> memref<!tpu.dma_semaphore, #tpu.memory_space<semaphore_mem>>
    %dma_start3A_193 = tpu.memref_slice %arg2[%mul3A_188] : memref<33554432xf32, #tpu.memory_space<hbm>> -> memref<32768xf32, #tpu.memory_space<hbm>>
    tpu.enqueue_dma source(%dma_start3A_193 : memref<32768xf32, #tpu.memory_space<hbm>>) target(%arg7 : memref<32768xf32, #tpu.memory_space<vmem>>) target_semaphore(%dma_start3A_192 : memref<!tpu.dma_semaphore, #tpu.memory_space<semaphore_mem>>)
    %dma_wait3A_194 = arith.constant 0 : i32
    %dma_wait3A_195 = tpu.memref_slice %arg2[%mul3A_132] : memref<33554432xf32, #tpu.memory_space<hbm>> -> memref<32768xf32, #tpu.memory_space<hbm>>
    %dma_wait3A_196 = tpu.memref_slice %arg9[%dma_wait3A_194] : memref<3x!tpu.dma_semaphore, #tpu.memory_space<semaphore_mem>> -> memref<1x!tpu.dma_semaphore, #tpu.memory_space<semaphore_mem>>
    %dma_wait3A_197 = tpu.memref_squeeze %dma_wait3A_196 : memref<1x!tpu.dma_semaphore, #tpu.memory_space<semaphore_mem>> -> memref<!tpu.dma_semaphore, #tpu.memory_space<semaphore_mem>>
    %dma_wait3A_198 = tpu.memref_slice %arg2[%mul3A_132] : memref<33554432xf32, #tpu.memory_space<hbm>> -> memref<32768xf32, #tpu.memory_space<hbm>>
    tpu.wait_dma2 semaphore(%dma_wait3A_197 : memref<!tpu.dma_semaphore, #tpu.memory_space<semaphore_mem>>) src(%dma_wait3A_198 : memref<32768xf32, #tpu.memory_space<hbm>>) dst(%arg5 : memref<32768xf32, #tpu.memory_space<vmem>>)
    %add3A_199 = arith.constant 192 : i32
    %add3A_200 = arith.addi %add3A_199, %add3A : i32
    %mul3A_201 = arith.constant 32768 : i32
    %mul3A_202 = arith.muli %add3A_200, %mul3A_201 : i32
    %dma_start3A_203 = arith.constant 0 : i32
    %dma_start3A_204 = tpu.memref_slice %arg4[%mul3A_202] : memref<33554432xf32, #tpu.memory_space<hbm>> -> memref<32768xf32, #tpu.memory_space<hbm>>
    %dma_start3A_205 = tpu.memref_slice %arg10[%dma_start3A_203] : memref<3x!tpu.dma_semaphore, #tpu.memory_space<semaphore_mem>> -> memref<1x!tpu.dma_semaphore, #tpu.memory_space<semaphore_mem>>
    %dma_start3A_206 = tpu.memref_squeeze %dma_start3A_205 : memref<1x!tpu.dma_semaphore, #tpu.memory_space<semaphore_mem>> -> memref<!tpu.dma_semaphore, #tpu.memory_space<semaphore_mem>>
    %dma_start3A_207 = tpu.memref_slice %arg4[%mul3A_202] : memref<33554432xf32, #tpu.memory_space<hbm>> -> memref<32768xf32, #tpu.memory_space<hbm>>
    tpu.enqueue_dma source(%arg5 : memref<32768xf32, #tpu.memory_space<vmem>>) target(%dma_start3A_207 : memref<32768xf32, #tpu.memory_space<hbm>>) target_semaphore(%dma_start3A_206 : memref<!tpu.dma_semaphore, #tpu.memory_space<semaphore_mem>>)
    %dma_wait3A_208 = arith.constant 0 : i32
    %dma_wait3A_209 = tpu.memref_slice %arg4[%mul3A_202] : memref<33554432xf32, #tpu.memory_space<hbm>> -> memref<32768xf32, #tpu.memory_space<hbm>>
    %dma_wait3A_210 = tpu.memref_slice %arg10[%dma_wait3A_208] : memref<3x!tpu.dma_semaphore, #tpu.memory_space<semaphore_mem>> -> memref<1x!tpu.dma_semaphore, #tpu.memory_space<semaphore_mem>>
    %dma_wait3A_211 = tpu.memref_squeeze %dma_wait3A_210 : memref<1x!tpu.dma_semaphore, #tpu.memory_space<semaphore_mem>> -> memref<!tpu.dma_semaphore, #tpu.memory_space<semaphore_mem>>
    %dma_wait3A_212 = tpu.memref_slice %arg4[%mul3A_202] : memref<33554432xf32, #tpu.memory_space<hbm>> -> memref<32768xf32, #tpu.memory_space<hbm>>
    tpu.wait_dma2 semaphore(%dma_wait3A_211 : memref<!tpu.dma_semaphore, #tpu.memory_space<semaphore_mem>>) src(%arg5 : memref<32768xf32, #tpu.memory_space<vmem>>) dst(%dma_wait3A_212 : memref<32768xf32, #tpu.memory_space<hbm>>)
    %add3A_213 = arith.constant 288 : i32
    %add3A_214 = arith.addi %add3A_213, %add3A : i32
    %mul3A_215 = arith.constant 32768 : i32
    %mul3A_216 = arith.muli %add3A_214, %mul3A_215 : i32
    %dma_start3A_217 = arith.constant 0 : i32
    %dma_start3A_218 = tpu.memref_slice %arg2[%mul3A_216] : memref<33554432xf32, #tpu.memory_space<hbm>> -> memref<32768xf32, #tpu.memory_space<hbm>>
    %dma_start3A_219 = tpu.memref_slice %arg9[%dma_start3A_217] : memref<3x!tpu.dma_semaphore, #tpu.memory_space<semaphore_mem>> -> memref<1x!tpu.dma_semaphore, #tpu.memory_space<semaphore_mem>>
    %dma_start3A_220 = tpu.memref_squeeze %dma_start3A_219 : memref<1x!tpu.dma_semaphore, #tpu.memory_space<semaphore_mem>> -> memref<!tpu.dma_semaphore, #tpu.memory_space<semaphore_mem>>
    %dma_start3A_221 = tpu.memref_slice %arg2[%mul3A_216] : memref<33554432xf32, #tpu.memory_space<hbm>> -> memref<32768xf32, #tpu.memory_space<hbm>>
    tpu.enqueue_dma source(%dma_start3A_221 : memref<32768xf32, #tpu.memory_space<hbm>>) target(%arg5 : memref<32768xf32, #tpu.memory_space<vmem>>) target_semaphore(%dma_start3A_220 : memref<!tpu.dma_semaphore, #tpu.memory_space<semaphore_mem>>)
    %dma_wait3A_222 = arith.constant 1 : i32
    %dma_wait3A_223 = tpu.memref_slice %arg2[%mul3A_160] : memref<33554432xf32, #tpu.memory_space<hbm>> -> memref<32768xf32, #tpu.memory_space<hbm>>
    %dma_wait3A_224 = tpu.memref_slice %arg9[%dma_wait3A_222] : memref<3x!tpu.dma_semaphore, #tpu.memory_space<semaphore_mem>> -> memref<1x!tpu.dma_semaphore, #tpu.memory_space<semaphore_mem>>
    %dma_wait3A_225 = tpu.memref_squeeze %dma_wait3A_224 : memref<1x!tpu.dma_semaphore, #tpu.memory_space<semaphore_mem>> -> memref<!tpu.dma_semaphore, #tpu.memory_space<semaphore_mem>>
    %dma_wait3A_226 = tpu.memref_slice %arg2[%mul3A_160] : memref<33554432xf32, #tpu.memory_space<hbm>> -> memref<32768xf32, #tpu.memory_space<hbm>>
    tpu.wait_dma2 semaphore(%dma_wait3A_225 : memref<!tpu.dma_semaphore, #tpu.memory_space<semaphore_mem>>) src(%dma_wait3A_226 : memref<32768xf32, #tpu.memory_space<hbm>>) dst(%arg6 : memref<32768xf32, #tpu.memory_space<vmem>>)
    %add3A_227 = arith.constant 224 : i32
    %add3A_228 = arith.addi %add3A_227, %add3A : i32
    %mul3A_229 = arith.constant 32768 : i32
    %mul3A_230 = arith.muli %add3A_228, %mul3A_229 : i32
    %dma_start3A_231 = arith.constant 1 : i32
    %dma_start3A_232 = tpu.memref_slice %arg4[%mul3A_230] : memref<33554432xf32, #tpu.memory_space<hbm>> -> memref<32768xf32, #tpu.memory_space<hbm>>
    %dma_start3A_233 = tpu.memref_slice %arg10[%dma_start3A_231] : memref<3x!tpu.dma_semaphore, #tpu.memory_space<semaphore_mem>> -> memref<1x!tpu.dma_semaphore, #tpu.memory_space<semaphore_mem>>
    %dma_start3A_234 = tpu.memref_squeeze %dma_start3A_233 : memref<1x!tpu.dma_semaphore, #tpu.memory_space<semaphore_mem>> -> memref<!tpu.dma_semaphore, #tpu.memory_space<semaphore_mem>>
    %dma_start3A_235 = tpu.memref_slice %arg4[%mul3A_230] : memref<33554432xf32, #tpu.memory_space<hbm>> -> memref<32768xf32, #tpu.memory_space<hbm>>
    tpu.enqueue_dma source(%arg6 : memref<32768xf32, #tpu.memory_space<vmem>>) target(%dma_start3A_235 : memref<32768xf32, #tpu.memory_space<hbm>>) target_semaphore(%dma_start3A_234 : memref<!tpu.dma_semaphore, #tpu.memory_space<semaphore_mem>>)
    %dma_wait3A_236 = arith.constant 1 : i32
    %dma_wait3A_237 = tpu.memref_slice %arg4[%mul3A_230] : memref<33554432xf32, #tpu.memory_space<hbm>> -> memref<32768xf32, #tpu.memory_space<hbm>>
    %dma_wait3A_238 = tpu.memref_slice %arg10[%dma_wait3A_236] : memref<3x!tpu.dma_semaphore, #tpu.memory_space<semaphore_mem>> -> memref<1x!tpu.dma_semaphore, #tpu.memory_space<semaphore_mem>>
    %dma_wait3A_239 = tpu.memref_squeeze %dma_wait3A_238 : memref<1x!tpu.dma_semaphore, #tpu.memory_space<semaphore_mem>> -> memref<!tpu.dma_semaphore, #tpu.memory_space<semaphore_mem>>
    %dma_wait3A_240 = tpu.memref_slice %arg4[%mul3A_230] : memref<33554432xf32, #tpu.memory_space<hbm>> -> memref<32768xf32, #tpu.memory_space<hbm>>
    tpu.wait_dma2 semaphore(%dma_wait3A_239 : memref<!tpu.dma_semaphore, #tpu.memory_space<semaphore_mem>>) src(%arg6 : memref<32768xf32, #tpu.memory_space<vmem>>) dst(%dma_wait3A_240 : memref<32768xf32, #tpu.memory_space<hbm>>)
    %add3A_241 = arith.constant 320 : i32
    %add3A_242 = arith.addi %add3A_241, %add3A : i32
    %mul3A_243 = arith.constant 32768 : i32
    %mul3A_244 = arith.muli %add3A_242, %mul3A_243 : i32
    %dma_start3A_245 = arith.constant 1 : i32
    %dma_start3A_246 = tpu.memref_slice %arg2[%mul3A_244] : memref<33554432xf32, #tpu.memory_space<hbm>> -> memref<32768xf32, #tpu.memory_space<hbm>>
    %dma_start3A_247 = tpu.memref_slice %arg9[%dma_start3A_245] : memref<3x!tpu.dma_semaphore, #tpu.memory_space<semaphore_mem>> -> memref<1x!tpu.dma_semaphore, #tpu.memory_space<semaphore_mem>>
    %dma_start3A_248 = tpu.memref_squeeze %dma_start3A_247 : memref<1x!tpu.dma_semaphore, #tpu.memory_space<semaphore_mem>> -> memref<!tpu.dma_semaphore, #tpu.memory_space<semaphore_mem>>
    %dma_start3A_249 = tpu.memref_slice %arg2[%mul3A_244] : memref<33554432xf32, #tpu.memory_space<hbm>> -> memref<32768xf32, #tpu.memory_space<hbm>>
    tpu.enqueue_dma source(%dma_start3A_249 : memref<32768xf32, #tpu.memory_space<hbm>>) target(%arg6 : memref<32768xf32, #tpu.memory_space<vmem>>) target_semaphore(%dma_start3A_248 : memref<!tpu.dma_semaphore, #tpu.memory_space<semaphore_mem>>)
    %dma_wait3A_250 = arith.constant 2 : i32
    %dma_wait3A_251 = tpu.memref_slice %arg2[%mul3A_188] : memref<33554432xf32, #tpu.memory_space<hbm>> -> memref<32768xf32, #tpu.memory_space<hbm>>
    %dma_wait3A_252 = tpu.memref_slice %arg9[%dma_wait3A_250] : memref<3x!tpu.dma_semaphore, #tpu.memory_space<semaphore_mem>> -> memref<1x!tpu.dma_semaphore, #tpu.memory_space<semaphore_mem>>
    %dma_wait3A_253 = tpu.memref_squeeze %dma_wait3A_252 : memref<1x!tpu.dma_semaphore, #tpu.memory_space<semaphore_mem>> -> memref<!tpu.dma_semaphore, #tpu.memory_space<semaphore_mem>>
    %dma_wait3A_254 = tpu.memref_slice %arg2[%mul3A_188] : memref<33554432xf32, #tpu.memory_space<hbm>> -> memref<32768xf32, #tpu.memory_space<hbm>>
    tpu.wait_dma2 semaphore(%dma_wait3A_253 : memref<!tpu.dma_semaphore, #tpu.memory_space<semaphore_mem>>) src(%dma_wait3A_254 : memref<32768xf32, #tpu.memory_space<hbm>>) dst(%arg7 : memref<32768xf32, #tpu.memory_space<vmem>>)
    %add3A_255 = arith.constant 256 : i32
    %add3A_256 = arith.addi %add3A_255, %add3A : i32
    %mul3A_257 = arith.constant 32768 : i32
    %mul3A_258 = arith.muli %add3A_256, %mul3A_257 : i32
    %dma_start3A_259 = arith.constant 2 : i32
    %dma_start3A_260 = tpu.memref_slice %arg4[%mul3A_258] : memref<33554432xf32, #tpu.memory_space<hbm>> -> memref<32768xf32, #tpu.memory_space<hbm>>
    %dma_start3A_261 = tpu.memref_slice %arg10[%dma_start3A_259] : memref<3x!tpu.dma_semaphore, #tpu.memory_space<semaphore_mem>> -> memref<1x!tpu.dma_semaphore, #tpu.memory_space<semaphore_mem>>
    %dma_start3A_262 = tpu.memref_squeeze %dma_start3A_261 : memref<1x!tpu.dma_semaphore, #tpu.memory_space<semaphore_mem>> -> memref<!tpu.dma_semaphore, #tpu.memory_space<semaphore_mem>>
    %dma_start3A_263 = tpu.memref_slice %arg4[%mul3A_258] : memref<33554432xf32, #tpu.memory_space<hbm>> -> memref<32768xf32, #tpu.memory_space<hbm>>
    tpu.enqueue_dma source(%arg7 : memref<32768xf32, #tpu.memory_space<vmem>>) target(%dma_start3A_263 : memref<32768xf32, #tpu.memory_space<hbm>>) target_semaphore(%dma_start3A_262 : memref<!tpu.dma_semaphore, #tpu.memory_space<semaphore_mem>>)
    %dma_wait3A_264 = arith.constant 2 : i32
    %dma_wait3A_265 = tpu.memref_slice %arg4[%mul3A_258] : memref<33554432xf32, #tpu.memory_space<hbm>> -> memref<32768xf32, #tpu.memory_space<hbm>>
    %dma_wait3A_266 = tpu.memref_slice %arg10[%dma_wait3A_264] : memref<3x!tpu.dma_semaphore, #tpu.memory_space<semaphore_mem>> -> memref<1x!tpu.dma_semaphore, #tpu.memory_space<semaphore_mem>>
    %dma_wait3A_267 = tpu.memref_squeeze %dma_wait3A_266 : memref<1x!tpu.dma_semaphore, #tpu.memory_space<semaphore_mem>> -> memref<!tpu.dma_semaphore, #tpu.memory_space<semaphore_mem>>
    %dma_wait3A_268 = tpu.memref_slice %arg4[%mul3A_258] : memref<33554432xf32, #tpu.memory_space<hbm>> -> memref<32768xf32, #tpu.memory_space<hbm>>
    tpu.wait_dma2 semaphore(%dma_wait3A_267 : memref<!tpu.dma_semaphore, #tpu.memory_space<semaphore_mem>>) src(%arg7 : memref<32768xf32, #tpu.memory_space<vmem>>) dst(%dma_wait3A_268 : memref<32768xf32, #tpu.memory_space<hbm>>)
    %add3A_269 = arith.constant 352 : i32
    %add3A_270 = arith.addi %add3A_269, %add3A : i32
    %mul3A_271 = arith.constant 32768 : i32
    %mul3A_272 = arith.muli %add3A_270, %mul3A_271 : i32
    %dma_start3A_273 = arith.constant 2 : i32
    %dma_start3A_274 = tpu.memref_slice %arg2[%mul3A_272] : memref<33554432xf32, #tpu.memory_space<hbm>> -> memref<32768xf32, #tpu.memory_space<hbm>>
    %dma_start3A_275 = tpu.memref_slice %arg9[%dma_start3A_273] : memref<3x!tpu.dma_semaphore, #tpu.memory_space<semaphore_mem>> -> memref<1x!tpu.dma_semaphore, #tpu.memory_space<semaphore_mem>>
    %dma_start3A_276 = tpu.memref_squeeze %dma_start3A_275 : memref<1x!tpu.dma_semaphore, #tpu.memory_space<semaphore_mem>> -> memref<!tpu.dma_semaphore, #tpu.memory_space<semaphore_mem>>
    %dma_start3A_277 = tpu.memref_slice %arg2[%mul3A_272] : memref<33554432xf32, #tpu.memory_space<hbm>> -> memref<32768xf32, #tpu.memory_space<hbm>>
    tpu.enqueue_dma source(%dma_start3A_277 : memref<32768xf32, #tpu.memory_space<hbm>>) target(%arg7 : memref<32768xf32, #tpu.memory_space<vmem>>) target_semaphore(%dma_start3A_276 : memref<!tpu.dma_semaphore, #tpu.memory_space<semaphore_mem>>)
    %dma_wait3A_278 = arith.constant 0 : i32
    %dma_wait3A_279 = tpu.memref_slice %arg2[%mul3A_216] : memref<33554432xf32, #tpu.memory_space<hbm>> -> memref<32768xf32, #tpu.memory_space<hbm>>
    %dma_wait3A_280 = tpu.memref_slice %arg9[%dma_wait3A_278] : memref<3x!tpu.dma_semaphore, #tpu.memory_space<semaphore_mem>> -> memref<1x!tpu.dma_semaphore, #tpu.memory_space<semaphore_mem>>
    %dma_wait3A_281 = tpu.memref_squeeze %dma_wait3A_280 : memref<1x!tpu.dma_semaphore, #tpu.memory_space<semaphore_mem>> -> memref<!tpu.dma_semaphore, #tpu.memory_space<semaphore_mem>>
    %dma_wait3A_282 = tpu.memref_slice %arg2[%mul3A_216] : memref<33554432xf32, #tpu.memory_space<hbm>> -> memref<32768xf32, #tpu.memory_space<hbm>>
    tpu.wait_dma2 semaphore(%dma_wait3A_281 : memref<!tpu.dma_semaphore, #tpu.memory_space<semaphore_mem>>) src(%dma_wait3A_282 : memref<32768xf32, #tpu.memory_space<hbm>>) dst(%arg5 : memref<32768xf32, #tpu.memory_space<vmem>>)
    %add3A_283 = arith.constant 288 : i32
    %add3A_284 = arith.addi %add3A_283, %add3A : i32
    %mul3A_285 = arith.constant 32768 : i32
    %mul3A_286 = arith.muli %add3A_284, %mul3A_285 : i32
    %dma_start3A_287 = arith.constant 0 : i32
    %dma_start3A_288 = tpu.memref_slice %arg4[%mul3A_286] : memref<33554432xf32, #tpu.memory_space<hbm>> -> memref<32768xf32, #tpu.memory_space<hbm>>
    %dma_start3A_289 = tpu.memref_slice %arg10[%dma_start3A_287] : memref<3x!tpu.dma_semaphore, #tpu.memory_space<semaphore_mem>> -> memref<1x!tpu.dma_semaphore, #tpu.memory_space<semaphore_mem>>
    %dma_start3A_290 = tpu.memref_squeeze %dma_start3A_289 : memref<1x!tpu.dma_semaphore, #tpu.memory_space<semaphore_mem>> -> memref<!tpu.dma_semaphore, #tpu.memory_space<semaphore_mem>>
    %dma_start3A_291 = tpu.memref_slice %arg4[%mul3A_286] : memref<33554432xf32, #tpu.memory_space<hbm>> -> memref<32768xf32, #tpu.memory_space<hbm>>
    tpu.enqueue_dma source(%arg5 : memref<32768xf32, #tpu.memory_space<vmem>>) target(%dma_start3A_291 : memref<32768xf32, #tpu.memory_space<hbm>>) target_semaphore(%dma_start3A_290 : memref<!tpu.dma_semaphore, #tpu.memory_space<semaphore_mem>>)
    %dma_wait3A_292 = arith.constant 0 : i32
    %dma_wait3A_293 = tpu.memref_slice %arg4[%mul3A_286] : memref<33554432xf32, #tpu.memory_space<hbm>> -> memref<32768xf32, #tpu.memory_space<hbm>>
    %dma_wait3A_294 = tpu.memref_slice %arg10[%dma_wait3A_292] : memref<3x!tpu.dma_semaphore, #tpu.memory_space<semaphore_mem>> -> memref<1x!tpu.dma_semaphore, #tpu.memory_space<semaphore_mem>>
    %dma_wait3A_295 = tpu.memref_squeeze %dma_wait3A_294 : memref<1x!tpu.dma_semaphore, #tpu.memory_space<semaphore_mem>> -> memref<!tpu.dma_semaphore, #tpu.memory_space<semaphore_mem>>
    %dma_wait3A_296 = tpu.memref_slice %arg4[%mul3A_286] : memref<33554432xf32, #tpu.memory_space<hbm>> -> memref<32768xf32, #tpu.memory_space<hbm>>
    tpu.wait_dma2 semaphore(%dma_wait3A_295 : memref<!tpu.dma_semaphore, #tpu.memory_space<semaphore_mem>>) src(%arg5 : memref<32768xf32, #tpu.memory_space<vmem>>) dst(%dma_wait3A_296 : memref<32768xf32, #tpu.memory_space<hbm>>)
    %add3A_297 = arith.constant 384 : i32
    %add3A_298 = arith.addi %add3A_297, %add3A : i32
    %mul3A_299 = arith.constant 32768 : i32
    %mul3A_300 = arith.muli %add3A_298, %mul3A_299 : i32
    %dma_start3A_301 = arith.constant 0 : i32
    %dma_start3A_302 = tpu.memref_slice %arg2[%mul3A_300] : memref<33554432xf32, #tpu.memory_space<hbm>> -> memref<32768xf32, #tpu.memory_space<hbm>>
    %dma_start3A_303 = tpu.memref_slice %arg9[%dma_start3A_301] : memref<3x!tpu.dma_semaphore, #tpu.memory_space<semaphore_mem>> -> memref<1x!tpu.dma_semaphore, #tpu.memory_space<semaphore_mem>>
    %dma_start3A_304 = tpu.memref_squeeze %dma_start3A_303 : memref<1x!tpu.dma_semaphore, #tpu.memory_space<semaphore_mem>> -> memref<!tpu.dma_semaphore, #tpu.memory_space<semaphore_mem>>
    %dma_start3A_305 = tpu.memref_slice %arg2[%mul3A_300] : memref<33554432xf32, #tpu.memory_space<hbm>> -> memref<32768xf32, #tpu.memory_space<hbm>>
    tpu.enqueue_dma source(%dma_start3A_305 : memref<32768xf32, #tpu.memory_space<hbm>>) target(%arg5 : memref<32768xf32, #tpu.memory_space<vmem>>) target_semaphore(%dma_start3A_304 : memref<!tpu.dma_semaphore, #tpu.memory_space<semaphore_mem>>)
    %dma_wait3A_306 = arith.constant 1 : i32
    %dma_wait3A_307 = tpu.memref_slice %arg2[%mul3A_244] : memref<33554432xf32, #tpu.memory_space<hbm>> -> memref<32768xf32, #tpu.memory_space<hbm>>
    %dma_wait3A_308 = tpu.memref_slice %arg9[%dma_wait3A_306] : memref<3x!tpu.dma_semaphore, #tpu.memory_space<semaphore_mem>> -> memref<1x!tpu.dma_semaphore, #tpu.memory_space<semaphore_mem>>
    %dma_wait3A_309 = tpu.memref_squeeze %dma_wait3A_308 : memref<1x!tpu.dma_semaphore, #tpu.memory_space<semaphore_mem>> -> memref<!tpu.dma_semaphore, #tpu.memory_space<semaphore_mem>>
    %dma_wait3A_310 = tpu.memref_slice %arg2[%mul3A_244] : memref<33554432xf32, #tpu.memory_space<hbm>> -> memref<32768xf32, #tpu.memory_space<hbm>>
    tpu.wait_dma2 semaphore(%dma_wait3A_309 : memref<!tpu.dma_semaphore, #tpu.memory_space<semaphore_mem>>) src(%dma_wait3A_310 : memref<32768xf32, #tpu.memory_space<hbm>>) dst(%arg6 : memref<32768xf32, #tpu.memory_space<vmem>>)
    %add3A_311 = arith.constant 320 : i32
    %add3A_312 = arith.addi %add3A_311, %add3A : i32
    %mul3A_313 = arith.constant 32768 : i32
    %mul3A_314 = arith.muli %add3A_312, %mul3A_313 : i32
    %dma_start3A_315 = arith.constant 1 : i32
    %dma_start3A_316 = tpu.memref_slice %arg4[%mul3A_314] : memref<33554432xf32, #tpu.memory_space<hbm>> -> memref<32768xf32, #tpu.memory_space<hbm>>
    %dma_start3A_317 = tpu.memref_slice %arg10[%dma_start3A_315] : memref<3x!tpu.dma_semaphore, #tpu.memory_space<semaphore_mem>> -> memref<1x!tpu.dma_semaphore, #tpu.memory_space<semaphore_mem>>
    %dma_start3A_318 = tpu.memref_squeeze %dma_start3A_317 : memref<1x!tpu.dma_semaphore, #tpu.memory_space<semaphore_mem>> -> memref<!tpu.dma_semaphore, #tpu.memory_space<semaphore_mem>>
    %dma_start3A_319 = tpu.memref_slice %arg4[%mul3A_314] : memref<33554432xf32, #tpu.memory_space<hbm>> -> memref<32768xf32, #tpu.memory_space<hbm>>
    tpu.enqueue_dma source(%arg6 : memref<32768xf32, #tpu.memory_space<vmem>>) target(%dma_start3A_319 : memref<32768xf32, #tpu.memory_space<hbm>>) target_semaphore(%dma_start3A_318 : memref<!tpu.dma_semaphore, #tpu.memory_space<semaphore_mem>>)
    %dma_wait3A_320 = arith.constant 1 : i32
    %dma_wait3A_321 = tpu.memref_slice %arg4[%mul3A_314] : memref<33554432xf32, #tpu.memory_space<hbm>> -> memref<32768xf32, #tpu.memory_space<hbm>>
    %dma_wait3A_322 = tpu.memref_slice %arg10[%dma_wait3A_320] : memref<3x!tpu.dma_semaphore, #tpu.memory_space<semaphore_mem>> -> memref<1x!tpu.dma_semaphore, #tpu.memory_space<semaphore_mem>>
    %dma_wait3A_323 = tpu.memref_squeeze %dma_wait3A_322 : memref<1x!tpu.dma_semaphore, #tpu.memory_space<semaphore_mem>> -> memref<!tpu.dma_semaphore, #tpu.memory_space<semaphore_mem>>
    %dma_wait3A_324 = tpu.memref_slice %arg4[%mul3A_314] : memref<33554432xf32, #tpu.memory_space<hbm>> -> memref<32768xf32, #tpu.memory_space<hbm>>
    tpu.wait_dma2 semaphore(%dma_wait3A_323 : memref<!tpu.dma_semaphore, #tpu.memory_space<semaphore_mem>>) src(%arg6 : memref<32768xf32, #tpu.memory_space<vmem>>) dst(%dma_wait3A_324 : memref<32768xf32, #tpu.memory_space<hbm>>)
    %add3A_325 = arith.constant 416 : i32
    %add3A_326 = arith.addi %add3A_325, %add3A : i32
    %mul3A_327 = arith.constant 32768 : i32
    %mul3A_328 = arith.muli %add3A_326, %mul3A_327 : i32
    %dma_start3A_329 = arith.constant 1 : i32
    %dma_start3A_330 = tpu.memref_slice %arg2[%mul3A_328] : memref<33554432xf32, #tpu.memory_space<hbm>> -> memref<32768xf32, #tpu.memory_space<hbm>>
    %dma_start3A_331 = tpu.memref_slice %arg9[%dma_start3A_329] : memref<3x!tpu.dma_semaphore, #tpu.memory_space<semaphore_mem>> -> memref<1x!tpu.dma_semaphore, #tpu.memory_space<semaphore_mem>>
    %dma_start3A_332 = tpu.memref_squeeze %dma_start3A_331 : memref<1x!tpu.dma_semaphore, #tpu.memory_space<semaphore_mem>> -> memref<!tpu.dma_semaphore, #tpu.memory_space<semaphore_mem>>
    %dma_start3A_333 = tpu.memref_slice %arg2[%mul3A_328] : memref<33554432xf32, #tpu.memory_space<hbm>> -> memref<32768xf32, #tpu.memory_space<hbm>>
    tpu.enqueue_dma source(%dma_start3A_333 : memref<32768xf32, #tpu.memory_space<hbm>>) target(%arg6 : memref<32768xf32, #tpu.memory_space<vmem>>) target_semaphore(%dma_start3A_332 : memref<!tpu.dma_semaphore, #tpu.memory_space<semaphore_mem>>)
    %dma_wait3A_334 = arith.constant 2 : i32
    %dma_wait3A_335 = tpu.memref_slice %arg2[%mul3A_272] : memref<33554432xf32, #tpu.memory_space<hbm>> -> memref<32768xf32, #tpu.memory_space<hbm>>
    %dma_wait3A_336 = tpu.memref_slice %arg9[%dma_wait3A_334] : memref<3x!tpu.dma_semaphore, #tpu.memory_space<semaphore_mem>> -> memref<1x!tpu.dma_semaphore, #tpu.memory_space<semaphore_mem>>
    %dma_wait3A_337 = tpu.memref_squeeze %dma_wait3A_336 : memref<1x!tpu.dma_semaphore, #tpu.memory_space<semaphore_mem>> -> memref<!tpu.dma_semaphore, #tpu.memory_space<semaphore_mem>>
    %dma_wait3A_338 = tpu.memref_slice %arg2[%mul3A_272] : memref<33554432xf32, #tpu.memory_space<hbm>> -> memref<32768xf32, #tpu.memory_space<hbm>>
    tpu.wait_dma2 semaphore(%dma_wait3A_337 : memref<!tpu.dma_semaphore, #tpu.memory_space<semaphore_mem>>) src(%dma_wait3A_338 : memref<32768xf32, #tpu.memory_space<hbm>>) dst(%arg7 : memref<32768xf32, #tpu.memory_space<vmem>>)
    %add3A_339 = arith.constant 352 : i32
    %add3A_340 = arith.addi %add3A_339, %add3A : i32
    %mul3A_341 = arith.constant 32768 : i32
    %mul3A_342 = arith.muli %add3A_340, %mul3A_341 : i32
    %dma_start3A_343 = arith.constant 2 : i32
    %dma_start3A_344 = tpu.memref_slice %arg4[%mul3A_342] : memref<33554432xf32, #tpu.memory_space<hbm>> -> memref<32768xf32, #tpu.memory_space<hbm>>
    %dma_start3A_345 = tpu.memref_slice %arg10[%dma_start3A_343] : memref<3x!tpu.dma_semaphore, #tpu.memory_space<semaphore_mem>> -> memref<1x!tpu.dma_semaphore, #tpu.memory_space<semaphore_mem>>
    %dma_start3A_346 = tpu.memref_squeeze %dma_start3A_345 : memref<1x!tpu.dma_semaphore, #tpu.memory_space<semaphore_mem>> -> memref<!tpu.dma_semaphore, #tpu.memory_space<semaphore_mem>>
    %dma_start3A_347 = tpu.memref_slice %arg4[%mul3A_342] : memref<33554432xf32, #tpu.memory_space<hbm>> -> memref<32768xf32, #tpu.memory_space<hbm>>
    tpu.enqueue_dma source(%arg7 : memref<32768xf32, #tpu.memory_space<vmem>>) target(%dma_start3A_347 : memref<32768xf32, #tpu.memory_space<hbm>>) target_semaphore(%dma_start3A_346 : memref<!tpu.dma_semaphore, #tpu.memory_space<semaphore_mem>>)
    %dma_wait3A_348 = arith.constant 2 : i32
    %dma_wait3A_349 = tpu.memref_slice %arg4[%mul3A_342] : memref<33554432xf32, #tpu.memory_space<hbm>> -> memref<32768xf32, #tpu.memory_space<hbm>>
    %dma_wait3A_350 = tpu.memref_slice %arg10[%dma_wait3A_348] : memref<3x!tpu.dma_semaphore, #tpu.memory_space<semaphore_mem>> -> memref<1x!tpu.dma_semaphore, #tpu.memory_space<semaphore_mem>>
    %dma_wait3A_351 = tpu.memref_squeeze %dma_wait3A_350 : memref<1x!tpu.dma_semaphore, #tpu.memory_space<semaphore_mem>> -> memref<!tpu.dma_semaphore, #tpu.memory_space<semaphore_mem>>
    %dma_wait3A_352 = tpu.memref_slice %arg4[%mul3A_342] : memref<33554432xf32, #tpu.memory_space<hbm>> -> memref<32768xf32, #tpu.memory_space<hbm>>
    tpu.wait_dma2 semaphore(%dma_wait3A_351 : memref<!tpu.dma_semaphore, #tpu.memory_space<semaphore_mem>>) src(%arg7 : memref<32768xf32, #tpu.memory_space<vmem>>) dst(%dma_wait3A_352 : memref<32768xf32, #tpu.memory_space<hbm>>)
    %add3A_353 = arith.constant 448 : i32
    %add3A_354 = arith.addi %add3A_353, %add3A : i32
    %mul3A_355 = arith.constant 32768 : i32
    %mul3A_356 = arith.muli %add3A_354, %mul3A_355 : i32
    %dma_start3A_357 = arith.constant 2 : i32
    %dma_start3A_358 = tpu.memref_slice %arg2[%mul3A_356] : memref<33554432xf32, #tpu.memory_space<hbm>> -> memref<32768xf32, #tpu.memory_space<hbm>>
    %dma_start3A_359 = tpu.memref_slice %arg9[%dma_start3A_357] : memref<3x!tpu.dma_semaphore, #tpu.memory_space<semaphore_mem>> -> memref<1x!tpu.dma_semaphore, #tpu.memory_space<semaphore_mem>>
    %dma_start3A_360 = tpu.memref_squeeze %dma_start3A_359 : memref<1x!tpu.dma_semaphore, #tpu.memory_space<semaphore_mem>> -> memref<!tpu.dma_semaphore, #tpu.memory_space<semaphore_mem>>
    %dma_start3A_361 = tpu.memref_slice %arg2[%mul3A_356] : memref<33554432xf32, #tpu.memory_space<hbm>> -> memref<32768xf32, #tpu.memory_space<hbm>>
    tpu.enqueue_dma source(%dma_start3A_361 : memref<32768xf32, #tpu.memory_space<hbm>>) target(%arg7 : memref<32768xf32, #tpu.memory_space<vmem>>) target_semaphore(%dma_start3A_360 : memref<!tpu.dma_semaphore, #tpu.memory_space<semaphore_mem>>)
    %dma_wait3A_362 = arith.constant 0 : i32
    %dma_wait3A_363 = tpu.memref_slice %arg2[%mul3A_300] : memref<33554432xf32, #tpu.memory_space<hbm>> -> memref<32768xf32, #tpu.memory_space<hbm>>
    %dma_wait3A_364 = tpu.memref_slice %arg9[%dma_wait3A_362] : memref<3x!tpu.dma_semaphore, #tpu.memory_space<semaphore_mem>> -> memref<1x!tpu.dma_semaphore, #tpu.memory_space<semaphore_mem>>
    %dma_wait3A_365 = tpu.memref_squeeze %dma_wait3A_364 : memref<1x!tpu.dma_semaphore, #tpu.memory_space<semaphore_mem>> -> memref<!tpu.dma_semaphore, #tpu.memory_space<semaphore_mem>>
    %dma_wait3A_366 = tpu.memref_slice %arg2[%mul3A_300] : memref<33554432xf32, #tpu.memory_space<hbm>> -> memref<32768xf32, #tpu.memory_space<hbm>>
    tpu.wait_dma2 semaphore(%dma_wait3A_365 : memref<!tpu.dma_semaphore, #tpu.memory_space<semaphore_mem>>) src(%dma_wait3A_366 : memref<32768xf32, #tpu.memory_space<hbm>>) dst(%arg5 : memref<32768xf32, #tpu.memory_space<vmem>>)
    %add3A_367 = arith.constant 384 : i32
    %add3A_368 = arith.addi %add3A_367, %add3A : i32
    %mul3A_369 = arith.constant 32768 : i32
    %mul3A_370 = arith.muli %add3A_368, %mul3A_369 : i32
    %dma_start3A_371 = arith.constant 0 : i32
    %dma_start3A_372 = tpu.memref_slice %arg4[%mul3A_370] : memref<33554432xf32, #tpu.memory_space<hbm>> -> memref<32768xf32, #tpu.memory_space<hbm>>
    %dma_start3A_373 = tpu.memref_slice %arg10[%dma_start3A_371] : memref<3x!tpu.dma_semaphore, #tpu.memory_space<semaphore_mem>> -> memref<1x!tpu.dma_semaphore, #tpu.memory_space<semaphore_mem>>
    %dma_start3A_374 = tpu.memref_squeeze %dma_start3A_373 : memref<1x!tpu.dma_semaphore, #tpu.memory_space<semaphore_mem>> -> memref<!tpu.dma_semaphore, #tpu.memory_space<semaphore_mem>>
    %dma_start3A_375 = tpu.memref_slice %arg4[%mul3A_370] : memref<33554432xf32, #tpu.memory_space<hbm>> -> memref<32768xf32, #tpu.memory_space<hbm>>
    tpu.enqueue_dma source(%arg5 : memref<32768xf32, #tpu.memory_space<vmem>>) target(%dma_start3A_375 : memref<32768xf32, #tpu.memory_space<hbm>>) target_semaphore(%dma_start3A_374 : memref<!tpu.dma_semaphore, #tpu.memory_space<semaphore_mem>>)
    %dma_wait3A_376 = arith.constant 0 : i32
    %dma_wait3A_377 = tpu.memref_slice %arg4[%mul3A_370] : memref<33554432xf32, #tpu.memory_space<hbm>> -> memref<32768xf32, #tpu.memory_space<hbm>>
    %dma_wait3A_378 = tpu.memref_slice %arg10[%dma_wait3A_376] : memref<3x!tpu.dma_semaphore, #tpu.memory_space<semaphore_mem>> -> memref<1x!tpu.dma_semaphore, #tpu.memory_space<semaphore_mem>>
    %dma_wait3A_379 = tpu.memref_squeeze %dma_wait3A_378 : memref<1x!tpu.dma_semaphore, #tpu.memory_space<semaphore_mem>> -> memref<!tpu.dma_semaphore, #tpu.memory_space<semaphore_mem>>
    %dma_wait3A_380 = tpu.memref_slice %arg4[%mul3A_370] : memref<33554432xf32, #tpu.memory_space<hbm>> -> memref<32768xf32, #tpu.memory_space<hbm>>
    tpu.wait_dma2 semaphore(%dma_wait3A_379 : memref<!tpu.dma_semaphore, #tpu.memory_space<semaphore_mem>>) src(%arg5 : memref<32768xf32, #tpu.memory_space<vmem>>) dst(%dma_wait3A_380 : memref<32768xf32, #tpu.memory_space<hbm>>)
    %add3A_381 = arith.constant 480 : i32
    %add3A_382 = arith.addi %add3A_381, %add3A : i32
    %mul3A_383 = arith.constant 32768 : i32
    %mul3A_384 = arith.muli %add3A_382, %mul3A_383 : i32
    %dma_start3A_385 = arith.constant 0 : i32
    %dma_start3A_386 = tpu.memref_slice %arg2[%mul3A_384] : memref<33554432xf32, #tpu.memory_space<hbm>> -> memref<32768xf32, #tpu.memory_space<hbm>>
    %dma_start3A_387 = tpu.memref_slice %arg9[%dma_start3A_385] : memref<3x!tpu.dma_semaphore, #tpu.memory_space<semaphore_mem>> -> memref<1x!tpu.dma_semaphore, #tpu.memory_space<semaphore_mem>>
    %dma_start3A_388 = tpu.memref_squeeze %dma_start3A_387 : memref<1x!tpu.dma_semaphore, #tpu.memory_space<semaphore_mem>> -> memref<!tpu.dma_semaphore, #tpu.memory_space<semaphore_mem>>
    %dma_start3A_389 = tpu.memref_slice %arg2[%mul3A_384] : memref<33554432xf32, #tpu.memory_space<hbm>> -> memref<32768xf32, #tpu.memory_space<hbm>>
    tpu.enqueue_dma source(%dma_start3A_389 : memref<32768xf32, #tpu.memory_space<hbm>>) target(%arg5 : memref<32768xf32, #tpu.memory_space<vmem>>) target_semaphore(%dma_start3A_388 : memref<!tpu.dma_semaphore, #tpu.memory_space<semaphore_mem>>)
    %dma_wait3A_390 = arith.constant 1 : i32
    %dma_wait3A_391 = tpu.memref_slice %arg2[%mul3A_328] : memref<33554432xf32, #tpu.memory_space<hbm>> -> memref<32768xf32, #tpu.memory_space<hbm>>
    %dma_wait3A_392 = tpu.memref_slice %arg9[%dma_wait3A_390] : memref<3x!tpu.dma_semaphore, #tpu.memory_space<semaphore_mem>> -> memref<1x!tpu.dma_semaphore, #tpu.memory_space<semaphore_mem>>
    %dma_wait3A_393 = tpu.memref_squeeze %dma_wait3A_392 : memref<1x!tpu.dma_semaphore, #tpu.memory_space<semaphore_mem>> -> memref<!tpu.dma_semaphore, #tpu.memory_space<semaphore_mem>>
    %dma_wait3A_394 = tpu.memref_slice %arg2[%mul3A_328] : memref<33554432xf32, #tpu.memory_space<hbm>> -> memref<32768xf32, #tpu.memory_space<hbm>>
    tpu.wait_dma2 semaphore(%dma_wait3A_393 : memref<!tpu.dma_semaphore, #tpu.memory_space<semaphore_mem>>) src(%dma_wait3A_394 : memref<32768xf32, #tpu.memory_space<hbm>>) dst(%arg6 : memref<32768xf32, #tpu.memory_space<vmem>>)
    %add3A_395 = arith.constant 416 : i32
    %add3A_396 = arith.addi %add3A_395, %add3A : i32
    %mul3A_397 = arith.constant 32768 : i32
    %mul3A_398 = arith.muli %add3A_396, %mul3A_397 : i32
    %dma_start3A_399 = arith.constant 1 : i32
    %dma_start3A_400 = tpu.memref_slice %arg4[%mul3A_398] : memref<33554432xf32, #tpu.memory_space<hbm>> -> memref<32768xf32, #tpu.memory_space<hbm>>
    %dma_start3A_401 = tpu.memref_slice %arg10[%dma_start3A_399] : memref<3x!tpu.dma_semaphore, #tpu.memory_space<semaphore_mem>> -> memref<1x!tpu.dma_semaphore, #tpu.memory_space<semaphore_mem>>
    %dma_start3A_402 = tpu.memref_squeeze %dma_start3A_401 : memref<1x!tpu.dma_semaphore, #tpu.memory_space<semaphore_mem>> -> memref<!tpu.dma_semaphore, #tpu.memory_space<semaphore_mem>>
    %dma_start3A_403 = tpu.memref_slice %arg4[%mul3A_398] : memref<33554432xf32, #tpu.memory_space<hbm>> -> memref<32768xf32, #tpu.memory_space<hbm>>
    tpu.enqueue_dma source(%arg6 : memref<32768xf32, #tpu.memory_space<vmem>>) target(%dma_start3A_403 : memref<32768xf32, #tpu.memory_space<hbm>>) target_semaphore(%dma_start3A_402 : memref<!tpu.dma_semaphore, #tpu.memory_space<semaphore_mem>>)
    %dma_wait3A_404 = arith.constant 1 : i32
    %dma_wait3A_405 = tpu.memref_slice %arg4[%mul3A_398] : memref<33554432xf32, #tpu.memory_space<hbm>> -> memref<32768xf32, #tpu.memory_space<hbm>>
    %dma_wait3A_406 = tpu.memref_slice %arg10[%dma_wait3A_404] : memref<3x!tpu.dma_semaphore, #tpu.memory_space<semaphore_mem>> -> memref<1x!tpu.dma_semaphore, #tpu.memory_space<semaphore_mem>>
    %dma_wait3A_407 = tpu.memref_squeeze %dma_wait3A_406 : memref<1x!tpu.dma_semaphore, #tpu.memory_space<semaphore_mem>> -> memref<!tpu.dma_semaphore, #tpu.memory_space<semaphore_mem>>
    %dma_wait3A_408 = tpu.memref_slice %arg4[%mul3A_398] : memref<33554432xf32, #tpu.memory_space<hbm>> -> memref<32768xf32, #tpu.memory_space<hbm>>
    tpu.wait_dma2 semaphore(%dma_wait3A_407 : memref<!tpu.dma_semaphore, #tpu.memory_space<semaphore_mem>>) src(%arg6 : memref<32768xf32, #tpu.memory_space<vmem>>) dst(%dma_wait3A_408 : memref<32768xf32, #tpu.memory_space<hbm>>)
    %add3A_409 = arith.constant 512 : i32
    %add3A_410 = arith.addi %add3A_409, %add3A : i32
    %mul3A_411 = arith.constant 32768 : i32
    %mul3A_412 = arith.muli %add3A_410, %mul3A_411 : i32
    %dma_start3A_413 = arith.constant 1 : i32
    %dma_start3A_414 = tpu.memref_slice %arg2[%mul3A_412] : memref<33554432xf32, #tpu.memory_space<hbm>> -> memref<32768xf32, #tpu.memory_space<hbm>>
    %dma_start3A_415 = tpu.memref_slice %arg9[%dma_start3A_413] : memref<3x!tpu.dma_semaphore, #tpu.memory_space<semaphore_mem>> -> memref<1x!tpu.dma_semaphore, #tpu.memory_space<semaphore_mem>>
    %dma_start3A_416 = tpu.memref_squeeze %dma_start3A_415 : memref<1x!tpu.dma_semaphore, #tpu.memory_space<semaphore_mem>> -> memref<!tpu.dma_semaphore, #tpu.memory_space<semaphore_mem>>
    %dma_start3A_417 = tpu.memref_slice %arg2[%mul3A_412] : memref<33554432xf32, #tpu.memory_space<hbm>> -> memref<32768xf32, #tpu.memory_space<hbm>>
    tpu.enqueue_dma source(%dma_start3A_417 : memref<32768xf32, #tpu.memory_space<hbm>>) target(%arg6 : memref<32768xf32, #tpu.memory_space<vmem>>) target_semaphore(%dma_start3A_416 : memref<!tpu.dma_semaphore, #tpu.memory_space<semaphore_mem>>)
    %dma_wait3A_418 = arith.constant 2 : i32
    %dma_wait3A_419 = tpu.memref_slice %arg2[%mul3A_356] : memref<33554432xf32, #tpu.memory_space<hbm>> -> memref<32768xf32, #tpu.memory_space<hbm>>
    %dma_wait3A_420 = tpu.memref_slice %arg9[%dma_wait3A_418] : memref<3x!tpu.dma_semaphore, #tpu.memory_space<semaphore_mem>> -> memref<1x!tpu.dma_semaphore, #tpu.memory_space<semaphore_mem>>
    %dma_wait3A_421 = tpu.memref_squeeze %dma_wait3A_420 : memref<1x!tpu.dma_semaphore, #tpu.memory_space<semaphore_mem>> -> memref<!tpu.dma_semaphore, #tpu.memory_space<semaphore_mem>>
    %dma_wait3A_422 = tpu.memref_slice %arg2[%mul3A_356] : memref<33554432xf32, #tpu.memory_space<hbm>> -> memref<32768xf32, #tpu.memory_space<hbm>>
    tpu.wait_dma2 semaphore(%dma_wait3A_421 : memref<!tpu.dma_semaphore, #tpu.memory_space<semaphore_mem>>) src(%dma_wait3A_422 : memref<32768xf32, #tpu.memory_space<hbm>>) dst(%arg7 : memref<32768xf32, #tpu.memory_space<vmem>>)
    %add3A_423 = arith.constant 448 : i32
    %add3A_424 = arith.addi %add3A_423, %add3A : i32
    %mul3A_425 = arith.constant 32768 : i32
    %mul3A_426 = arith.muli %add3A_424, %mul3A_425 : i32
    %dma_start3A_427 = arith.constant 2 : i32
    %dma_start3A_428 = tpu.memref_slice %arg4[%mul3A_426] : memref<33554432xf32, #tpu.memory_space<hbm>> -> memref<32768xf32, #tpu.memory_space<hbm>>
    %dma_start3A_429 = tpu.memref_slice %arg10[%dma_start3A_427] : memref<3x!tpu.dma_semaphore, #tpu.memory_space<semaphore_mem>> -> memref<1x!tpu.dma_semaphore, #tpu.memory_space<semaphore_mem>>
    %dma_start3A_430 = tpu.memref_squeeze %dma_start3A_429 : memref<1x!tpu.dma_semaphore, #tpu.memory_space<semaphore_mem>> -> memref<!tpu.dma_semaphore, #tpu.memory_space<semaphore_mem>>
    %dma_start3A_431 = tpu.memref_slice %arg4[%mul3A_426] : memref<33554432xf32, #tpu.memory_space<hbm>> -> memref<32768xf32, #tpu.memory_space<hbm>>
    tpu.enqueue_dma source(%arg7 : memref<32768xf32, #tpu.memory_space<vmem>>) target(%dma_start3A_431 : memref<32768xf32, #tpu.memory_space<hbm>>) target_semaphore(%dma_start3A_430 : memref<!tpu.dma_semaphore, #tpu.memory_space<semaphore_mem>>)
    %dma_wait3A_432 = arith.constant 2 : i32
    %dma_wait3A_433 = tpu.memref_slice %arg4[%mul3A_426] : memref<33554432xf32, #tpu.memory_space<hbm>> -> memref<32768xf32, #tpu.memory_space<hbm>>
    %dma_wait3A_434 = tpu.memref_slice %arg10[%dma_wait3A_432] : memref<3x!tpu.dma_semaphore, #tpu.memory_space<semaphore_mem>> -> memref<1x!tpu.dma_semaphore, #tpu.memory_space<semaphore_mem>>
    %dma_wait3A_435 = tpu.memref_squeeze %dma_wait3A_434 : memref<1x!tpu.dma_semaphore, #tpu.memory_space<semaphore_mem>> -> memref<!tpu.dma_semaphore, #tpu.memory_space<semaphore_mem>>
    %dma_wait3A_436 = tpu.memref_slice %arg4[%mul3A_426] : memref<33554432xf32, #tpu.memory_space<hbm>> -> memref<32768xf32, #tpu.memory_space<hbm>>
    tpu.wait_dma2 semaphore(%dma_wait3A_435 : memref<!tpu.dma_semaphore, #tpu.memory_space<semaphore_mem>>) src(%arg7 : memref<32768xf32, #tpu.memory_space<vmem>>) dst(%dma_wait3A_436 : memref<32768xf32, #tpu.memory_space<hbm>>)
    %add3A_437 = arith.constant 544 : i32
    %add3A_438 = arith.addi %add3A_437, %add3A : i32
    %mul3A_439 = arith.constant 32768 : i32
    %mul3A_440 = arith.muli %add3A_438, %mul3A_439 : i32
    %dma_start3A_441 = arith.constant 2 : i32
    %dma_start3A_442 = tpu.memref_slice %arg2[%mul3A_440] : memref<33554432xf32, #tpu.memory_space<hbm>> -> memref<32768xf32, #tpu.memory_space<hbm>>
    %dma_start3A_443 = tpu.memref_slice %arg9[%dma_start3A_441] : memref<3x!tpu.dma_semaphore, #tpu.memory_space<semaphore_mem>> -> memref<1x!tpu.dma_semaphore, #tpu.memory_space<semaphore_mem>>
    %dma_start3A_444 = tpu.memref_squeeze %dma_start3A_443 : memref<1x!tpu.dma_semaphore, #tpu.memory_space<semaphore_mem>> -> memref<!tpu.dma_semaphore, #tpu.memory_space<semaphore_mem>>
    %dma_start3A_445 = tpu.memref_slice %arg2[%mul3A_440] : memref<33554432xf32, #tpu.memory_space<hbm>> -> memref<32768xf32, #tpu.memory_space<hbm>>
    tpu.enqueue_dma source(%dma_start3A_445 : memref<32768xf32, #tpu.memory_space<hbm>>) target(%arg7 : memref<32768xf32, #tpu.memory_space<vmem>>) target_semaphore(%dma_start3A_444 : memref<!tpu.dma_semaphore, #tpu.memory_space<semaphore_mem>>)
    %dma_wait3A_446 = arith.constant 0 : i32
    %dma_wait3A_447 = tpu.memref_slice %arg2[%mul3A_384] : memref<33554432xf32, #tpu.memory_space<hbm>> -> memref<32768xf32, #tpu.memory_space<hbm>>
    %dma_wait3A_448 = tpu.memref_slice %arg9[%dma_wait3A_446] : memref<3x!tpu.dma_semaphore, #tpu.memory_space<semaphore_mem>> -> memref<1x!tpu.dma_semaphore, #tpu.memory_space<semaphore_mem>>
    %dma_wait3A_449 = tpu.memref_squeeze %dma_wait3A_448 : memref<1x!tpu.dma_semaphore, #tpu.memory_space<semaphore_mem>> -> memref<!tpu.dma_semaphore, #tpu.memory_space<semaphore_mem>>
    %dma_wait3A_450 = tpu.memref_slice %arg2[%mul3A_384] : memref<33554432xf32, #tpu.memory_space<hbm>> -> memref<32768xf32, #tpu.memory_space<hbm>>
    tpu.wait_dma2 semaphore(%dma_wait3A_449 : memref<!tpu.dma_semaphore, #tpu.memory_space<semaphore_mem>>) src(%dma_wait3A_450 : memref<32768xf32, #tpu.memory_space<hbm>>) dst(%arg5 : memref<32768xf32, #tpu.memory_space<vmem>>)
    %add3A_451 = arith.constant 480 : i32
    %add3A_452 = arith.addi %add3A_451, %add3A : i32
    %mul3A_453 = arith.constant 32768 : i32
    %mul3A_454 = arith.muli %add3A_452, %mul3A_453 : i32
    %dma_start3A_455 = arith.constant 0 : i32
    %dma_start3A_456 = tpu.memref_slice %arg4[%mul3A_454] : memref<33554432xf32, #tpu.memory_space<hbm>> -> memref<32768xf32, #tpu.memory_space<hbm>>
    %dma_start3A_457 = tpu.memref_slice %arg10[%dma_start3A_455] : memref<3x!tpu.dma_semaphore, #tpu.memory_space<semaphore_mem>> -> memref<1x!tpu.dma_semaphore, #tpu.memory_space<semaphore_mem>>
    %dma_start3A_458 = tpu.memref_squeeze %dma_start3A_457 : memref<1x!tpu.dma_semaphore, #tpu.memory_space<semaphore_mem>> -> memref<!tpu.dma_semaphore, #tpu.memory_space<semaphore_mem>>
    %dma_start3A_459 = tpu.memref_slice %arg4[%mul3A_454] : memref<33554432xf32, #tpu.memory_space<hbm>> -> memref<32768xf32, #tpu.memory_space<hbm>>
    tpu.enqueue_dma source(%arg5 : memref<32768xf32, #tpu.memory_space<vmem>>) target(%dma_start3A_459 : memref<32768xf32, #tpu.memory_space<hbm>>) target_semaphore(%dma_start3A_458 : memref<!tpu.dma_semaphore, #tpu.memory_space<semaphore_mem>>)
    %dma_wait3A_460 = arith.constant 0 : i32
    %dma_wait3A_461 = tpu.memref_slice %arg4[%mul3A_454] : memref<33554432xf32, #tpu.memory_space<hbm>> -> memref<32768xf32, #tpu.memory_space<hbm>>
    %dma_wait3A_462 = tpu.memref_slice %arg10[%dma_wait3A_460] : memref<3x!tpu.dma_semaphore, #tpu.memory_space<semaphore_mem>> -> memref<1x!tpu.dma_semaphore, #tpu.memory_space<semaphore_mem>>
    %dma_wait3A_463 = tpu.memref_squeeze %dma_wait3A_462 : memref<1x!tpu.dma_semaphore, #tpu.memory_space<semaphore_mem>> -> memref<!tpu.dma_semaphore, #tpu.memory_space<semaphore_mem>>
    %dma_wait3A_464 = tpu.memref_slice %arg4[%mul3A_454] : memref<33554432xf32, #tpu.memory_space<hbm>> -> memref<32768xf32, #tpu.memory_space<hbm>>
    tpu.wait_dma2 semaphore(%dma_wait3A_463 : memref<!tpu.dma_semaphore, #tpu.memory_space<semaphore_mem>>) src(%arg5 : memref<32768xf32, #tpu.memory_space<vmem>>) dst(%dma_wait3A_464 : memref<32768xf32, #tpu.memory_space<hbm>>)
    %add3A_465 = arith.constant 576 : i32
    %add3A_466 = arith.addi %add3A_465, %add3A : i32
    %mul3A_467 = arith.constant 32768 : i32
    %mul3A_468 = arith.muli %add3A_466, %mul3A_467 : i32
    %dma_start3A_469 = arith.constant 0 : i32
    %dma_start3A_470 = tpu.memref_slice %arg2[%mul3A_468] : memref<33554432xf32, #tpu.memory_space<hbm>> -> memref<32768xf32, #tpu.memory_space<hbm>>
    %dma_start3A_471 = tpu.memref_slice %arg9[%dma_start3A_469] : memref<3x!tpu.dma_semaphore, #tpu.memory_space<semaphore_mem>> -> memref<1x!tpu.dma_semaphore, #tpu.memory_space<semaphore_mem>>
    %dma_start3A_472 = tpu.memref_squeeze %dma_start3A_471 : memref<1x!tpu.dma_semaphore, #tpu.memory_space<semaphore_mem>> -> memref<!tpu.dma_semaphore, #tpu.memory_space<semaphore_mem>>
    %dma_start3A_473 = tpu.memref_slice %arg2[%mul3A_468] : memref<33554432xf32, #tpu.memory_space<hbm>> -> memref<32768xf32, #tpu.memory_space<hbm>>
    tpu.enqueue_dma source(%dma_start3A_473 : memref<32768xf32, #tpu.memory_space<hbm>>) target(%arg5 : memref<32768xf32, #tpu.memory_space<vmem>>) target_semaphore(%dma_start3A_472 : memref<!tpu.dma_semaphore, #tpu.memory_space<semaphore_mem>>)
    %dma_wait3A_474 = arith.constant 1 : i32
    %dma_wait3A_475 = tpu.memref_slice %arg2[%mul3A_412] : memref<33554432xf32, #tpu.memory_space<hbm>> -> memref<32768xf32, #tpu.memory_space<hbm>>
    %dma_wait3A_476 = tpu.memref_slice %arg9[%dma_wait3A_474] : memref<3x!tpu.dma_semaphore, #tpu.memory_space<semaphore_mem>> -> memref<1x!tpu.dma_semaphore, #tpu.memory_space<semaphore_mem>>
    %dma_wait3A_477 = tpu.memref_squeeze %dma_wait3A_476 : memref<1x!tpu.dma_semaphore, #tpu.memory_space<semaphore_mem>> -> memref<!tpu.dma_semaphore, #tpu.memory_space<semaphore_mem>>
    %dma_wait3A_478 = tpu.memref_slice %arg2[%mul3A_412] : memref<33554432xf32, #tpu.memory_space<hbm>> -> memref<32768xf32, #tpu.memory_space<hbm>>
    tpu.wait_dma2 semaphore(%dma_wait3A_477 : memref<!tpu.dma_semaphore, #tpu.memory_space<semaphore_mem>>) src(%dma_wait3A_478 : memref<32768xf32, #tpu.memory_space<hbm>>) dst(%arg6 : memref<32768xf32, #tpu.memory_space<vmem>>)
    %add3A_479 = arith.constant 512 : i32
    %add3A_480 = arith.addi %add3A_479, %add3A : i32
    %mul3A_481 = arith.constant 32768 : i32
    %mul3A_482 = arith.muli %add3A_480, %mul3A_481 : i32
    %dma_start3A_483 = arith.constant 1 : i32
    %dma_start3A_484 = tpu.memref_slice %arg4[%mul3A_482] : memref<33554432xf32, #tpu.memory_space<hbm>> -> memref<32768xf32, #tpu.memory_space<hbm>>
    %dma_start3A_485 = tpu.memref_slice %arg10[%dma_start3A_483] : memref<3x!tpu.dma_semaphore, #tpu.memory_space<semaphore_mem>> -> memref<1x!tpu.dma_semaphore, #tpu.memory_space<semaphore_mem>>
    %dma_start3A_486 = tpu.memref_squeeze %dma_start3A_485 : memref<1x!tpu.dma_semaphore, #tpu.memory_space<semaphore_mem>> -> memref<!tpu.dma_semaphore, #tpu.memory_space<semaphore_mem>>
    %dma_start3A_487 = tpu.memref_slice %arg4[%mul3A_482] : memref<33554432xf32, #tpu.memory_space<hbm>> -> memref<32768xf32, #tpu.memory_space<hbm>>
    tpu.enqueue_dma source(%arg6 : memref<32768xf32, #tpu.memory_space<vmem>>) target(%dma_start3A_487 : memref<32768xf32, #tpu.memory_space<hbm>>) target_semaphore(%dma_start3A_486 : memref<!tpu.dma_semaphore, #tpu.memory_space<semaphore_mem>>)
    %dma_wait3A_488 = arith.constant 1 : i32
    %dma_wait3A_489 = tpu.memref_slice %arg4[%mul3A_482] : memref<33554432xf32, #tpu.memory_space<hbm>> -> memref<32768xf32, #tpu.memory_space<hbm>>
    %dma_wait3A_490 = tpu.memref_slice %arg10[%dma_wait3A_488] : memref<3x!tpu.dma_semaphore, #tpu.memory_space<semaphore_mem>> -> memref<1x!tpu.dma_semaphore, #tpu.memory_space<semaphore_mem>>
    %dma_wait3A_491 = tpu.memref_squeeze %dma_wait3A_490 : memref<1x!tpu.dma_semaphore, #tpu.memory_space<semaphore_mem>> -> memref<!tpu.dma_semaphore, #tpu.memory_space<semaphore_mem>>
    %dma_wait3A_492 = tpu.memref_slice %arg4[%mul3A_482] : memref<33554432xf32, #tpu.memory_space<hbm>> -> memref<32768xf32, #tpu.memory_space<hbm>>
    tpu.wait_dma2 semaphore(%dma_wait3A_491 : memref<!tpu.dma_semaphore, #tpu.memory_space<semaphore_mem>>) src(%arg6 : memref<32768xf32, #tpu.memory_space<vmem>>) dst(%dma_wait3A_492 : memref<32768xf32, #tpu.memory_space<hbm>>)
    %add3A_493 = arith.constant 608 : i32
    %add3A_494 = arith.addi %add3A_493, %add3A : i32
    %mul3A_495 = arith.constant 32768 : i32
    %mul3A_496 = arith.muli %add3A_494, %mul3A_495 : i32
    %dma_start3A_497 = arith.constant 1 : i32
    %dma_start3A_498 = tpu.memref_slice %arg2[%mul3A_496] : memref<33554432xf32, #tpu.memory_space<hbm>> -> memref<32768xf32, #tpu.memory_space<hbm>>
    %dma_start3A_499 = tpu.memref_slice %arg9[%dma_start3A_497] : memref<3x!tpu.dma_semaphore, #tpu.memory_space<semaphore_mem>> -> memref<1x!tpu.dma_semaphore, #tpu.memory_space<semaphore_mem>>
    %dma_start3A_500 = tpu.memref_squeeze %dma_start3A_499 : memref<1x!tpu.dma_semaphore, #tpu.memory_space<semaphore_mem>> -> memref<!tpu.dma_semaphore, #tpu.memory_space<semaphore_mem>>
    %dma_start3A_501 = tpu.memref_slice %arg2[%mul3A_496] : memref<33554432xf32, #tpu.memory_space<hbm>> -> memref<32768xf32, #tpu.memory_space<hbm>>
    tpu.enqueue_dma source(%dma_start3A_501 : memref<32768xf32, #tpu.memory_space<hbm>>) target(%arg6 : memref<32768xf32, #tpu.memory_space<vmem>>) target_semaphore(%dma_start3A_500 : memref<!tpu.dma_semaphore, #tpu.memory_space<semaphore_mem>>)
    %dma_wait3A_502 = arith.constant 2 : i32
    %dma_wait3A_503 = tpu.memref_slice %arg2[%mul3A_440] : memref<33554432xf32, #tpu.memory_space<hbm>> -> memref<32768xf32, #tpu.memory_space<hbm>>
    %dma_wait3A_504 = tpu.memref_slice %arg9[%dma_wait3A_502] : memref<3x!tpu.dma_semaphore, #tpu.memory_space<semaphore_mem>> -> memref<1x!tpu.dma_semaphore, #tpu.memory_space<semaphore_mem>>
    %dma_wait3A_505 = tpu.memref_squeeze %dma_wait3A_504 : memref<1x!tpu.dma_semaphore, #tpu.memory_space<semaphore_mem>> -> memref<!tpu.dma_semaphore, #tpu.memory_space<semaphore_mem>>
    %dma_wait3A_506 = tpu.memref_slice %arg2[%mul3A_440] : memref<33554432xf32, #tpu.memory_space<hbm>> -> memref<32768xf32, #tpu.memory_space<hbm>>
    tpu.wait_dma2 semaphore(%dma_wait3A_505 : memref<!tpu.dma_semaphore, #tpu.memory_space<semaphore_mem>>) src(%dma_wait3A_506 : memref<32768xf32, #tpu.memory_space<hbm>>) dst(%arg7 : memref<32768xf32, #tpu.memory_space<vmem>>)
    %add3A_507 = arith.constant 544 : i32
    %add3A_508 = arith.addi %add3A_507, %add3A : i32
    %mul3A_509 = arith.constant 32768 : i32
    %mul3A_510 = arith.muli %add3A_508, %mul3A_509 : i32
    %dma_start3A_511 = arith.constant 2 : i32
    %dma_start3A_512 = tpu.memref_slice %arg4[%mul3A_510] : memref<33554432xf32, #tpu.memory_space<hbm>> -> memref<32768xf32, #tpu.memory_space<hbm>>
    %dma_start3A_513 = tpu.memref_slice %arg10[%dma_start3A_511] : memref<3x!tpu.dma_semaphore, #tpu.memory_space<semaphore_mem>> -> memref<1x!tpu.dma_semaphore, #tpu.memory_space<semaphore_mem>>
    %dma_start3A_514 = tpu.memref_squeeze %dma_start3A_513 : memref<1x!tpu.dma_semaphore, #tpu.memory_space<semaphore_mem>> -> memref<!tpu.dma_semaphore, #tpu.memory_space<semaphore_mem>>
    %dma_start3A_515 = tpu.memref_slice %arg4[%mul3A_510] : memref<33554432xf32, #tpu.memory_space<hbm>> -> memref<32768xf32, #tpu.memory_space<hbm>>
    tpu.enqueue_dma source(%arg7 : memref<32768xf32, #tpu.memory_space<vmem>>) target(%dma_start3A_515 : memref<32768xf32, #tpu.memory_space<hbm>>) target_semaphore(%dma_start3A_514 : memref<!tpu.dma_semaphore, #tpu.memory_space<semaphore_mem>>)
    %dma_wait3A_516 = arith.constant 2 : i32
    %dma_wait3A_517 = tpu.memref_slice %arg4[%mul3A_510] : memref<33554432xf32, #tpu.memory_space<hbm>> -> memref<32768xf32, #tpu.memory_space<hbm>>
    %dma_wait3A_518 = tpu.memref_slice %arg10[%dma_wait3A_516] : memref<3x!tpu.dma_semaphore, #tpu.memory_space<semaphore_mem>> -> memref<1x!tpu.dma_semaphore, #tpu.memory_space<semaphore_mem>>
    %dma_wait3A_519 = tpu.memref_squeeze %dma_wait3A_518 : memref<1x!tpu.dma_semaphore, #tpu.memory_space<semaphore_mem>> -> memref<!tpu.dma_semaphore, #tpu.memory_space<semaphore_mem>>
    %dma_wait3A_520 = tpu.memref_slice %arg4[%mul3A_510] : memref<33554432xf32, #tpu.memory_space<hbm>> -> memref<32768xf32, #tpu.memory_space<hbm>>
    tpu.wait_dma2 semaphore(%dma_wait3A_519 : memref<!tpu.dma_semaphore, #tpu.memory_space<semaphore_mem>>) src(%arg7 : memref<32768xf32, #tpu.memory_space<vmem>>) dst(%dma_wait3A_520 : memref<32768xf32, #tpu.memory_space<hbm>>)
    %add3A_521 = arith.constant 640 : i32
    %add3A_522 = arith.addi %add3A_521, %add3A : i32
    %mul3A_523 = arith.constant 32768 : i32
    %mul3A_524 = arith.muli %add3A_522, %mul3A_523 : i32
    %dma_start3A_525 = arith.constant 2 : i32
    %dma_start3A_526 = tpu.memref_slice %arg2[%mul3A_524] : memref<33554432xf32, #tpu.memory_space<hbm>> -> memref<32768xf32, #tpu.memory_space<hbm>>
    %dma_start3A_527 = tpu.memref_slice %arg9[%dma_start3A_525] : memref<3x!tpu.dma_semaphore, #tpu.memory_space<semaphore_mem>> -> memref<1x!tpu.dma_semaphore, #tpu.memory_space<semaphore_mem>>
    %dma_start3A_528 = tpu.memref_squeeze %dma_start3A_527 : memref<1x!tpu.dma_semaphore, #tpu.memory_space<semaphore_mem>> -> memref<!tpu.dma_semaphore, #tpu.memory_space<semaphore_mem>>
    %dma_start3A_529 = tpu.memref_slice %arg2[%mul3A_524] : memref<33554432xf32, #tpu.memory_space<hbm>> -> memref<32768xf32, #tpu.memory_space<hbm>>
    tpu.enqueue_dma source(%dma_start3A_529 : memref<32768xf32, #tpu.memory_space<hbm>>) target(%arg7 : memref<32768xf32, #tpu.memory_space<vmem>>) target_semaphore(%dma_start3A_528 : memref<!tpu.dma_semaphore, #tpu.memory_space<semaphore_mem>>)
    %dma_wait3A_530 = arith.constant 0 : i32
    %dma_wait3A_531 = tpu.memref_slice %arg2[%mul3A_468] : memref<33554432xf32, #tpu.memory_space<hbm>> -> memref<32768xf32, #tpu.memory_space<hbm>>
    %dma_wait3A_532 = tpu.memref_slice %arg9[%dma_wait3A_530] : memref<3x!tpu.dma_semaphore, #tpu.memory_space<semaphore_mem>> -> memref<1x!tpu.dma_semaphore, #tpu.memory_space<semaphore_mem>>
    %dma_wait3A_533 = tpu.memref_squeeze %dma_wait3A_532 : memref<1x!tpu.dma_semaphore, #tpu.memory_space<semaphore_mem>> -> memref<!tpu.dma_semaphore, #tpu.memory_space<semaphore_mem>>
    %dma_wait3A_534 = tpu.memref_slice %arg2[%mul3A_468] : memref<33554432xf32, #tpu.memory_space<hbm>> -> memref<32768xf32, #tpu.memory_space<hbm>>
    tpu.wait_dma2 semaphore(%dma_wait3A_533 : memref<!tpu.dma_semaphore, #tpu.memory_space<semaphore_mem>>) src(%dma_wait3A_534 : memref<32768xf32, #tpu.memory_space<hbm>>) dst(%arg5 : memref<32768xf32, #tpu.memory_space<vmem>>)
    %add3A_535 = arith.constant 576 : i32
    %add3A_536 = arith.addi %add3A_535, %add3A : i32
    %mul3A_537 = arith.constant 32768 : i32
    %mul3A_538 = arith.muli %add3A_536, %mul3A_537 : i32
    %dma_start3A_539 = arith.constant 0 : i32
    %dma_start3A_540 = tpu.memref_slice %arg4[%mul3A_538] : memref<33554432xf32, #tpu.memory_space<hbm>> -> memref<32768xf32, #tpu.memory_space<hbm>>
    %dma_start3A_541 = tpu.memref_slice %arg10[%dma_start3A_539] : memref<3x!tpu.dma_semaphore, #tpu.memory_space<semaphore_mem>> -> memref<1x!tpu.dma_semaphore, #tpu.memory_space<semaphore_mem>>
    %dma_start3A_542 = tpu.memref_squeeze %dma_start3A_541 : memref<1x!tpu.dma_semaphore, #tpu.memory_space<semaphore_mem>> -> memref<!tpu.dma_semaphore, #tpu.memory_space<semaphore_mem>>
    %dma_start3A_543 = tpu.memref_slice %arg4[%mul3A_538] : memref<33554432xf32, #tpu.memory_space<hbm>> -> memref<32768xf32, #tpu.memory_space<hbm>>
    tpu.enqueue_dma source(%arg5 : memref<32768xf32, #tpu.memory_space<vmem>>) target(%dma_start3A_543 : memref<32768xf32, #tpu.memory_space<hbm>>) target_semaphore(%dma_start3A_542 : memref<!tpu.dma_semaphore, #tpu.memory_space<semaphore_mem>>)
    %dma_wait3A_544 = arith.constant 0 : i32
    %dma_wait3A_545 = tpu.memref_slice %arg4[%mul3A_538] : memref<33554432xf32, #tpu.memory_space<hbm>> -> memref<32768xf32, #tpu.memory_space<hbm>>
    %dma_wait3A_546 = tpu.memref_slice %arg10[%dma_wait3A_544] : memref<3x!tpu.dma_semaphore, #tpu.memory_space<semaphore_mem>> -> memref<1x!tpu.dma_semaphore, #tpu.memory_space<semaphore_mem>>
    %dma_wait3A_547 = tpu.memref_squeeze %dma_wait3A_546 : memref<1x!tpu.dma_semaphore, #tpu.memory_space<semaphore_mem>> -> memref<!tpu.dma_semaphore, #tpu.memory_space<semaphore_mem>>
    %dma_wait3A_548 = tpu.memref_slice %arg4[%mul3A_538] : memref<33554432xf32, #tpu.memory_space<hbm>> -> memref<32768xf32, #tpu.memory_space<hbm>>
    tpu.wait_dma2 semaphore(%dma_wait3A_547 : memref<!tpu.dma_semaphore, #tpu.memory_space<semaphore_mem>>) src(%arg5 : memref<32768xf32, #tpu.memory_space<vmem>>) dst(%dma_wait3A_548 : memref<32768xf32, #tpu.memory_space<hbm>>)
    %add3A_549 = arith.constant 672 : i32
    %add3A_550 = arith.addi %add3A_549, %add3A : i32
    %mul3A_551 = arith.constant 32768 : i32
    %mul3A_552 = arith.muli %add3A_550, %mul3A_551 : i32
    %dma_start3A_553 = arith.constant 0 : i32
    %dma_start3A_554 = tpu.memref_slice %arg2[%mul3A_552] : memref<33554432xf32, #tpu.memory_space<hbm>> -> memref<32768xf32, #tpu.memory_space<hbm>>
    %dma_start3A_555 = tpu.memref_slice %arg9[%dma_start3A_553] : memref<3x!tpu.dma_semaphore, #tpu.memory_space<semaphore_mem>> -> memref<1x!tpu.dma_semaphore, #tpu.memory_space<semaphore_mem>>
    %dma_start3A_556 = tpu.memref_squeeze %dma_start3A_555 : memref<1x!tpu.dma_semaphore, #tpu.memory_space<semaphore_mem>> -> memref<!tpu.dma_semaphore, #tpu.memory_space<semaphore_mem>>
    %dma_start3A_557 = tpu.memref_slice %arg2[%mul3A_552] : memref<33554432xf32, #tpu.memory_space<hbm>> -> memref<32768xf32, #tpu.memory_space<hbm>>
    tpu.enqueue_dma source(%dma_start3A_557 : memref<32768xf32, #tpu.memory_space<hbm>>) target(%arg5 : memref<32768xf32, #tpu.memory_space<vmem>>) target_semaphore(%dma_start3A_556 : memref<!tpu.dma_semaphore, #tpu.memory_space<semaphore_mem>>)
    %dma_wait3A_558 = arith.constant 1 : i32
    %dma_wait3A_559 = tpu.memref_slice %arg2[%mul3A_496] : memref<33554432xf32, #tpu.memory_space<hbm>> -> memref<32768xf32, #tpu.memory_space<hbm>>
    %dma_wait3A_560 = tpu.memref_slice %arg9[%dma_wait3A_558] : memref<3x!tpu.dma_semaphore, #tpu.memory_space<semaphore_mem>> -> memref<1x!tpu.dma_semaphore, #tpu.memory_space<semaphore_mem>>
    %dma_wait3A_561 = tpu.memref_squeeze %dma_wait3A_560 : memref<1x!tpu.dma_semaphore, #tpu.memory_space<semaphore_mem>> -> memref<!tpu.dma_semaphore, #tpu.memory_space<semaphore_mem>>
    %dma_wait3A_562 = tpu.memref_slice %arg2[%mul3A_496] : memref<33554432xf32, #tpu.memory_space<hbm>> -> memref<32768xf32, #tpu.memory_space<hbm>>
    tpu.wait_dma2 semaphore(%dma_wait3A_561 : memref<!tpu.dma_semaphore, #tpu.memory_space<semaphore_mem>>) src(%dma_wait3A_562 : memref<32768xf32, #tpu.memory_space<hbm>>) dst(%arg6 : memref<32768xf32, #tpu.memory_space<vmem>>)
    %add3A_563 = arith.constant 608 : i32
    %add3A_564 = arith.addi %add3A_563, %add3A : i32
    %mul3A_565 = arith.constant 32768 : i32
    %mul3A_566 = arith.muli %add3A_564, %mul3A_565 : i32
    %dma_start3A_567 = arith.constant 1 : i32
    %dma_start3A_568 = tpu.memref_slice %arg4[%mul3A_566] : memref<33554432xf32, #tpu.memory_space<hbm>> -> memref<32768xf32, #tpu.memory_space<hbm>>
    %dma_start3A_569 = tpu.memref_slice %arg10[%dma_start3A_567] : memref<3x!tpu.dma_semaphore, #tpu.memory_space<semaphore_mem>> -> memref<1x!tpu.dma_semaphore, #tpu.memory_space<semaphore_mem>>
    %dma_start3A_570 = tpu.memref_squeeze %dma_start3A_569 : memref<1x!tpu.dma_semaphore, #tpu.memory_space<semaphore_mem>> -> memref<!tpu.dma_semaphore, #tpu.memory_space<semaphore_mem>>
    %dma_start3A_571 = tpu.memref_slice %arg4[%mul3A_566] : memref<33554432xf32, #tpu.memory_space<hbm>> -> memref<32768xf32, #tpu.memory_space<hbm>>
    tpu.enqueue_dma source(%arg6 : memref<32768xf32, #tpu.memory_space<vmem>>) target(%dma_start3A_571 : memref<32768xf32, #tpu.memory_space<hbm>>) target_semaphore(%dma_start3A_570 : memref<!tpu.dma_semaphore, #tpu.memory_space<semaphore_mem>>)
    %dma_wait3A_572 = arith.constant 1 : i32
    %dma_wait3A_573 = tpu.memref_slice %arg4[%mul3A_566] : memref<33554432xf32, #tpu.memory_space<hbm>> -> memref<32768xf32, #tpu.memory_space<hbm>>
    %dma_wait3A_574 = tpu.memref_slice %arg10[%dma_wait3A_572] : memref<3x!tpu.dma_semaphore, #tpu.memory_space<semaphore_mem>> -> memref<1x!tpu.dma_semaphore, #tpu.memory_space<semaphore_mem>>
    %dma_wait3A_575 = tpu.memref_squeeze %dma_wait3A_574 : memref<1x!tpu.dma_semaphore, #tpu.memory_space<semaphore_mem>> -> memref<!tpu.dma_semaphore, #tpu.memory_space<semaphore_mem>>
    %dma_wait3A_576 = tpu.memref_slice %arg4[%mul3A_566] : memref<33554432xf32, #tpu.memory_space<hbm>> -> memref<32768xf32, #tpu.memory_space<hbm>>
    tpu.wait_dma2 semaphore(%dma_wait3A_575 : memref<!tpu.dma_semaphore, #tpu.memory_space<semaphore_mem>>) src(%arg6 : memref<32768xf32, #tpu.memory_space<vmem>>) dst(%dma_wait3A_576 : memref<32768xf32, #tpu.memory_space<hbm>>)
    %add3A_577 = arith.constant 704 : i32
    %add3A_578 = arith.addi %add3A_577, %add3A : i32
    %mul3A_579 = arith.constant 32768 : i32
    %mul3A_580 = arith.muli %add3A_578, %mul3A_579 : i32
    %dma_start3A_581 = arith.constant 1 : i32
    %dma_start3A_582 = tpu.memref_slice %arg2[%mul3A_580] : memref<33554432xf32, #tpu.memory_space<hbm>> -> memref<32768xf32, #tpu.memory_space<hbm>>
    %dma_start3A_583 = tpu.memref_slice %arg9[%dma_start3A_581] : memref<3x!tpu.dma_semaphore, #tpu.memory_space<semaphore_mem>> -> memref<1x!tpu.dma_semaphore, #tpu.memory_space<semaphore_mem>>
    %dma_start3A_584 = tpu.memref_squeeze %dma_start3A_583 : memref<1x!tpu.dma_semaphore, #tpu.memory_space<semaphore_mem>> -> memref<!tpu.dma_semaphore, #tpu.memory_space<semaphore_mem>>
    %dma_start3A_585 = tpu.memref_slice %arg2[%mul3A_580] : memref<33554432xf32, #tpu.memory_space<hbm>> -> memref<32768xf32, #tpu.memory_space<hbm>>
    tpu.enqueue_dma source(%dma_start3A_585 : memref<32768xf32, #tpu.memory_space<hbm>>) target(%arg6 : memref<32768xf32, #tpu.memory_space<vmem>>) target_semaphore(%dma_start3A_584 : memref<!tpu.dma_semaphore, #tpu.memory_space<semaphore_mem>>)
    %dma_wait3A_586 = arith.constant 2 : i32
    %dma_wait3A_587 = tpu.memref_slice %arg2[%mul3A_524] : memref<33554432xf32, #tpu.memory_space<hbm>> -> memref<32768xf32, #tpu.memory_space<hbm>>
    %dma_wait3A_588 = tpu.memref_slice %arg9[%dma_wait3A_586] : memref<3x!tpu.dma_semaphore, #tpu.memory_space<semaphore_mem>> -> memref<1x!tpu.dma_semaphore, #tpu.memory_space<semaphore_mem>>
    %dma_wait3A_589 = tpu.memref_squeeze %dma_wait3A_588 : memref<1x!tpu.dma_semaphore, #tpu.memory_space<semaphore_mem>> -> memref<!tpu.dma_semaphore, #tpu.memory_space<semaphore_mem>>
    %dma_wait3A_590 = tpu.memref_slice %arg2[%mul3A_524] : memref<33554432xf32, #tpu.memory_space<hbm>> -> memref<32768xf32, #tpu.memory_space<hbm>>
    tpu.wait_dma2 semaphore(%dma_wait3A_589 : memref<!tpu.dma_semaphore, #tpu.memory_space<semaphore_mem>>) src(%dma_wait3A_590 : memref<32768xf32, #tpu.memory_space<hbm>>) dst(%arg7 : memref<32768xf32, #tpu.memory_space<vmem>>)
    %add3A_591 = arith.constant 640 : i32
    %add3A_592 = arith.addi %add3A_591, %add3A : i32
    %mul3A_593 = arith.constant 32768 : i32
    %mul3A_594 = arith.muli %add3A_592, %mul3A_593 : i32
    %dma_start3A_595 = arith.constant 2 : i32
    %dma_start3A_596 = tpu.memref_slice %arg4[%mul3A_594] : memref<33554432xf32, #tpu.memory_space<hbm>> -> memref<32768xf32, #tpu.memory_space<hbm>>
    %dma_start3A_597 = tpu.memref_slice %arg10[%dma_start3A_595] : memref<3x!tpu.dma_semaphore, #tpu.memory_space<semaphore_mem>> -> memref<1x!tpu.dma_semaphore, #tpu.memory_space<semaphore_mem>>
    %dma_start3A_598 = tpu.memref_squeeze %dma_start3A_597 : memref<1x!tpu.dma_semaphore, #tpu.memory_space<semaphore_mem>> -> memref<!tpu.dma_semaphore, #tpu.memory_space<semaphore_mem>>
    %dma_start3A_599 = tpu.memref_slice %arg4[%mul3A_594] : memref<33554432xf32, #tpu.memory_space<hbm>> -> memref<32768xf32, #tpu.memory_space<hbm>>
    tpu.enqueue_dma source(%arg7 : memref<32768xf32, #tpu.memory_space<vmem>>) target(%dma_start3A_599 : memref<32768xf32, #tpu.memory_space<hbm>>) target_semaphore(%dma_start3A_598 : memref<!tpu.dma_semaphore, #tpu.memory_space<semaphore_mem>>)
    %dma_wait3A_600 = arith.constant 2 : i32
    %dma_wait3A_601 = tpu.memref_slice %arg4[%mul3A_594] : memref<33554432xf32, #tpu.memory_space<hbm>> -> memref<32768xf32, #tpu.memory_space<hbm>>
    %dma_wait3A_602 = tpu.memref_slice %arg10[%dma_wait3A_600] : memref<3x!tpu.dma_semaphore, #tpu.memory_space<semaphore_mem>> -> memref<1x!tpu.dma_semaphore, #tpu.memory_space<semaphore_mem>>
    %dma_wait3A_603 = tpu.memref_squeeze %dma_wait3A_602 : memref<1x!tpu.dma_semaphore, #tpu.memory_space<semaphore_mem>> -> memref<!tpu.dma_semaphore, #tpu.memory_space<semaphore_mem>>
    %dma_wait3A_604 = tpu.memref_slice %arg4[%mul3A_594] : memref<33554432xf32, #tpu.memory_space<hbm>> -> memref<32768xf32, #tpu.memory_space<hbm>>
    tpu.wait_dma2 semaphore(%dma_wait3A_603 : memref<!tpu.dma_semaphore, #tpu.memory_space<semaphore_mem>>) src(%arg7 : memref<32768xf32, #tpu.memory_space<vmem>>) dst(%dma_wait3A_604 : memref<32768xf32, #tpu.memory_space<hbm>>)
    %add3A_605 = arith.constant 736 : i32
    %add3A_606 = arith.addi %add3A_605, %add3A : i32
    %mul3A_607 = arith.constant 32768 : i32
    %mul3A_608 = arith.muli %add3A_606, %mul3A_607 : i32
    %dma_start3A_609 = arith.constant 2 : i32
    %dma_start3A_610 = tpu.memref_slice %arg2[%mul3A_608] : memref<33554432xf32, #tpu.memory_space<hbm>> -> memref<32768xf32, #tpu.memory_space<hbm>>
    %dma_start3A_611 = tpu.memref_slice %arg9[%dma_start3A_609] : memref<3x!tpu.dma_semaphore, #tpu.memory_space<semaphore_mem>> -> memref<1x!tpu.dma_semaphore, #tpu.memory_space<semaphore_mem>>
    %dma_start3A_612 = tpu.memref_squeeze %dma_start3A_611 : memref<1x!tpu.dma_semaphore, #tpu.memory_space<semaphore_mem>> -> memref<!tpu.dma_semaphore, #tpu.memory_space<semaphore_mem>>
    %dma_start3A_613 = tpu.memref_slice %arg2[%mul3A_608] : memref<33554432xf32, #tpu.memory_space<hbm>> -> memref<32768xf32, #tpu.memory_space<hbm>>
    tpu.enqueue_dma source(%dma_start3A_613 : memref<32768xf32, #tpu.memory_space<hbm>>) target(%arg7 : memref<32768xf32, #tpu.memory_space<vmem>>) target_semaphore(%dma_start3A_612 : memref<!tpu.dma_semaphore, #tpu.memory_space<semaphore_mem>>)
    %dma_wait3A_614 = arith.constant 0 : i32
    %dma_wait3A_615 = tpu.memref_slice %arg2[%mul3A_552] : memref<33554432xf32, #tpu.memory_space<hbm>> -> memref<32768xf32, #tpu.memory_space<hbm>>
    %dma_wait3A_616 = tpu.memref_slice %arg9[%dma_wait3A_614] : memref<3x!tpu.dma_semaphore, #tpu.memory_space<semaphore_mem>> -> memref<1x!tpu.dma_semaphore, #tpu.memory_space<semaphore_mem>>
    %dma_wait3A_617 = tpu.memref_squeeze %dma_wait3A_616 : memref<1x!tpu.dma_semaphore, #tpu.memory_space<semaphore_mem>> -> memref<!tpu.dma_semaphore, #tpu.memory_space<semaphore_mem>>
    %dma_wait3A_618 = tpu.memref_slice %arg2[%mul3A_552] : memref<33554432xf32, #tpu.memory_space<hbm>> -> memref<32768xf32, #tpu.memory_space<hbm>>
    tpu.wait_dma2 semaphore(%dma_wait3A_617 : memref<!tpu.dma_semaphore, #tpu.memory_space<semaphore_mem>>) src(%dma_wait3A_618 : memref<32768xf32, #tpu.memory_space<hbm>>) dst(%arg5 : memref<32768xf32, #tpu.memory_space<vmem>>)
    %add3A_619 = arith.constant 672 : i32
    %add3A_620 = arith.addi %add3A_619, %add3A : i32
    %mul3A_621 = arith.constant 32768 : i32
    %mul3A_622 = arith.muli %add3A_620, %mul3A_621 : i32
    %dma_start3A_623 = arith.constant 0 : i32
    %dma_start3A_624 = tpu.memref_slice %arg4[%mul3A_622] : memref<33554432xf32, #tpu.memory_space<hbm>> -> memref<32768xf32, #tpu.memory_space<hbm>>
    %dma_start3A_625 = tpu.memref_slice %arg10[%dma_start3A_623] : memref<3x!tpu.dma_semaphore, #tpu.memory_space<semaphore_mem>> -> memref<1x!tpu.dma_semaphore, #tpu.memory_space<semaphore_mem>>
    %dma_start3A_626 = tpu.memref_squeeze %dma_start3A_625 : memref<1x!tpu.dma_semaphore, #tpu.memory_space<semaphore_mem>> -> memref<!tpu.dma_semaphore, #tpu.memory_space<semaphore_mem>>
    %dma_start3A_627 = tpu.memref_slice %arg4[%mul3A_622] : memref<33554432xf32, #tpu.memory_space<hbm>> -> memref<32768xf32, #tpu.memory_space<hbm>>
    tpu.enqueue_dma source(%arg5 : memref<32768xf32, #tpu.memory_space<vmem>>) target(%dma_start3A_627 : memref<32768xf32, #tpu.memory_space<hbm>>) target_semaphore(%dma_start3A_626 : memref<!tpu.dma_semaphore, #tpu.memory_space<semaphore_mem>>)
    %dma_wait3A_628 = arith.constant 0 : i32
    %dma_wait3A_629 = tpu.memref_slice %arg4[%mul3A_622] : memref<33554432xf32, #tpu.memory_space<hbm>> -> memref<32768xf32, #tpu.memory_space<hbm>>
    %dma_wait3A_630 = tpu.memref_slice %arg10[%dma_wait3A_628] : memref<3x!tpu.dma_semaphore, #tpu.memory_space<semaphore_mem>> -> memref<1x!tpu.dma_semaphore, #tpu.memory_space<semaphore_mem>>
    %dma_wait3A_631 = tpu.memref_squeeze %dma_wait3A_630 : memref<1x!tpu.dma_semaphore, #tpu.memory_space<semaphore_mem>> -> memref<!tpu.dma_semaphore, #tpu.memory_space<semaphore_mem>>
    %dma_wait3A_632 = tpu.memref_slice %arg4[%mul3A_622] : memref<33554432xf32, #tpu.memory_space<hbm>> -> memref<32768xf32, #tpu.memory_space<hbm>>
    tpu.wait_dma2 semaphore(%dma_wait3A_631 : memref<!tpu.dma_semaphore, #tpu.memory_space<semaphore_mem>>) src(%arg5 : memref<32768xf32, #tpu.memory_space<vmem>>) dst(%dma_wait3A_632 : memref<32768xf32, #tpu.memory_space<hbm>>)
    %add3A_633 = arith.constant 768 : i32
    %add3A_634 = arith.addi %add3A_633, %add3A : i32
    %mul3A_635 = arith.constant 32768 : i32
    %mul3A_636 = arith.muli %add3A_634, %mul3A_635 : i32
    %dma_start3A_637 = arith.constant 0 : i32
    %dma_start3A_638 = tpu.memref_slice %arg2[%mul3A_636] : memref<33554432xf32, #tpu.memory_space<hbm>> -> memref<32768xf32, #tpu.memory_space<hbm>>
    %dma_start3A_639 = tpu.memref_slice %arg9[%dma_start3A_637] : memref<3x!tpu.dma_semaphore, #tpu.memory_space<semaphore_mem>> -> memref<1x!tpu.dma_semaphore, #tpu.memory_space<semaphore_mem>>
    %dma_start3A_640 = tpu.memref_squeeze %dma_start3A_639 : memref<1x!tpu.dma_semaphore, #tpu.memory_space<semaphore_mem>> -> memref<!tpu.dma_semaphore, #tpu.memory_space<semaphore_mem>>
    %dma_start3A_641 = tpu.memref_slice %arg2[%mul3A_636] : memref<33554432xf32, #tpu.memory_space<hbm>> -> memref<32768xf32, #tpu.memory_space<hbm>>
    tpu.enqueue_dma source(%dma_start3A_641 : memref<32768xf32, #tpu.memory_space<hbm>>) target(%arg5 : memref<32768xf32, #tpu.memory_space<vmem>>) target_semaphore(%dma_start3A_640 : memref<!tpu.dma_semaphore, #tpu.memory_space<semaphore_mem>>)
    %dma_wait3A_642 = arith.constant 1 : i32
    %dma_wait3A_643 = tpu.memref_slice %arg2[%mul3A_580] : memref<33554432xf32, #tpu.memory_space<hbm>> -> memref<32768xf32, #tpu.memory_space<hbm>>
    %dma_wait3A_644 = tpu.memref_slice %arg9[%dma_wait3A_642] : memref<3x!tpu.dma_semaphore, #tpu.memory_space<semaphore_mem>> -> memref<1x!tpu.dma_semaphore, #tpu.memory_space<semaphore_mem>>
    %dma_wait3A_645 = tpu.memref_squeeze %dma_wait3A_644 : memref<1x!tpu.dma_semaphore, #tpu.memory_space<semaphore_mem>> -> memref<!tpu.dma_semaphore, #tpu.memory_space<semaphore_mem>>
    %dma_wait3A_646 = tpu.memref_slice %arg2[%mul3A_580] : memref<33554432xf32, #tpu.memory_space<hbm>> -> memref<32768xf32, #tpu.memory_space<hbm>>
    tpu.wait_dma2 semaphore(%dma_wait3A_645 : memref<!tpu.dma_semaphore, #tpu.memory_space<semaphore_mem>>) src(%dma_wait3A_646 : memref<32768xf32, #tpu.memory_space<hbm>>) dst(%arg6 : memref<32768xf32, #tpu.memory_space<vmem>>)
    %add3A_647 = arith.constant 704 : i32
    %add3A_648 = arith.addi %add3A_647, %add3A : i32
    %mul3A_649 = arith.constant 32768 : i32
    %mul3A_650 = arith.muli %add3A_648, %mul3A_649 : i32
    %dma_start3A_651 = arith.constant 1 : i32
    %dma_start3A_652 = tpu.memref_slice %arg4[%mul3A_650] : memref<33554432xf32, #tpu.memory_space<hbm>> -> memref<32768xf32, #tpu.memory_space<hbm>>
    %dma_start3A_653 = tpu.memref_slice %arg10[%dma_start3A_651] : memref<3x!tpu.dma_semaphore, #tpu.memory_space<semaphore_mem>> -> memref<1x!tpu.dma_semaphore, #tpu.memory_space<semaphore_mem>>
    %dma_start3A_654 = tpu.memref_squeeze %dma_start3A_653 : memref<1x!tpu.dma_semaphore, #tpu.memory_space<semaphore_mem>> -> memref<!tpu.dma_semaphore, #tpu.memory_space<semaphore_mem>>
    %dma_start3A_655 = tpu.memref_slice %arg4[%mul3A_650] : memref<33554432xf32, #tpu.memory_space<hbm>> -> memref<32768xf32, #tpu.memory_space<hbm>>
    tpu.enqueue_dma source(%arg6 : memref<32768xf32, #tpu.memory_space<vmem>>) target(%dma_start3A_655 : memref<32768xf32, #tpu.memory_space<hbm>>) target_semaphore(%dma_start3A_654 : memref<!tpu.dma_semaphore, #tpu.memory_space<semaphore_mem>>)
    %dma_wait3A_656 = arith.constant 1 : i32
    %dma_wait3A_657 = tpu.memref_slice %arg4[%mul3A_650] : memref<33554432xf32, #tpu.memory_space<hbm>> -> memref<32768xf32, #tpu.memory_space<hbm>>
    %dma_wait3A_658 = tpu.memref_slice %arg10[%dma_wait3A_656] : memref<3x!tpu.dma_semaphore, #tpu.memory_space<semaphore_mem>> -> memref<1x!tpu.dma_semaphore, #tpu.memory_space<semaphore_mem>>
    %dma_wait3A_659 = tpu.memref_squeeze %dma_wait3A_658 : memref<1x!tpu.dma_semaphore, #tpu.memory_space<semaphore_mem>> -> memref<!tpu.dma_semaphore, #tpu.memory_space<semaphore_mem>>
    %dma_wait3A_660 = tpu.memref_slice %arg4[%mul3A_650] : memref<33554432xf32, #tpu.memory_space<hbm>> -> memref<32768xf32, #tpu.memory_space<hbm>>
    tpu.wait_dma2 semaphore(%dma_wait3A_659 : memref<!tpu.dma_semaphore, #tpu.memory_space<semaphore_mem>>) src(%arg6 : memref<32768xf32, #tpu.memory_space<vmem>>) dst(%dma_wait3A_660 : memref<32768xf32, #tpu.memory_space<hbm>>)
    %add3A_661 = arith.constant 800 : i32
    %add3A_662 = arith.addi %add3A_661, %add3A : i32
    %mul3A_663 = arith.constant 32768 : i32
    %mul3A_664 = arith.muli %add3A_662, %mul3A_663 : i32
    %dma_start3A_665 = arith.constant 1 : i32
    %dma_start3A_666 = tpu.memref_slice %arg2[%mul3A_664] : memref<33554432xf32, #tpu.memory_space<hbm>> -> memref<32768xf32, #tpu.memory_space<hbm>>
    %dma_start3A_667 = tpu.memref_slice %arg9[%dma_start3A_665] : memref<3x!tpu.dma_semaphore, #tpu.memory_space<semaphore_mem>> -> memref<1x!tpu.dma_semaphore, #tpu.memory_space<semaphore_mem>>
    %dma_start3A_668 = tpu.memref_squeeze %dma_start3A_667 : memref<1x!tpu.dma_semaphore, #tpu.memory_space<semaphore_mem>> -> memref<!tpu.dma_semaphore, #tpu.memory_space<semaphore_mem>>
    %dma_start3A_669 = tpu.memref_slice %arg2[%mul3A_664] : memref<33554432xf32, #tpu.memory_space<hbm>> -> memref<32768xf32, #tpu.memory_space<hbm>>
    tpu.enqueue_dma source(%dma_start3A_669 : memref<32768xf32, #tpu.memory_space<hbm>>) target(%arg6 : memref<32768xf32, #tpu.memory_space<vmem>>) target_semaphore(%dma_start3A_668 : memref<!tpu.dma_semaphore, #tpu.memory_space<semaphore_mem>>)
    %dma_wait3A_670 = arith.constant 2 : i32
    %dma_wait3A_671 = tpu.memref_slice %arg2[%mul3A_608] : memref<33554432xf32, #tpu.memory_space<hbm>> -> memref<32768xf32, #tpu.memory_space<hbm>>
    %dma_wait3A_672 = tpu.memref_slice %arg9[%dma_wait3A_670] : memref<3x!tpu.dma_semaphore, #tpu.memory_space<semaphore_mem>> -> memref<1x!tpu.dma_semaphore, #tpu.memory_space<semaphore_mem>>
    %dma_wait3A_673 = tpu.memref_squeeze %dma_wait3A_672 : memref<1x!tpu.dma_semaphore, #tpu.memory_space<semaphore_mem>> -> memref<!tpu.dma_semaphore, #tpu.memory_space<semaphore_mem>>
    %dma_wait3A_674 = tpu.memref_slice %arg2[%mul3A_608] : memref<33554432xf32, #tpu.memory_space<hbm>> -> memref<32768xf32, #tpu.memory_space<hbm>>
    tpu.wait_dma2 semaphore(%dma_wait3A_673 : memref<!tpu.dma_semaphore, #tpu.memory_space<semaphore_mem>>) src(%dma_wait3A_674 : memref<32768xf32, #tpu.memory_space<hbm>>) dst(%arg7 : memref<32768xf32, #tpu.memory_space<vmem>>)
    %add3A_675 = arith.constant 736 : i32
    %add3A_676 = arith.addi %add3A_675, %add3A : i32
    %mul3A_677 = arith.constant 32768 : i32
    %mul3A_678 = arith.muli %add3A_676, %mul3A_677 : i32
    %dma_start3A_679 = arith.constant 2 : i32
    %dma_start3A_680 = tpu.memref_slice %arg4[%mul3A_678] : memref<33554432xf32, #tpu.memory_space<hbm>> -> memref<32768xf32, #tpu.memory_space<hbm>>
    %dma_start3A_681 = tpu.memref_slice %arg10[%dma_start3A_679] : memref<3x!tpu.dma_semaphore, #tpu.memory_space<semaphore_mem>> -> memref<1x!tpu.dma_semaphore, #tpu.memory_space<semaphore_mem>>
    %dma_start3A_682 = tpu.memref_squeeze %dma_start3A_681 : memref<1x!tpu.dma_semaphore, #tpu.memory_space<semaphore_mem>> -> memref<!tpu.dma_semaphore, #tpu.memory_space<semaphore_mem>>
    %dma_start3A_683 = tpu.memref_slice %arg4[%mul3A_678] : memref<33554432xf32, #tpu.memory_space<hbm>> -> memref<32768xf32, #tpu.memory_space<hbm>>
    tpu.enqueue_dma source(%arg7 : memref<32768xf32, #tpu.memory_space<vmem>>) target(%dma_start3A_683 : memref<32768xf32, #tpu.memory_space<hbm>>) target_semaphore(%dma_start3A_682 : memref<!tpu.dma_semaphore, #tpu.memory_space<semaphore_mem>>)
    %dma_wait3A_684 = arith.constant 2 : i32
    %dma_wait3A_685 = tpu.memref_slice %arg4[%mul3A_678] : memref<33554432xf32, #tpu.memory_space<hbm>> -> memref<32768xf32, #tpu.memory_space<hbm>>
    %dma_wait3A_686 = tpu.memref_slice %arg10[%dma_wait3A_684] : memref<3x!tpu.dma_semaphore, #tpu.memory_space<semaphore_mem>> -> memref<1x!tpu.dma_semaphore, #tpu.memory_space<semaphore_mem>>
    %dma_wait3A_687 = tpu.memref_squeeze %dma_wait3A_686 : memref<1x!tpu.dma_semaphore, #tpu.memory_space<semaphore_mem>> -> memref<!tpu.dma_semaphore, #tpu.memory_space<semaphore_mem>>
    %dma_wait3A_688 = tpu.memref_slice %arg4[%mul3A_678] : memref<33554432xf32, #tpu.memory_space<hbm>> -> memref<32768xf32, #tpu.memory_space<hbm>>
    tpu.wait_dma2 semaphore(%dma_wait3A_687 : memref<!tpu.dma_semaphore, #tpu.memory_space<semaphore_mem>>) src(%arg7 : memref<32768xf32, #tpu.memory_space<vmem>>) dst(%dma_wait3A_688 : memref<32768xf32, #tpu.memory_space<hbm>>)
    %add3A_689 = arith.constant 832 : i32
    %add3A_690 = arith.addi %add3A_689, %add3A : i32
    %mul3A_691 = arith.constant 32768 : i32
    %mul3A_692 = arith.muli %add3A_690, %mul3A_691 : i32
    %dma_start3A_693 = arith.constant 2 : i32
    %dma_start3A_694 = tpu.memref_slice %arg2[%mul3A_692] : memref<33554432xf32, #tpu.memory_space<hbm>> -> memref<32768xf32, #tpu.memory_space<hbm>>
    %dma_start3A_695 = tpu.memref_slice %arg9[%dma_start3A_693] : memref<3x!tpu.dma_semaphore, #tpu.memory_space<semaphore_mem>> -> memref<1x!tpu.dma_semaphore, #tpu.memory_space<semaphore_mem>>
    %dma_start3A_696 = tpu.memref_squeeze %dma_start3A_695 : memref<1x!tpu.dma_semaphore, #tpu.memory_space<semaphore_mem>> -> memref<!tpu.dma_semaphore, #tpu.memory_space<semaphore_mem>>
    %dma_start3A_697 = tpu.memref_slice %arg2[%mul3A_692] : memref<33554432xf32, #tpu.memory_space<hbm>> -> memref<32768xf32, #tpu.memory_space<hbm>>
    tpu.enqueue_dma source(%dma_start3A_697 : memref<32768xf32, #tpu.memory_space<hbm>>) target(%arg7 : memref<32768xf32, #tpu.memory_space<vmem>>) target_semaphore(%dma_start3A_696 : memref<!tpu.dma_semaphore, #tpu.memory_space<semaphore_mem>>)
    %dma_wait3A_698 = arith.constant 0 : i32
    %dma_wait3A_699 = tpu.memref_slice %arg2[%mul3A_636] : memref<33554432xf32, #tpu.memory_space<hbm>> -> memref<32768xf32, #tpu.memory_space<hbm>>
    %dma_wait3A_700 = tpu.memref_slice %arg9[%dma_wait3A_698] : memref<3x!tpu.dma_semaphore, #tpu.memory_space<semaphore_mem>> -> memref<1x!tpu.dma_semaphore, #tpu.memory_space<semaphore_mem>>
    %dma_wait3A_701 = tpu.memref_squeeze %dma_wait3A_700 : memref<1x!tpu.dma_semaphore, #tpu.memory_space<semaphore_mem>> -> memref<!tpu.dma_semaphore, #tpu.memory_space<semaphore_mem>>
    %dma_wait3A_702 = tpu.memref_slice %arg2[%mul3A_636] : memref<33554432xf32, #tpu.memory_space<hbm>> -> memref<32768xf32, #tpu.memory_space<hbm>>
    tpu.wait_dma2 semaphore(%dma_wait3A_701 : memref<!tpu.dma_semaphore, #tpu.memory_space<semaphore_mem>>) src(%dma_wait3A_702 : memref<32768xf32, #tpu.memory_space<hbm>>) dst(%arg5 : memref<32768xf32, #tpu.memory_space<vmem>>)
    %add3A_703 = arith.constant 768 : i32
    %add3A_704 = arith.addi %add3A_703, %add3A : i32
    %mul3A_705 = arith.constant 32768 : i32
    %mul3A_706 = arith.muli %add3A_704, %mul3A_705 : i32
    %dma_start3A_707 = arith.constant 0 : i32
    %dma_start3A_708 = tpu.memref_slice %arg4[%mul3A_706] : memref<33554432xf32, #tpu.memory_space<hbm>> -> memref<32768xf32, #tpu.memory_space<hbm>>
    %dma_start3A_709 = tpu.memref_slice %arg10[%dma_start3A_707] : memref<3x!tpu.dma_semaphore, #tpu.memory_space<semaphore_mem>> -> memref<1x!tpu.dma_semaphore, #tpu.memory_space<semaphore_mem>>
    %dma_start3A_710 = tpu.memref_squeeze %dma_start3A_709 : memref<1x!tpu.dma_semaphore, #tpu.memory_space<semaphore_mem>> -> memref<!tpu.dma_semaphore, #tpu.memory_space<semaphore_mem>>
    %dma_start3A_711 = tpu.memref_slice %arg4[%mul3A_706] : memref<33554432xf32, #tpu.memory_space<hbm>> -> memref<32768xf32, #tpu.memory_space<hbm>>
    tpu.enqueue_dma source(%arg5 : memref<32768xf32, #tpu.memory_space<vmem>>) target(%dma_start3A_711 : memref<32768xf32, #tpu.memory_space<hbm>>) target_semaphore(%dma_start3A_710 : memref<!tpu.dma_semaphore, #tpu.memory_space<semaphore_mem>>)
    %dma_wait3A_712 = arith.constant 0 : i32
    %dma_wait3A_713 = tpu.memref_slice %arg4[%mul3A_706] : memref<33554432xf32, #tpu.memory_space<hbm>> -> memref<32768xf32, #tpu.memory_space<hbm>>
    %dma_wait3A_714 = tpu.memref_slice %arg10[%dma_wait3A_712] : memref<3x!tpu.dma_semaphore, #tpu.memory_space<semaphore_mem>> -> memref<1x!tpu.dma_semaphore, #tpu.memory_space<semaphore_mem>>
    %dma_wait3A_715 = tpu.memref_squeeze %dma_wait3A_714 : memref<1x!tpu.dma_semaphore, #tpu.memory_space<semaphore_mem>> -> memref<!tpu.dma_semaphore, #tpu.memory_space<semaphore_mem>>
    %dma_wait3A_716 = tpu.memref_slice %arg4[%mul3A_706] : memref<33554432xf32, #tpu.memory_space<hbm>> -> memref<32768xf32, #tpu.memory_space<hbm>>
    tpu.wait_dma2 semaphore(%dma_wait3A_715 : memref<!tpu.dma_semaphore, #tpu.memory_space<semaphore_mem>>) src(%arg5 : memref<32768xf32, #tpu.memory_space<vmem>>) dst(%dma_wait3A_716 : memref<32768xf32, #tpu.memory_space<hbm>>)
    %add3A_717 = arith.constant 864 : i32
    %add3A_718 = arith.addi %add3A_717, %add3A : i32
    %mul3A_719 = arith.constant 32768 : i32
    %mul3A_720 = arith.muli %add3A_718, %mul3A_719 : i32
    %dma_start3A_721 = arith.constant 0 : i32
    %dma_start3A_722 = tpu.memref_slice %arg2[%mul3A_720] : memref<33554432xf32, #tpu.memory_space<hbm>> -> memref<32768xf32, #tpu.memory_space<hbm>>
    %dma_start3A_723 = tpu.memref_slice %arg9[%dma_start3A_721] : memref<3x!tpu.dma_semaphore, #tpu.memory_space<semaphore_mem>> -> memref<1x!tpu.dma_semaphore, #tpu.memory_space<semaphore_mem>>
    %dma_start3A_724 = tpu.memref_squeeze %dma_start3A_723 : memref<1x!tpu.dma_semaphore, #tpu.memory_space<semaphore_mem>> -> memref<!tpu.dma_semaphore, #tpu.memory_space<semaphore_mem>>
    %dma_start3A_725 = tpu.memref_slice %arg2[%mul3A_720] : memref<33554432xf32, #tpu.memory_space<hbm>> -> memref<32768xf32, #tpu.memory_space<hbm>>
    tpu.enqueue_dma source(%dma_start3A_725 : memref<32768xf32, #tpu.memory_space<hbm>>) target(%arg5 : memref<32768xf32, #tpu.memory_space<vmem>>) target_semaphore(%dma_start3A_724 : memref<!tpu.dma_semaphore, #tpu.memory_space<semaphore_mem>>)
    %dma_wait3A_726 = arith.constant 1 : i32
    %dma_wait3A_727 = tpu.memref_slice %arg2[%mul3A_664] : memref<33554432xf32, #tpu.memory_space<hbm>> -> memref<32768xf32, #tpu.memory_space<hbm>>
    %dma_wait3A_728 = tpu.memref_slice %arg9[%dma_wait3A_726] : memref<3x!tpu.dma_semaphore, #tpu.memory_space<semaphore_mem>> -> memref<1x!tpu.dma_semaphore, #tpu.memory_space<semaphore_mem>>
    %dma_wait3A_729 = tpu.memref_squeeze %dma_wait3A_728 : memref<1x!tpu.dma_semaphore, #tpu.memory_space<semaphore_mem>> -> memref<!tpu.dma_semaphore, #tpu.memory_space<semaphore_mem>>
    %dma_wait3A_730 = tpu.memref_slice %arg2[%mul3A_664] : memref<33554432xf32, #tpu.memory_space<hbm>> -> memref<32768xf32, #tpu.memory_space<hbm>>
    tpu.wait_dma2 semaphore(%dma_wait3A_729 : memref<!tpu.dma_semaphore, #tpu.memory_space<semaphore_mem>>) src(%dma_wait3A_730 : memref<32768xf32, #tpu.memory_space<hbm>>) dst(%arg6 : memref<32768xf32, #tpu.memory_space<vmem>>)
    %add3A_731 = arith.constant 800 : i32
    %add3A_732 = arith.addi %add3A_731, %add3A : i32
    %mul3A_733 = arith.constant 32768 : i32
    %mul3A_734 = arith.muli %add3A_732, %mul3A_733 : i32
    %dma_start3A_735 = arith.constant 1 : i32
    %dma_start3A_736 = tpu.memref_slice %arg4[%mul3A_734] : memref<33554432xf32, #tpu.memory_space<hbm>> -> memref<32768xf32, #tpu.memory_space<hbm>>
    %dma_start3A_737 = tpu.memref_slice %arg10[%dma_start3A_735] : memref<3x!tpu.dma_semaphore, #tpu.memory_space<semaphore_mem>> -> memref<1x!tpu.dma_semaphore, #tpu.memory_space<semaphore_mem>>
    %dma_start3A_738 = tpu.memref_squeeze %dma_start3A_737 : memref<1x!tpu.dma_semaphore, #tpu.memory_space<semaphore_mem>> -> memref<!tpu.dma_semaphore, #tpu.memory_space<semaphore_mem>>
    %dma_start3A_739 = tpu.memref_slice %arg4[%mul3A_734] : memref<33554432xf32, #tpu.memory_space<hbm>> -> memref<32768xf32, #tpu.memory_space<hbm>>
    tpu.enqueue_dma source(%arg6 : memref<32768xf32, #tpu.memory_space<vmem>>) target(%dma_start3A_739 : memref<32768xf32, #tpu.memory_space<hbm>>) target_semaphore(%dma_start3A_738 : memref<!tpu.dma_semaphore, #tpu.memory_space<semaphore_mem>>)
    %dma_wait3A_740 = arith.constant 1 : i32
    %dma_wait3A_741 = tpu.memref_slice %arg4[%mul3A_734] : memref<33554432xf32, #tpu.memory_space<hbm>> -> memref<32768xf32, #tpu.memory_space<hbm>>
    %dma_wait3A_742 = tpu.memref_slice %arg10[%dma_wait3A_740] : memref<3x!tpu.dma_semaphore, #tpu.memory_space<semaphore_mem>> -> memref<1x!tpu.dma_semaphore, #tpu.memory_space<semaphore_mem>>
    %dma_wait3A_743 = tpu.memref_squeeze %dma_wait3A_742 : memref<1x!tpu.dma_semaphore, #tpu.memory_space<semaphore_mem>> -> memref<!tpu.dma_semaphore, #tpu.memory_space<semaphore_mem>>
    %dma_wait3A_744 = tpu.memref_slice %arg4[%mul3A_734] : memref<33554432xf32, #tpu.memory_space<hbm>> -> memref<32768xf32, #tpu.memory_space<hbm>>
    tpu.wait_dma2 semaphore(%dma_wait3A_743 : memref<!tpu.dma_semaphore, #tpu.memory_space<semaphore_mem>>) src(%arg6 : memref<32768xf32, #tpu.memory_space<vmem>>) dst(%dma_wait3A_744 : memref<32768xf32, #tpu.memory_space<hbm>>)
    %add3A_745 = arith.constant 896 : i32
    %add3A_746 = arith.addi %add3A_745, %add3A : i32
    %mul3A_747 = arith.constant 32768 : i32
    %mul3A_748 = arith.muli %add3A_746, %mul3A_747 : i32
    %dma_start3A_749 = arith.constant 1 : i32
    %dma_start3A_750 = tpu.memref_slice %arg2[%mul3A_748] : memref<33554432xf32, #tpu.memory_space<hbm>> -> memref<32768xf32, #tpu.memory_space<hbm>>
    %dma_start3A_751 = tpu.memref_slice %arg9[%dma_start3A_749] : memref<3x!tpu.dma_semaphore, #tpu.memory_space<semaphore_mem>> -> memref<1x!tpu.dma_semaphore, #tpu.memory_space<semaphore_mem>>
    %dma_start3A_752 = tpu.memref_squeeze %dma_start3A_751 : memref<1x!tpu.dma_semaphore, #tpu.memory_space<semaphore_mem>> -> memref<!tpu.dma_semaphore, #tpu.memory_space<semaphore_mem>>
    %dma_start3A_753 = tpu.memref_slice %arg2[%mul3A_748] : memref<33554432xf32, #tpu.memory_space<hbm>> -> memref<32768xf32, #tpu.memory_space<hbm>>
    tpu.enqueue_dma source(%dma_start3A_753 : memref<32768xf32, #tpu.memory_space<hbm>>) target(%arg6 : memref<32768xf32, #tpu.memory_space<vmem>>) target_semaphore(%dma_start3A_752 : memref<!tpu.dma_semaphore, #tpu.memory_space<semaphore_mem>>)
    %dma_wait3A_754 = arith.constant 2 : i32
    %dma_wait3A_755 = tpu.memref_slice %arg2[%mul3A_692] : memref<33554432xf32, #tpu.memory_space<hbm>> -> memref<32768xf32, #tpu.memory_space<hbm>>
    %dma_wait3A_756 = tpu.memref_slice %arg9[%dma_wait3A_754] : memref<3x!tpu.dma_semaphore, #tpu.memory_space<semaphore_mem>> -> memref<1x!tpu.dma_semaphore, #tpu.memory_space<semaphore_mem>>
    %dma_wait3A_757 = tpu.memref_squeeze %dma_wait3A_756 : memref<1x!tpu.dma_semaphore, #tpu.memory_space<semaphore_mem>> -> memref<!tpu.dma_semaphore, #tpu.memory_space<semaphore_mem>>
    %dma_wait3A_758 = tpu.memref_slice %arg2[%mul3A_692] : memref<33554432xf32, #tpu.memory_space<hbm>> -> memref<32768xf32, #tpu.memory_space<hbm>>
    tpu.wait_dma2 semaphore(%dma_wait3A_757 : memref<!tpu.dma_semaphore, #tpu.memory_space<semaphore_mem>>) src(%dma_wait3A_758 : memref<32768xf32, #tpu.memory_space<hbm>>) dst(%arg7 : memref<32768xf32, #tpu.memory_space<vmem>>)
    %add3A_759 = arith.constant 832 : i32
    %add3A_760 = arith.addi %add3A_759, %add3A : i32
    %mul3A_761 = arith.constant 32768 : i32
    %mul3A_762 = arith.muli %add3A_760, %mul3A_761 : i32
    %dma_start3A_763 = arith.constant 2 : i32
    %dma_start3A_764 = tpu.memref_slice %arg4[%mul3A_762] : memref<33554432xf32, #tpu.memory_space<hbm>> -> memref<32768xf32, #tpu.memory_space<hbm>>
    %dma_start3A_765 = tpu.memref_slice %arg10[%dma_start3A_763] : memref<3x!tpu.dma_semaphore, #tpu.memory_space<semaphore_mem>> -> memref<1x!tpu.dma_semaphore, #tpu.memory_space<semaphore_mem>>
    %dma_start3A_766 = tpu.memref_squeeze %dma_start3A_765 : memref<1x!tpu.dma_semaphore, #tpu.memory_space<semaphore_mem>> -> memref<!tpu.dma_semaphore, #tpu.memory_space<semaphore_mem>>
    %dma_start3A_767 = tpu.memref_slice %arg4[%mul3A_762] : memref<33554432xf32, #tpu.memory_space<hbm>> -> memref<32768xf32, #tpu.memory_space<hbm>>
    tpu.enqueue_dma source(%arg7 : memref<32768xf32, #tpu.memory_space<vmem>>) target(%dma_start3A_767 : memref<32768xf32, #tpu.memory_space<hbm>>) target_semaphore(%dma_start3A_766 : memref<!tpu.dma_semaphore, #tpu.memory_space<semaphore_mem>>)
    %dma_wait3A_768 = arith.constant 2 : i32
    %dma_wait3A_769 = tpu.memref_slice %arg4[%mul3A_762] : memref<33554432xf32, #tpu.memory_space<hbm>> -> memref<32768xf32, #tpu.memory_space<hbm>>
    %dma_wait3A_770 = tpu.memref_slice %arg10[%dma_wait3A_768] : memref<3x!tpu.dma_semaphore, #tpu.memory_space<semaphore_mem>> -> memref<1x!tpu.dma_semaphore, #tpu.memory_space<semaphore_mem>>
    %dma_wait3A_771 = tpu.memref_squeeze %dma_wait3A_770 : memref<1x!tpu.dma_semaphore, #tpu.memory_space<semaphore_mem>> -> memref<!tpu.dma_semaphore, #tpu.memory_space<semaphore_mem>>
    %dma_wait3A_772 = tpu.memref_slice %arg4[%mul3A_762] : memref<33554432xf32, #tpu.memory_space<hbm>> -> memref<32768xf32, #tpu.memory_space<hbm>>
    tpu.wait_dma2 semaphore(%dma_wait3A_771 : memref<!tpu.dma_semaphore, #tpu.memory_space<semaphore_mem>>) src(%arg7 : memref<32768xf32, #tpu.memory_space<vmem>>) dst(%dma_wait3A_772 : memref<32768xf32, #tpu.memory_space<hbm>>)
    %add3A_773 = arith.constant 928 : i32
    %add3A_774 = arith.addi %add3A_773, %add3A : i32
    %mul3A_775 = arith.constant 32768 : i32
    %mul3A_776 = arith.muli %add3A_774, %mul3A_775 : i32
    %dma_start3A_777 = arith.constant 2 : i32
    %dma_start3A_778 = tpu.memref_slice %arg2[%mul3A_776] : memref<33554432xf32, #tpu.memory_space<hbm>> -> memref<32768xf32, #tpu.memory_space<hbm>>
    %dma_start3A_779 = tpu.memref_slice %arg9[%dma_start3A_777] : memref<3x!tpu.dma_semaphore, #tpu.memory_space<semaphore_mem>> -> memref<1x!tpu.dma_semaphore, #tpu.memory_space<semaphore_mem>>
    %dma_start3A_780 = tpu.memref_squeeze %dma_start3A_779 : memref<1x!tpu.dma_semaphore, #tpu.memory_space<semaphore_mem>> -> memref<!tpu.dma_semaphore, #tpu.memory_space<semaphore_mem>>
    %dma_start3A_781 = tpu.memref_slice %arg2[%mul3A_776] : memref<33554432xf32, #tpu.memory_space<hbm>> -> memref<32768xf32, #tpu.memory_space<hbm>>
    tpu.enqueue_dma source(%dma_start3A_781 : memref<32768xf32, #tpu.memory_space<hbm>>) target(%arg7 : memref<32768xf32, #tpu.memory_space<vmem>>) target_semaphore(%dma_start3A_780 : memref<!tpu.dma_semaphore, #tpu.memory_space<semaphore_mem>>)
    %dma_wait3A_782 = arith.constant 0 : i32
    %dma_wait3A_783 = tpu.memref_slice %arg2[%mul3A_720] : memref<33554432xf32, #tpu.memory_space<hbm>> -> memref<32768xf32, #tpu.memory_space<hbm>>
    %dma_wait3A_784 = tpu.memref_slice %arg9[%dma_wait3A_782] : memref<3x!tpu.dma_semaphore, #tpu.memory_space<semaphore_mem>> -> memref<1x!tpu.dma_semaphore, #tpu.memory_space<semaphore_mem>>
    %dma_wait3A_785 = tpu.memref_squeeze %dma_wait3A_784 : memref<1x!tpu.dma_semaphore, #tpu.memory_space<semaphore_mem>> -> memref<!tpu.dma_semaphore, #tpu.memory_space<semaphore_mem>>
    %dma_wait3A_786 = tpu.memref_slice %arg2[%mul3A_720] : memref<33554432xf32, #tpu.memory_space<hbm>> -> memref<32768xf32, #tpu.memory_space<hbm>>
    tpu.wait_dma2 semaphore(%dma_wait3A_785 : memref<!tpu.dma_semaphore, #tpu.memory_space<semaphore_mem>>) src(%dma_wait3A_786 : memref<32768xf32, #tpu.memory_space<hbm>>) dst(%arg5 : memref<32768xf32, #tpu.memory_space<vmem>>)
    %add3A_787 = arith.constant 864 : i32
    %add3A_788 = arith.addi %add3A_787, %add3A : i32
    %mul3A_789 = arith.constant 32768 : i32
    %mul3A_790 = arith.muli %add3A_788, %mul3A_789 : i32
    %dma_start3A_791 = arith.constant 0 : i32
    %dma_start3A_792 = tpu.memref_slice %arg4[%mul3A_790] : memref<33554432xf32, #tpu.memory_space<hbm>> -> memref<32768xf32, #tpu.memory_space<hbm>>
    %dma_start3A_793 = tpu.memref_slice %arg10[%dma_start3A_791] : memref<3x!tpu.dma_semaphore, #tpu.memory_space<semaphore_mem>> -> memref<1x!tpu.dma_semaphore, #tpu.memory_space<semaphore_mem>>
    %dma_start3A_794 = tpu.memref_squeeze %dma_start3A_793 : memref<1x!tpu.dma_semaphore, #tpu.memory_space<semaphore_mem>> -> memref<!tpu.dma_semaphore, #tpu.memory_space<semaphore_mem>>
    %dma_start3A_795 = tpu.memref_slice %arg4[%mul3A_790] : memref<33554432xf32, #tpu.memory_space<hbm>> -> memref<32768xf32, #tpu.memory_space<hbm>>
    tpu.enqueue_dma source(%arg5 : memref<32768xf32, #tpu.memory_space<vmem>>) target(%dma_start3A_795 : memref<32768xf32, #tpu.memory_space<hbm>>) target_semaphore(%dma_start3A_794 : memref<!tpu.dma_semaphore, #tpu.memory_space<semaphore_mem>>)
    %dma_wait3A_796 = arith.constant 0 : i32
    %dma_wait3A_797 = tpu.memref_slice %arg4[%mul3A_790] : memref<33554432xf32, #tpu.memory_space<hbm>> -> memref<32768xf32, #tpu.memory_space<hbm>>
    %dma_wait3A_798 = tpu.memref_slice %arg10[%dma_wait3A_796] : memref<3x!tpu.dma_semaphore, #tpu.memory_space<semaphore_mem>> -> memref<1x!tpu.dma_semaphore, #tpu.memory_space<semaphore_mem>>
    %dma_wait3A_799 = tpu.memref_squeeze %dma_wait3A_798 : memref<1x!tpu.dma_semaphore, #tpu.memory_space<semaphore_mem>> -> memref<!tpu.dma_semaphore, #tpu.memory_space<semaphore_mem>>
    %dma_wait3A_800 = tpu.memref_slice %arg4[%mul3A_790] : memref<33554432xf32, #tpu.memory_space<hbm>> -> memref<32768xf32, #tpu.memory_space<hbm>>
    tpu.wait_dma2 semaphore(%dma_wait3A_799 : memref<!tpu.dma_semaphore, #tpu.memory_space<semaphore_mem>>) src(%arg5 : memref<32768xf32, #tpu.memory_space<vmem>>) dst(%dma_wait3A_800 : memref<32768xf32, #tpu.memory_space<hbm>>)
    %add3A_801 = arith.constant 960 : i32
    %add3A_802 = arith.addi %add3A_801, %add3A : i32
    %mul3A_803 = arith.constant 32768 : i32
    %mul3A_804 = arith.muli %add3A_802, %mul3A_803 : i32
    %dma_start3A_805 = arith.constant 0 : i32
    %dma_start3A_806 = tpu.memref_slice %arg2[%mul3A_804] : memref<33554432xf32, #tpu.memory_space<hbm>> -> memref<32768xf32, #tpu.memory_space<hbm>>
    %dma_start3A_807 = tpu.memref_slice %arg9[%dma_start3A_805] : memref<3x!tpu.dma_semaphore, #tpu.memory_space<semaphore_mem>> -> memref<1x!tpu.dma_semaphore, #tpu.memory_space<semaphore_mem>>
    %dma_start3A_808 = tpu.memref_squeeze %dma_start3A_807 : memref<1x!tpu.dma_semaphore, #tpu.memory_space<semaphore_mem>> -> memref<!tpu.dma_semaphore, #tpu.memory_space<semaphore_mem>>
    %dma_start3A_809 = tpu.memref_slice %arg2[%mul3A_804] : memref<33554432xf32, #tpu.memory_space<hbm>> -> memref<32768xf32, #tpu.memory_space<hbm>>
    tpu.enqueue_dma source(%dma_start3A_809 : memref<32768xf32, #tpu.memory_space<hbm>>) target(%arg5 : memref<32768xf32, #tpu.memory_space<vmem>>) target_semaphore(%dma_start3A_808 : memref<!tpu.dma_semaphore, #tpu.memory_space<semaphore_mem>>)
    %dma_wait3A_810 = arith.constant 1 : i32
    %dma_wait3A_811 = tpu.memref_slice %arg2[%mul3A_748] : memref<33554432xf32, #tpu.memory_space<hbm>> -> memref<32768xf32, #tpu.memory_space<hbm>>
    %dma_wait3A_812 = tpu.memref_slice %arg9[%dma_wait3A_810] : memref<3x!tpu.dma_semaphore, #tpu.memory_space<semaphore_mem>> -> memref<1x!tpu.dma_semaphore, #tpu.memory_space<semaphore_mem>>
    %dma_wait3A_813 = tpu.memref_squeeze %dma_wait3A_812 : memref<1x!tpu.dma_semaphore, #tpu.memory_space<semaphore_mem>> -> memref<!tpu.dma_semaphore, #tpu.memory_space<semaphore_mem>>
    %dma_wait3A_814 = tpu.memref_slice %arg2[%mul3A_748] : memref<33554432xf32, #tpu.memory_space<hbm>> -> memref<32768xf32, #tpu.memory_space<hbm>>
    tpu.wait_dma2 semaphore(%dma_wait3A_813 : memref<!tpu.dma_semaphore, #tpu.memory_space<semaphore_mem>>) src(%dma_wait3A_814 : memref<32768xf32, #tpu.memory_space<hbm>>) dst(%arg6 : memref<32768xf32, #tpu.memory_space<vmem>>)
    %add3A_815 = arith.constant 896 : i32
    %add3A_816 = arith.addi %add3A_815, %add3A : i32
    %mul3A_817 = arith.constant 32768 : i32
    %mul3A_818 = arith.muli %add3A_816, %mul3A_817 : i32
    %dma_start3A_819 = arith.constant 1 : i32
    %dma_start3A_820 = tpu.memref_slice %arg4[%mul3A_818] : memref<33554432xf32, #tpu.memory_space<hbm>> -> memref<32768xf32, #tpu.memory_space<hbm>>
    %dma_start3A_821 = tpu.memref_slice %arg10[%dma_start3A_819] : memref<3x!tpu.dma_semaphore, #tpu.memory_space<semaphore_mem>> -> memref<1x!tpu.dma_semaphore, #tpu.memory_space<semaphore_mem>>
    %dma_start3A_822 = tpu.memref_squeeze %dma_start3A_821 : memref<1x!tpu.dma_semaphore, #tpu.memory_space<semaphore_mem>> -> memref<!tpu.dma_semaphore, #tpu.memory_space<semaphore_mem>>
    %dma_start3A_823 = tpu.memref_slice %arg4[%mul3A_818] : memref<33554432xf32, #tpu.memory_space<hbm>> -> memref<32768xf32, #tpu.memory_space<hbm>>
    tpu.enqueue_dma source(%arg6 : memref<32768xf32, #tpu.memory_space<vmem>>) target(%dma_start3A_823 : memref<32768xf32, #tpu.memory_space<hbm>>) target_semaphore(%dma_start3A_822 : memref<!tpu.dma_semaphore, #tpu.memory_space<semaphore_mem>>)
    %dma_wait3A_824 = arith.constant 1 : i32
    %dma_wait3A_825 = tpu.memref_slice %arg4[%mul3A_818] : memref<33554432xf32, #tpu.memory_space<hbm>> -> memref<32768xf32, #tpu.memory_space<hbm>>
    %dma_wait3A_826 = tpu.memref_slice %arg10[%dma_wait3A_824] : memref<3x!tpu.dma_semaphore, #tpu.memory_space<semaphore_mem>> -> memref<1x!tpu.dma_semaphore, #tpu.memory_space<semaphore_mem>>
    %dma_wait3A_827 = tpu.memref_squeeze %dma_wait3A_826 : memref<1x!tpu.dma_semaphore, #tpu.memory_space<semaphore_mem>> -> memref<!tpu.dma_semaphore, #tpu.memory_space<semaphore_mem>>
    %dma_wait3A_828 = tpu.memref_slice %arg4[%mul3A_818] : memref<33554432xf32, #tpu.memory_space<hbm>> -> memref<32768xf32, #tpu.memory_space<hbm>>
    tpu.wait_dma2 semaphore(%dma_wait3A_827 : memref<!tpu.dma_semaphore, #tpu.memory_space<semaphore_mem>>) src(%arg6 : memref<32768xf32, #tpu.memory_space<vmem>>) dst(%dma_wait3A_828 : memref<32768xf32, #tpu.memory_space<hbm>>)
    %add3A_829 = arith.constant 992 : i32
    %add3A_830 = arith.addi %add3A_829, %add3A : i32
    %mul3A_831 = arith.constant 32768 : i32
    %mul3A_832 = arith.muli %add3A_830, %mul3A_831 : i32
    %lt3A = arith.constant 24 : i32
    %lt3A_833 = arith.cmpi slt, %add3A, %lt3A : i32
    %convert_element_type3A = arith.extui %lt3A_833 : i1 to i32
    %cond3A = arith.constant 1 : i32
    %cond3A_834 = arith.constant 0 : i32
    %cond3A_835 = arith.cmpi ne, %convert_element_type3A, %cond3A_834 : i32
    scf.if %cond3A_835 {
      %dma_start3A_902 = tpu.memref_slice %arg2[%mul3A_832] : memref<33554432xf32, #tpu.memory_space<hbm>> -> memref<32768xf32, #tpu.memory_space<hbm>>
      %dma_start3A_903 = tpu.memref_slice %arg9[%cond3A] : memref<3x!tpu.dma_semaphore, #tpu.memory_space<semaphore_mem>> -> memref<1x!tpu.dma_semaphore, #tpu.memory_space<semaphore_mem>>
      %dma_start3A_904 = tpu.memref_squeeze %dma_start3A_903 : memref<1x!tpu.dma_semaphore, #tpu.memory_space<semaphore_mem>> -> memref<!tpu.dma_semaphore, #tpu.memory_space<semaphore_mem>>
      %dma_start3A_905 = tpu.memref_slice %arg2[%mul3A_832] : memref<33554432xf32, #tpu.memory_space<hbm>> -> memref<32768xf32, #tpu.memory_space<hbm>>
      tpu.enqueue_dma source(%dma_start3A_905 : memref<32768xf32, #tpu.memory_space<hbm>>) target(%arg6 : memref<32768xf32, #tpu.memory_space<vmem>>) target_semaphore(%dma_start3A_904 : memref<!tpu.dma_semaphore, #tpu.memory_space<semaphore_mem>>)
    } else {
    }
    %dma_wait3A_836 = arith.constant 2 : i32
    %dma_wait3A_837 = tpu.memref_slice %arg2[%mul3A_776] : memref<33554432xf32, #tpu.memory_space<hbm>> -> memref<32768xf32, #tpu.memory_space<hbm>>
    %dma_wait3A_838 = tpu.memref_slice %arg9[%dma_wait3A_836] : memref<3x!tpu.dma_semaphore, #tpu.memory_space<semaphore_mem>> -> memref<1x!tpu.dma_semaphore, #tpu.memory_space<semaphore_mem>>
    %dma_wait3A_839 = tpu.memref_squeeze %dma_wait3A_838 : memref<1x!tpu.dma_semaphore, #tpu.memory_space<semaphore_mem>> -> memref<!tpu.dma_semaphore, #tpu.memory_space<semaphore_mem>>
    %dma_wait3A_840 = tpu.memref_slice %arg2[%mul3A_776] : memref<33554432xf32, #tpu.memory_space<hbm>> -> memref<32768xf32, #tpu.memory_space<hbm>>
    tpu.wait_dma2 semaphore(%dma_wait3A_839 : memref<!tpu.dma_semaphore, #tpu.memory_space<semaphore_mem>>) src(%dma_wait3A_840 : memref<32768xf32, #tpu.memory_space<hbm>>) dst(%arg7 : memref<32768xf32, #tpu.memory_space<vmem>>)
    %add3A_841 = arith.constant 928 : i32
    %add3A_842 = arith.addi %add3A_841, %add3A : i32
    %mul3A_843 = arith.constant 32768 : i32
    %mul3A_844 = arith.muli %add3A_842, %mul3A_843 : i32
    %dma_start3A_845 = arith.constant 2 : i32
    %dma_start3A_846 = tpu.memref_slice %arg4[%mul3A_844] : memref<33554432xf32, #tpu.memory_space<hbm>> -> memref<32768xf32, #tpu.memory_space<hbm>>
    %dma_start3A_847 = tpu.memref_slice %arg10[%dma_start3A_845] : memref<3x!tpu.dma_semaphore, #tpu.memory_space<semaphore_mem>> -> memref<1x!tpu.dma_semaphore, #tpu.memory_space<semaphore_mem>>
    %dma_start3A_848 = tpu.memref_squeeze %dma_start3A_847 : memref<1x!tpu.dma_semaphore, #tpu.memory_space<semaphore_mem>> -> memref<!tpu.dma_semaphore, #tpu.memory_space<semaphore_mem>>
    %dma_start3A_849 = tpu.memref_slice %arg4[%mul3A_844] : memref<33554432xf32, #tpu.memory_space<hbm>> -> memref<32768xf32, #tpu.memory_space<hbm>>
    tpu.enqueue_dma source(%arg7 : memref<32768xf32, #tpu.memory_space<vmem>>) target(%dma_start3A_849 : memref<32768xf32, #tpu.memory_space<hbm>>) target_semaphore(%dma_start3A_848 : memref<!tpu.dma_semaphore, #tpu.memory_space<semaphore_mem>>)
    %dma_wait3A_850 = arith.constant 0 : i32
    %dma_wait3A_851 = tpu.memref_slice %arg2[%mul3A_804] : memref<33554432xf32, #tpu.memory_space<hbm>> -> memref<32768xf32, #tpu.memory_space<hbm>>
    %dma_wait3A_852 = tpu.memref_slice %arg9[%dma_wait3A_850] : memref<3x!tpu.dma_semaphore, #tpu.memory_space<semaphore_mem>> -> memref<1x!tpu.dma_semaphore, #tpu.memory_space<semaphore_mem>>
    %dma_wait3A_853 = tpu.memref_squeeze %dma_wait3A_852 : memref<1x!tpu.dma_semaphore, #tpu.memory_space<semaphore_mem>> -> memref<!tpu.dma_semaphore, #tpu.memory_space<semaphore_mem>>
    %dma_wait3A_854 = tpu.memref_slice %arg2[%mul3A_804] : memref<33554432xf32, #tpu.memory_space<hbm>> -> memref<32768xf32, #tpu.memory_space<hbm>>
    tpu.wait_dma2 semaphore(%dma_wait3A_853 : memref<!tpu.dma_semaphore, #tpu.memory_space<semaphore_mem>>) src(%dma_wait3A_854 : memref<32768xf32, #tpu.memory_space<hbm>>) dst(%arg5 : memref<32768xf32, #tpu.memory_space<vmem>>)
    %add3A_855 = arith.constant 960 : i32
    %add3A_856 = arith.addi %add3A_855, %add3A : i32
    %mul3A_857 = arith.constant 32768 : i32
    %mul3A_858 = arith.muli %add3A_856, %mul3A_857 : i32
    %dma_start3A_859 = arith.constant 0 : i32
    %dma_start3A_860 = tpu.memref_slice %arg4[%mul3A_858] : memref<33554432xf32, #tpu.memory_space<hbm>> -> memref<32768xf32, #tpu.memory_space<hbm>>
    %dma_start3A_861 = tpu.memref_slice %arg10[%dma_start3A_859] : memref<3x!tpu.dma_semaphore, #tpu.memory_space<semaphore_mem>> -> memref<1x!tpu.dma_semaphore, #tpu.memory_space<semaphore_mem>>
    %dma_start3A_862 = tpu.memref_squeeze %dma_start3A_861 : memref<1x!tpu.dma_semaphore, #tpu.memory_space<semaphore_mem>> -> memref<!tpu.dma_semaphore, #tpu.memory_space<semaphore_mem>>
    %dma_start3A_863 = tpu.memref_slice %arg4[%mul3A_858] : memref<33554432xf32, #tpu.memory_space<hbm>> -> memref<32768xf32, #tpu.memory_space<hbm>>
    tpu.enqueue_dma source(%arg5 : memref<32768xf32, #tpu.memory_space<vmem>>) target(%dma_start3A_863 : memref<32768xf32, #tpu.memory_space<hbm>>) target_semaphore(%dma_start3A_862 : memref<!tpu.dma_semaphore, #tpu.memory_space<semaphore_mem>>)
    %lt3A_864 = arith.constant 24 : i32
    %lt3A_865 = arith.cmpi slt, %add3A, %lt3A_864 : i32
    %convert_element_type3A_866 = arith.extui %lt3A_865 : i1 to i32
    %cond3A_867 = arith.constant 1 : i32
    %cond3A_868 = arith.constant 0 : i32
    %cond3A_869 = arith.cmpi ne, %convert_element_type3A_866, %cond3A_868 : i32
    scf.if %cond3A_869 {
      %dma_wait3A_902 = tpu.memref_slice %arg2[%mul3A_832] : memref<33554432xf32, #tpu.memory_space<hbm>> -> memref<32768xf32, #tpu.memory_space<hbm>>
      %dma_wait3A_903 = tpu.memref_slice %arg9[%cond3A_867] : memref<3x!tpu.dma_semaphore, #tpu.memory_space<semaphore_mem>> -> memref<1x!tpu.dma_semaphore, #tpu.memory_space<semaphore_mem>>
      %dma_wait3A_904 = tpu.memref_squeeze %dma_wait3A_903 : memref<1x!tpu.dma_semaphore, #tpu.memory_space<semaphore_mem>> -> memref<!tpu.dma_semaphore, #tpu.memory_space<semaphore_mem>>
      %dma_wait3A_905 = tpu.memref_slice %arg2[%mul3A_832] : memref<33554432xf32, #tpu.memory_space<hbm>> -> memref<32768xf32, #tpu.memory_space<hbm>>
      tpu.wait_dma2 semaphore(%dma_wait3A_904 : memref<!tpu.dma_semaphore, #tpu.memory_space<semaphore_mem>>) src(%dma_wait3A_905 : memref<32768xf32, #tpu.memory_space<hbm>>) dst(%arg6 : memref<32768xf32, #tpu.memory_space<vmem>>)
    } else {
    }
    %add3A_870 = arith.constant 992 : i32
    %add3A_871 = arith.addi %add3A_870, %add3A : i32
    %mul3A_872 = arith.constant 32768 : i32
    %mul3A_873 = arith.muli %add3A_871, %mul3A_872 : i32
    %lt3A_874 = arith.constant 24 : i32
    %lt3A_875 = arith.cmpi slt, %add3A, %lt3A_874 : i32
    %convert_element_type3A_876 = arith.extui %lt3A_875 : i1 to i32
    %cond3A_877 = arith.constant 1 : i32
    %cond3A_878 = arith.constant 0 : i32
    %cond3A_879 = arith.cmpi ne, %convert_element_type3A_876, %cond3A_878 : i32
    scf.if %cond3A_879 {
      %dma_start3A_902 = tpu.memref_slice %arg4[%mul3A_873] : memref<33554432xf32, #tpu.memory_space<hbm>> -> memref<32768xf32, #tpu.memory_space<hbm>>
      %dma_start3A_903 = tpu.memref_slice %arg10[%cond3A_877] : memref<3x!tpu.dma_semaphore, #tpu.memory_space<semaphore_mem>> -> memref<1x!tpu.dma_semaphore, #tpu.memory_space<semaphore_mem>>
      %dma_start3A_904 = tpu.memref_squeeze %dma_start3A_903 : memref<1x!tpu.dma_semaphore, #tpu.memory_space<semaphore_mem>> -> memref<!tpu.dma_semaphore, #tpu.memory_space<semaphore_mem>>
      %dma_start3A_905 = tpu.memref_slice %arg4[%mul3A_873] : memref<33554432xf32, #tpu.memory_space<hbm>> -> memref<32768xf32, #tpu.memory_space<hbm>>
      tpu.enqueue_dma source(%arg6 : memref<32768xf32, #tpu.memory_space<vmem>>) target(%dma_start3A_905 : memref<32768xf32, #tpu.memory_space<hbm>>) target_semaphore(%dma_start3A_904 : memref<!tpu.dma_semaphore, #tpu.memory_space<semaphore_mem>>)
    } else {
    }
    %dma_wait3A_880 = arith.constant 2 : i32
    %dma_wait3A_881 = tpu.memref_slice %arg4[%mul3A_844] : memref<33554432xf32, #tpu.memory_space<hbm>> -> memref<32768xf32, #tpu.memory_space<hbm>>
    %dma_wait3A_882 = tpu.memref_slice %arg10[%dma_wait3A_880] : memref<3x!tpu.dma_semaphore, #tpu.memory_space<semaphore_mem>> -> memref<1x!tpu.dma_semaphore, #tpu.memory_space<semaphore_mem>>
    %dma_wait3A_883 = tpu.memref_squeeze %dma_wait3A_882 : memref<1x!tpu.dma_semaphore, #tpu.memory_space<semaphore_mem>> -> memref<!tpu.dma_semaphore, #tpu.memory_space<semaphore_mem>>
    %dma_wait3A_884 = tpu.memref_slice %arg4[%mul3A_844] : memref<33554432xf32, #tpu.memory_space<hbm>> -> memref<32768xf32, #tpu.memory_space<hbm>>
    tpu.wait_dma2 semaphore(%dma_wait3A_883 : memref<!tpu.dma_semaphore, #tpu.memory_space<semaphore_mem>>) src(%arg7 : memref<32768xf32, #tpu.memory_space<vmem>>) dst(%dma_wait3A_884 : memref<32768xf32, #tpu.memory_space<hbm>>)
    %dma_wait3A_885 = arith.constant 0 : i32
    %dma_wait3A_886 = tpu.memref_slice %arg4[%mul3A_858] : memref<33554432xf32, #tpu.memory_space<hbm>> -> memref<32768xf32, #tpu.memory_space<hbm>>
    %dma_wait3A_887 = tpu.memref_slice %arg10[%dma_wait3A_885] : memref<3x!tpu.dma_semaphore, #tpu.memory_space<semaphore_mem>> -> memref<1x!tpu.dma_semaphore, #tpu.memory_space<semaphore_mem>>
    %dma_wait3A_888 = tpu.memref_squeeze %dma_wait3A_887 : memref<1x!tpu.dma_semaphore, #tpu.memory_space<semaphore_mem>> -> memref<!tpu.dma_semaphore, #tpu.memory_space<semaphore_mem>>
    %dma_wait3A_889 = tpu.memref_slice %arg4[%mul3A_858] : memref<33554432xf32, #tpu.memory_space<hbm>> -> memref<32768xf32, #tpu.memory_space<hbm>>
    tpu.wait_dma2 semaphore(%dma_wait3A_888 : memref<!tpu.dma_semaphore, #tpu.memory_space<semaphore_mem>>) src(%arg5 : memref<32768xf32, #tpu.memory_space<vmem>>) dst(%dma_wait3A_889 : memref<32768xf32, #tpu.memory_space<hbm>>)
    %lt3A_890 = arith.constant 24 : i32
    %lt3A_891 = arith.cmpi slt, %add3A, %lt3A_890 : i32
    %convert_element_type3A_892 = arith.extui %lt3A_891 : i1 to i32
    %cond3A_893 = arith.constant 1 : i32
    %cond3A_894 = arith.constant 0 : i32
    %cond3A_895 = arith.cmpi ne, %convert_element_type3A_892, %cond3A_894 : i32
    scf.if %cond3A_895 {
      %dma_wait3A_902 = tpu.memref_slice %arg4[%mul3A_873] : memref<33554432xf32, #tpu.memory_space<hbm>> -> memref<32768xf32, #tpu.memory_space<hbm>>
      %dma_wait3A_903 = tpu.memref_slice %arg10[%cond3A_893] : memref<3x!tpu.dma_semaphore, #tpu.memory_space<semaphore_mem>> -> memref<1x!tpu.dma_semaphore, #tpu.memory_space<semaphore_mem>>
      %dma_wait3A_904 = tpu.memref_squeeze %dma_wait3A_903 : memref<1x!tpu.dma_semaphore, #tpu.memory_space<semaphore_mem>> -> memref<!tpu.dma_semaphore, #tpu.memory_space<semaphore_mem>>
      %dma_wait3A_905 = tpu.memref_slice %arg4[%mul3A_873] : memref<33554432xf32, #tpu.memory_space<hbm>> -> memref<32768xf32, #tpu.memory_space<hbm>>
      tpu.wait_dma2 semaphore(%dma_wait3A_904 : memref<!tpu.dma_semaphore, #tpu.memory_space<semaphore_mem>>) src(%arg6 : memref<32768xf32, #tpu.memory_space<vmem>>) dst(%dma_wait3A_905 : memref<32768xf32, #tpu.memory_space<hbm>>)
    } else {
    }
    %sub3A = arith.constant 24 : i32
    %sub3A_896 = arith.subi %add3A, %sub3A : i32
    %max3A = arith.constant 0 : i32
    %max3A_897 = arith.maxsi %sub3A_896, %max3A : i32
    %ge3A = arith.constant 24 : i32
    %ge3A_898 = arith.cmpi sge, %add3A, %ge3A : i32
    %convert_element_type3A_899 = arith.extui %ge3A_898 : i1 to i32
    %cond3A_900 = arith.constant 0 : i32
    %cond3A_901 = arith.cmpi ne, %convert_element_type3A_899, %cond3A_900 : i32
    scf.if %cond3A_901 {
      %add3A_902 = arith.constant 1008 : i32
      %add3A_903 = arith.addi %add3A_902, %max3A_897 : i32
      %mul3A_904 = arith.constant 32768 : i32
      %mul3A_905 = arith.muli %add3A_903, %mul3A_904 : i32
      "tpu.region"() ({
        %run_scoped3A = tpu.sem_alloc : memref<!tpu.dma_semaphore, #tpu.memory_space<semaphore_mem>>
        %dma_start3A_919 = tpu.memref_slice %arg2[%mul3A_905] : memref<33554432xf32, #tpu.memory_space<hbm>> -> memref<32768xf32, #tpu.memory_space<hbm>>
        %dma_start3A_920 = tpu.memref_slice %arg2[%mul3A_905] : memref<33554432xf32, #tpu.memory_space<hbm>> -> memref<32768xf32, #tpu.memory_space<hbm>>
        tpu.enqueue_dma source(%dma_start3A_920 : memref<32768xf32, #tpu.memory_space<hbm>>) target(%arg5 : memref<32768xf32, #tpu.memory_space<vmem>>) target_semaphore(%run_scoped3A : memref<!tpu.dma_semaphore, #tpu.memory_space<semaphore_mem>>)
        %dma_wait3A_921 = tpu.memref_slice %arg2[%mul3A_905] : memref<33554432xf32, #tpu.memory_space<hbm>> -> memref<32768xf32, #tpu.memory_space<hbm>>
        %dma_wait3A_922 = tpu.memref_slice %arg2[%mul3A_905] : memref<33554432xf32, #tpu.memory_space<hbm>> -> memref<32768xf32, #tpu.memory_space<hbm>>
        tpu.wait_dma2 semaphore(%run_scoped3A : memref<!tpu.dma_semaphore, #tpu.memory_space<semaphore_mem>>) src(%dma_wait3A_922 : memref<32768xf32, #tpu.memory_space<hbm>>) dst(%arg5 : memref<32768xf32, #tpu.memory_space<vmem>>)
        tpu.yield
      }) : () -> ()
      %mul3A_906 = arith.constant 32 : i32
      %mul3A_907 = arith.muli %max3A_897, %mul3A_906 : i32
      %mul3A_908 = arith.constant 16 : i32
      %mul3A_909 = arith.muli %mul3A_907, %mul3A_908 : i32
      "tpu.region"() ({
        %run_scoped3A = tpu.sem_alloc : memref<!tpu.dma_semaphore, #tpu.memory_space<semaphore_mem>>
        %dma_start3A_919 = tpu.memref_slice %arg3[%mul3A_909] : memref<4096xf32, #tpu.memory_space<hbm>> -> memref<512xf32, #tpu.memory_space<hbm>>
        %dma_start3A_920 = tpu.memref_slice %arg3[%mul3A_909] : memref<4096xf32, #tpu.memory_space<hbm>> -> memref<512xf32, #tpu.memory_space<hbm>>
        tpu.enqueue_dma source(%dma_start3A_920 : memref<512xf32, #tpu.memory_space<hbm>>) target(%arg8 : memref<512xf32, #tpu.memory_space<vmem>>) target_semaphore(%run_scoped3A : memref<!tpu.dma_semaphore, #tpu.memory_space<semaphore_mem>>)
        %dma_wait3A_921 = tpu.memref_slice %arg3[%mul3A_909] : memref<4096xf32, #tpu.memory_space<hbm>> -> memref<512xf32, #tpu.memory_space<hbm>>
        %dma_wait3A_922 = tpu.memref_slice %arg3[%mul3A_909] : memref<4096xf32, #tpu.memory_space<hbm>> -> memref<512xf32, #tpu.memory_space<hbm>>
        tpu.wait_dma2 semaphore(%run_scoped3A : memref<!tpu.dma_semaphore, #tpu.memory_space<semaphore_mem>>) src(%dma_wait3A_922 : memref<512xf32, #tpu.memory_space<hbm>>) dst(%arg8 : memref<512xf32, #tpu.memory_space<vmem>>)
        tpu.yield
      }) : () -> ()
      %scan3A = arith.constant 0 : i32
      %scan3A_910 = arith.constant 0 : i32
      %scan3A_911 = arith.constant 2048 : i32
      %scan3A_912 = arith.addi %scan3A_910, %scan3A_911 : i32
      %scan3A_913 = arith.constant 1 : i32
      scf.for %scan3A_919 = %scan3A_910 to %scan3A_912 step %scan3A_913  : i32 {
        %mul3A_920 = arith.constant 16 : i32
        %mul3A_921 = arith.muli %scan3A_919, %mul3A_920 : i32
        %jit3A = arith.constant 64 : i32
        %div3A = arith.divsi %scan3A_919, %jit3A : i32
        %sign3A = arith.constant 0 : i32
        %sign3A_922 = arith.cmpi sgt, %scan3A_919, %sign3A : i32
        %sign3A_923 = arith.extui %sign3A_922 : i1 to i32
        %sign3A_924 = arith.constant 0 : i32
        %sign3A_925 = arith.cmpi slt, %scan3A_919, %sign3A_924 : i32
        %sign3A_926 = arith.extui %sign3A_925 : i1 to i32
        %sign3A_927 = arith.subi %sign3A_923, %sign3A_926 : i32
        %sign3A_928 = arith.constant 0 : i32
        %sign3A_929 = arith.cmpi sgt, %jit3A, %sign3A_928 : i32
        %sign3A_930 = arith.extui %sign3A_929 : i1 to i32
        %sign3A_931 = arith.constant 0 : i32
        %sign3A_932 = arith.cmpi slt, %jit3A, %sign3A_931 : i32
        %sign3A_933 = arith.extui %sign3A_932 : i1 to i32
        %sign3A_934 = arith.subi %sign3A_930, %sign3A_933 : i32
        %ne3A = arith.cmpi ne, %sign3A_927, %sign3A_934 : i32
        %rem3A = arith.remsi %scan3A_919, %jit3A : i32
        %ne3A_935 = arith.constant 0 : i32
        %ne3A_936 = arith.cmpi ne, %rem3A, %ne3A_935 : i32
        %and3A = arith.andi %ne3A, %ne3A_936 : i1
        %sub3A_937 = arith.constant 1 : i32
        %sub3A_938 = arith.subi %div3A, %sub3A_937 : i32
        %select_n3A = arith.select %and3A, %sub3A_938, %div3A : i32
        %mul3A_939 = arith.constant 16 : i32
        %mul3A_940 = arith.muli %select_n3A, %mul3A_939 : i32
        %get3A = arith.index_cast %mul3A_921 : i32 to index
        %get3A_941 = tpu.vector_load %arg5[%get3A] {strides = array<i32>} : memref<32768xf32, #tpu.memory_space<vmem>>, vector<16xf32>,
        %get3A_942 = vector.shape_cast %get3A_941 : vector<16xf32> to vector<16xf32>
        %get3A_943 = arith.index_cast %mul3A_940 : i32 to index
        %get3A_944 = tpu.vector_load %arg8[%get3A_943] {strides = array<i32>} : memref<512xf32, #tpu.memory_space<vmem>>, vector<16xf32>,
        %get3A_945 = vector.shape_cast %get3A_944 : vector<16xf32> to vector<16xf32>
        %add3A_946 = arith.addf %get3A_942, %get3A_945 : vector<16xf32>
        %swap3A = arith.index_cast %mul3A_921 : i32 to index
        %swap3A_947 = tpu.vector_load %arg5[%swap3A] {strides = array<i32>} : memref<32768xf32, #tpu.memory_space<vmem>>, vector<16xf32>,
        %swap3A_948 = vector.shape_cast %swap3A_947 : vector<16xf32> to vector<16xf32>
        %swap3A_949 = vector.shape_cast %add3A_946 : vector<16xf32> to vector<16xf32>
        tpu.vector_store %arg5[%swap3A], %swap3A_949 {strides = array<i32>} : memref<32768xf32, #tpu.memory_space<vmem>>, vector<16xf32>,
      }
      %scan3A_914 = arith.constant 2048 : i32
      %add3A_915 = arith.constant 1016 : i32
      %add3A_916 = arith.addi %add3A_915, %max3A_897 : i32
      %mul3A_917 = arith.constant 32768 : i32
      %mul3A_918 = arith.muli %add3A_916, %mul3A_917 : i32
      "tpu.region"() ({
        %run_scoped3A = tpu.sem_alloc : memref<!tpu.dma_semaphore, #tpu.memory_space<semaphore_mem>>
        %dma_start3A_919 = tpu.memref_slice %arg4[%mul3A_918] : memref<33554432xf32, #tpu.memory_space<hbm>> -> memref<32768xf32, #tpu.memory_space<hbm>>
        %dma_start3A_920 = tpu.memref_slice %arg4[%mul3A_918] : memref<33554432xf32, #tpu.memory_space<hbm>> -> memref<32768xf32, #tpu.memory_space<hbm>>
        tpu.enqueue_dma source(%arg5 : memref<32768xf32, #tpu.memory_space<vmem>>) target(%dma_start3A_920 : memref<32768xf32, #tpu.memory_space<hbm>>) target_semaphore(%run_scoped3A : memref<!tpu.dma_semaphore, #tpu.memory_space<semaphore_mem>>)
        %dma_wait3A_921 = tpu.memref_slice %arg4[%mul3A_918] : memref<33554432xf32, #tpu.memory_space<hbm>> -> memref<32768xf32, #tpu.memory_space<hbm>>
        %dma_wait3A_922 = tpu.memref_slice %arg4[%mul3A_918] : memref<33554432xf32, #tpu.memory_space<hbm>> -> memref<32768xf32, #tpu.memory_space<hbm>>
        tpu.wait_dma2 semaphore(%run_scoped3A : memref<!tpu.dma_semaphore, #tpu.memory_space<semaphore_mem>>) src(%arg5 : memref<32768xf32, #tpu.memory_space<vmem>>) dst(%dma_wait3A_922 : memref<32768xf32, #tpu.memory_space<hbm>>)
        tpu.yield
      }) : () -> ()
    } else {
    }
    return
  }
}

</mosaic_0001>

<sc_bundles>
// kernel: kernel.3.cloned.1.call-start
scs
__scs_entry_jumppad:
0x0: {  	(pc) =	sbr.rel $0x88, $3  }
0x1: {  	(tag) =	ssettag $0x0;
	lr =	simm.s32 $0x1  }
0x2: {  	[smem:$0x3F9F] =	sst lr;
	_ =	strace $0xD0000000  }
0x3: {  	_ = 	snop  }
0x4: {  	_ = 	snop  }
0x5: {  	_ = 	snop  }
0x6: {  	_ = 	snop  }
0x7: {  	_ = 	snop  }
__scs_overlays_trampoline_lowered:
0x8: {  	[smem:$0x3FAE] =	sst s0  }
0x9: {  	[smem:$0x3FAF] =	sst s1  }
0xa: {  	[smem:$0x3FB0] =	sst s2  }
0xb: {  	[smem:$0x3FB1] =	sst s3  }
0xc: {  	[smem:$0x3FB2] =	sst s4  }
0xd: {  	[smem:$0x3FB3] =	sst s5  }
0xe: {  	[smem:$0x3FB4] =	sst s6  }
0xf: {  	[smem:$0x3FB5] =	sst s7  }
0x10: {  	[smem:$0x3FB6] =	sst s8  }
0x11: {  	[smem:$0x3FB7] =	sst s9;
	s0 =	simm.s32 @!p0 $0x0  }
0x12: {  	s1 =	sld [smem:$0x3F9D];
	s0 =	simm.s32 @p0 $0x1  }
0x13: {  	[smem:$0x3FB8] =	sst s0;
	s0 =	simm.s32 @!p1 $0x0  }
0x14: {  	s2 =	sld [smem:$0x3F9C];
	s0 =	simm.s32 @p1 $0x1  }
0x15: {  	[smem:$0x3FB9] =	sst s0;
	s0 =	simm.s32 @!p2 $0x0  }
0x16: {  	s3 =	sld [smem:$0x3FDB];
	s0 =	simm.s32 @p2 $0x1  }
0x17: {  	s4 =	simm.s32 $0x1BF5;
	[smem:$0x3FBB] =	sst s0  }
0x18: {  	s0 =	sld [smem:$0x3F9E];
	_ =	swait.ge [sflag:s4], $0x0  }
0x19: {  	s7 =	sld [smem:$0x3F9F]  }
0x1a: {  	s8 =	sadd.s32 $0xFFFFE003, lr  }
0x1b: {  	s9 =	sadd.s32 $0xFFFFFEF7, lr;
	s5 =	simm.s32 $0xFFFFFFFF;
	p2 =	slt.u32 s8, $0xFFFFF086  }
0x1c: {  	p1 =	slt.u32 s9, $0xF7A;
	s5 =	simm.s32 @!p2 $0x0  }
0x1d: {  	s5 =	simm.s32 @p1 $0x1;
	p0 =	seq.s32 s7, s2  }
0x1e: {  	s7 =	smul.u32 @!p0 $0xF7A, s2;
	p2 =	seq.s32 @!p0 s5, $0x0  }
0x1f: {  	s9 =	smul.u32 $0xF7A, s1;
	s8 =	simm.s32 @!p0 $0x1BF5;
	p2 =	por !p2, p0  }
0x20: {  	[sflag:s8] =	ssyncset.s32 @!p0 $0xFFFFF086;
	s6 =	sadd.s32 @!p0 s3, s7;
	s7 =	simm.s32 @!p0 $0x108  }
0x21: {  	s3 =	sadd.s32 s3, s9;
	s6 =	sadd.s32 @!p0 $0x88, s6;
	s7 =	simm.s32 @p2 $0x1082  }
0x22: {  	[simem:s7], [sflag:s8] =	dma.local @!p0 [hbm:s6], $0xF7A  }
0x23: {  	s9 =	sor.u32 $0xD0000000, s2;
	s6 =	simm.s32 $0x108;
	_ =	swait.ge @!p0 [sflag:s8], $0x0  }
0x24: {  	s3 =	sadd.s32 $0x88, s3;
	s6 =	simm.s32 @!p1 $0x1082;
	[sflag:s4] =	ssyncset.s32 $0xFFFFF086  }
0x25: {  	[simem:s6], [sflag:s4] =	dma.local [hbm:s3], $0xF7A  }
0x26: {  	[smem:$0x3F9F] =	sst s1;
	(tag) =	ssettag s2;
	_ =	strace s9  }
0x27: {  	s1 =	sld [smem:$0x3FAF]  }
0x28: {  	s2 =	sld [smem:$0x3FB0]  }
0x29: {  	s4 =	sld [smem:$0x3FB2]  }
0x2a: {  	p0 =	seq.s32 s5, $0x0;
	s5 =	sld [smem:$0x3FB3]  }
0x2b: {  	s6 =	sld [smem:$0x3FB4]  }
0x2c: {  	s7 =	sld [smem:$0x3FB5]  }
0x2d: {  	s3 =	simm.s32 $0x108;
	s8 =	sld [smem:$0x3FB6]  }
0x2e: {  	s3 =	simm.s32 @!p0 $0x1082;
	s9 =	sld [smem:$0x3FB7]  }
0x2f: {  	lr =	sadd.s32 s0, s3;
	s0 =	sld [smem:$0x3FAE]  }
0x30: {  	s3 =	sld [smem:$0x3FB1]  }
0x31: {  	[smem:$0x3FBA] =	sst s10  }
0x32: {  	s10 =	sld [smem:$0x3FB8];
	_ =	sdelay $0x3  }
0x33: {  	p0 =	seq.s32 s10, $0x1;
	s10 =	sld [smem:$0x3FBA];
	_ =	sdelay $0x3  }
0x34: {  	[smem:$0x3FBA] =	sst s10  }
0x35: {  	s10 =	sld [smem:$0x3FB9];
	_ =	sdelay $0x3  }
0x36: {  	p1 =	seq.s32 s10, $0x1;
	s10 =	sld [smem:$0x3FBA];
	_ =	sdelay $0x3  }
0x37: {  	[smem:$0x3FBA] =	sst s10  }
0x38: {  	s10 =	sld [smem:$0x3FBB]  }
0x39: {  	_ = 	snop;
	(pc) =	sbr.ind lr, $3  }
0x3a: {  	_ = 	snop  }
0x3b: {  	_ = 	snop  }
0x3c: {  	p2 =	seq.s32 s10, $0x1;
	s10 =	sld [smem:$0x3FBA]  }
0x3d: {  	_ =	shalt  }
0x3e: {  	_ =	shalt  }
0x3f: {  	_ =	shalt  }
0x40: {  	_ =	shalt  }
0x41: {  	_ =	shalt  }
0x42: {  	_ =	shalt  }
0x43: {  	_ =	shalt  }
0x44: {  	_ =	shalt  }
0x45: {  	_ =	shalt  }
0x46: {  	_ =	shalt  }
0x47: {  	_ =	shalt  }
0x48: {  	_ =	shalt  }
0x49: {  	_ =	shalt  }
0x4a: {  	_ =	shalt  }
0x4b: {  	_ =	shalt  }
0x4c: {  	_ =	shalt  }
0x4d: {  	_ =	shalt  }
0x4e: {  	_ =	shalt  }
0x4f: {  	_ =	shalt  }
0x50: {  	_ =	shalt  }
0x51: {  	_ =	shalt  }
0x52: {  	_ =	shalt  }
0x53: {  	_ =	shalt  }
0x54: {  	_ =	shalt  }
0x55: {  	_ =	shalt  }
0x56: {  	_ =	shalt  }
0x57: {  	_ =	shalt  }
0x58: {  	_ =	shalt  }
0x59: {  	_ =	shalt  }
0x5a: {  	_ =	shalt  }
0x5b: {  	_ =	shalt  }
0x5c: {  	_ =	shalt  }
0x5d: {  	_ =	shalt  }
0x5e: {  	_ =	shalt  }
0x5f: {  	_ =	shalt  }
0x60: {  	_ =	shalt  }
0x61: {  	_ =	shalt  }
0x62: {  	_ =	shalt  }
0x63: {  	_ =	shalt  }
0x64: {  	_ =	shalt  }
0x65: {  	_ =	shalt  }
0x66: {  	_ =	shalt  }
0x67: {  	_ =	shalt  }
0x68: {  	_ =	shalt  }
0x69: {  	_ =	shalt  }
0x6a: {  	_ =	shalt  }
0x6b: {  	_ =	shalt  }
0x6c: {  	_ =	shalt  }
0x6d: {  	_ =	shalt  }
0x6e: {  	_ =	shalt  }
0x6f: {  	_ =	shalt  }
0x70: {  	_ =	shalt  }
0x71: {  	_ =	shalt  }
0x72: {  	_ =	shalt  }
0x73: {  	_ =	shalt  }
0x74: {  	_ =	shalt  }
0x75: {  	_ =	shalt  }
0x76: {  	_ =	shalt  }
0x77: {  	_ =	shalt  }
0x78: {  	_ =	shalt  }
0x79: {  	_ =	shalt  }
0x7a: {  	_ =	shalt  }
0x7b: {  	_ =	shalt  }
0x7c: {  	_ =	shalt  }
0x7d: {  	_ =	shalt  }
0x7e: {  	_ =	shalt  }
0x7f: {  	_ =	shalt  }
0x80: {  	_ =	shalt  }
0x81: {  	_ =	shalt  }
0x82: {  	_ =	shalt  }
0x83: {  	_ =	shalt  }
0x84: {  	_ =	shalt  }
0x85: {  	_ =	shalt  }
0x86: {  	_ =	shalt  }
0x87: {  	_ =	shalt  }
.Lfunc_end0:
.L_simem_size_0:
called_computation.1_lowered:
.L_overlay_start_0:
0x88: {  	s2 =	sld [smem:$0x3FD9]  }
0x89: {  	s3 =	sld [smem:$0x3FFE];
	_ =	sdelay $0x1  }
0x8a: {  	s1 =	srdreg.scid  }
0x8b: {  	s0 =	sand.u32 $0x1, s1  }
0x8c: {  	s17 =	sshll.u32 s0, $0xA;
	s2 =	sadd.s32 s3, s2  }
0x8d: {  	s2 =	sadd.s32 s2, s17  }
0x8e: {  	[smem:$0x3FC6] =	sst s2  }
0x8f: {  	_ = 	snop  }
0x90: {  	s2 =	sld [smem:$0x3FD0];
	(tm) =	ssettm $0x1  }
0x91: {  	s18 =	sld [smem:$0x3FFB];
	_ =	sdelay $0x3  }
0x92: {  	_ =	strace s18  }
0x93: {  	s3 =	sld [smem:$0x3FFC];
	_ =	sdelay $0x3  }
0x94: {  	_ =	strace s3  }
0x95: {  	s3 =	sld [smem:$0x3FFD];
	_ =	sdelay $0x3  }
0x96: {  	_ =	strace s3  }
0x97: {  	_ =	strace $0x8FFFFFFF  }
0x98: {  	s19 =	sld [smem:$0x3FDB];
	_ =	sdelay $0x1  }
0x99: {  	s4 =	simm.s32 $_scs_section_size  }
0x9a: {  	s5 =	simm.s32 $_size__tile_overlayer_lowered;
	s6 =	simm.s32 $_tile_overlayer_lowered  }
0x9b: {  	s22 =	simm.s32 $0x1BFF;
	s21 =	sshll.u32 s6, $0x1;
	s3 =	sadd.s32 s4, s19  }
0x9c: {  	s7 =	simm.s32 $0x0;
	s20 =	sshll.u32 s5, $0x1;
	s5 =	sadd.s32 s21, s3  }
0x9d: {  	[timem:s7], [sflag:s22] =	dma.local [hbm:s5], s20  }
0x9e: {  	_ =	swait.ge [sflag:s22], s20  }
0x9f: {  	s4 =	ssub.s32 $0x0, s20;
	[sflag:s22] =	ssyncset.done $0x0  }
0xa0: {  	[sflag:s22] =	ssyncadd.s32 s4;
	_ =	sdelay $0x1  }
0xa1: {  	s23 =	simm.s32 $0x1B8B  }
0xa2: {  	_ =	swait.ge [sflag:s23], $0x1  }
0xa3: {  	[sflag:s23] =	ssyncset.done $0x0  }
0xa4: {  	s25 =	simm.s32 $0x1B8E;
	s24 =	sld [smem:$0x3FFE];
	[sflag:s23] =	ssyncadd.s32 $0xFFFFFFFF  }
0xa5: {  	s26 =	simm.s32 $execute0_lowered;
	[smem:$0x3FD2] =	sst s25  }
0xa6: {  	s5 =	sshll.u32 s26, $0x1;
	_ =	strace $0x80000049;
	[dreg:$0x1] =	wrdreg $0xFFFFFFFF  }
0xa7: {  	s28 =	simm.s32 $_size_execute0_lowered;
	s3 =	sadd.s32 s3, s5;
	[dreg:$0x0] =	wrdreg $0x0  }
0xa8: {  	s5 =	sshll.u32 s28, $0x1;
	[dreg:$0x2] =	wrdreg s3  }
0xa9: {  	[dreg:$0x3] =	wrdreg s5  }
0xaa: {  	[dreg:$0x4] =	wrdreg $0xC0  }
0xab: {  	_ =	task [dreg:s7], $0x5FFFF  }
0xac: {  	[dreg:$0x1] =	wrdreg $0xFFFFFFFF  }
0xad: {  	[dreg:$0x0] =	wrdreg $0x60  }
0xae: {  	[dreg:$0x2] =	wrdreg s2  }
0xaf: {  	[dreg:$0x3] =	wrdreg s24  }
0xb0: {  	[dreg:$0x4] =	wrdreg $0x9  }
0xb1: {  	_ =	task.clear_ibuf [dreg:s7], $0x5FFFF;
	_ =	strace $0x90000049  }
0xb2: {  	s29 =	simm.s32 $0x9;
	_ =	strace $0x8000004B  }
0xb3: {  	_ =	swait.ge [sflag:s29], $0x1  }
0xb4: {  	[sflag:s29] =	ssyncadd.s32 $0xFFFFFFFF  }
0xb5: {  	_ =	strace $0x9000004B  }
0xb6: {  	_ =	sfence  }
0xb7: {  	s30 =	sld [smem:$0x0];
	_ =	sdelay $0x2  }
0xb8: {  	s31 =	sshll.u32 s1, $0xD;
	s1 =	sshrl.u32 s1, $0x2  }
0xb9: {  	s3 =	sand.u32 $0x4000, s31;
	s1 =	sadd.s32 s1, s30  }
0xba: {  	s0 =	sor.u32 s3, s0;
	s1 =	sshll.u32 s1, $0x11  }
0xbb: {  	s0 =	sor.u32 s1, s0  }
0xbc: {  	s0 =	sadd.s32 $0x8F2B, s0  }
0xbd: {  	[sflag:s0] =	ssyncadd.remote.s32 $0x1  }
0xbe: {  	_ =	sfence.sel $0xFFFF  }
0xbf: {  	[dreg:$0x0] =	wrdreg $0xFFFFFFFF;
	(pc) =	sbr.abs _section_cstart, $3  }
0xc0: {  	[dreg:$0x1] =	wrdreg $0xFFFFFFFF  }
0xc1: {  	_ =	task.clear_ibuf [dreg:s7], $0x2FFFF;
	_ =	strace $0x9FFFFFFF  }
0xc2: {  	(tm) =	ssettm $0x7FFFFFFF  }
0xc3: {  	_ =	shalt  }
tec
execute0_lowered:
.L_overlay_start_1:
0x0: {  	(tag) =	ssettag $0x1  }
0x1: {  	s0 =	srdreg.scid  }
0x2: {  	s11 =	stileid.u32;
	s5 =	rddreg [dreg:$0x0]  }
0x3: {  	s3 =	rddreg [dreg:$0x1];
	s0 =	sand.u32 $0x1, s0;
	s1 =	sshll.u32 s11, $0x1  }
0x4: {  	s8 =	sadd.s32 $0xC00, s3;
	s2 =	sor.u32 s0, s1;
	s7 =	ssub.s32 $0x2, s0  }
0x5: {  	s1 =	smax.u32 s2, $0x18;
	s15 =	sshrl.u32 s7, $0x1;
	s0 =	sshll.u32 s2, $0xC  }
0x6: {  	s4 =	sadd.s32 $0xFFFFFFE8, s1;
	s1 =	simm.s32 $0x0;
	s7 =	ssub.s32 s7, s15  }
0x7: {  	s2 =	sor.u32 $0x20000, s0;
	s16 =	sor.u32 $0x40000, s0;
	s9 =	sor.u32 $0x60000, s0  }
0x8: {  	s17 =	sor.u32 $0x80000, s0;
	s10 =	sor.u32 $0xA0000, s0;
	s12 =	sor.u32 $0xC0000, s0  }
0x9: {  	s13 =	sor.u32 $0xE0000, s0;
	s14 =	sor.u32 $0x100000, s0;
	s15 =	sor.u32 $0x120000, s0  }
0xa: {  	s6 =	sshll.u32 s4, $0x6;
	[smem:$0x7FF] =	sst s1;
	s18 =	sadd.s32 s5, s2  }
0xb: {  	s19 =	sadd.s32 s5, s16;
	s20 =	sadd.s32 s5, s9;
	s21 =	sadd.s32 s8, s2  }
0xc: {  	s22 =	sadd.s32 s5, s17;
	s23 =	sadd.s32 s8, s16;
	s24 =	sadd.s32 s5, s10  }
0xd: {  	s25 =	sadd.s32 s8, s9;
	s26 =	sadd.s32 s5, s12;
	s9 =	sadd.s32 s8, s12  }
0xe: {  	s28 =	sadd.s32 s8, s17;
	s2 =	sadd.s32 s8, s13;
	[dreg:$0x3] =	wrdreg s9  }
0xf: {  	s30 =	sadd.s32 s8, s10;
	s17 =	sadd.s32 s5, s15;
	[dreg:$0x4] =	wrdreg s2  }
0x10: {  	s16 =	sor.u32 $0x140000, s0;
	s10 =	sadd.s32 s8, s15;
	[dreg:$0x6] =	wrdreg s17  }
0x11: {  	s6 =	sadd.s32 s6, s3;
	s3 =	sadd.s32 s8, s14;
	[dreg:$0x7] =	wrdreg s10  }
0x12: {  	s29 =	sadd.s32 s5, s13;
	s12 =	sadd.s32 s5, s16;
	[dreg:$0x5] =	wrdreg s3  }
0x13: {  	s13 =	sor.u32 $0x160000, s0;
	s2 =	sadd.s32 s8, s16;
	[dreg:$0x8] =	wrdreg s12  }
0x14: {  	s31 =	sadd.s32 s5, s14;
	s15 =	sadd.s32 s5, s13;
	[dreg:$0x9] =	wrdreg s2  }
0x15: {  	s14 =	sor.u32 $0x180000, s0;
	[dreg:$0xa] =	wrdreg s15;
	s2 =	sadd.s32 s8, s13  }
0x16: {  	s16 =	sadd.s32 s5, s14;
	[dreg:$0xb] =	wrdreg s2  }
0x17: {  	s10 =	sor.u32 $0x1C0000, s0;
	s17 =	sadd.s32 s8, s14;
	[dreg:$0xc] =	wrdreg s16  }
0x18: {  	s13 =	sadd.s32 s5, s10;
	[dreg:$0xd] =	wrdreg s17  }
0x19: {  	s3 =	sor.u32 $0x1A0000, s0;
	s14 =	sadd.s32 s8, s10;
	[dreg:$0x10] =	wrdreg s13  }
0x1a: {  	s12 =	sadd.s32 s5, s3;
	[dreg:$0x11] =	wrdreg s14  }
0x1b: {  	s15 =	sor.u32 $0x1E0000, s0;
	s2 =	sadd.s32 s8, s3;
	[dreg:$0xe] =	wrdreg s12  }
0x1c: {  	s17 =	sadd.s32 s5, s15;
	[dreg:$0xf] =	wrdreg s2  }
0x1d: {  	s16 =	sor.u32 $0x200000, s0;
	[dreg:$0x12] =	wrdreg s17;
	s2 =	sadd.s32 s8, s15  }
0x1e: {  	s10 =	sadd.s32 s5, s16;
	[dreg:$0x13] =	wrdreg s2  }
0x1f: {  	s13 =	sor.u32 $0x220000, s0;
	s12 =	sadd.s32 s8, s16;
	[dreg:$0x14] =	wrdreg s10  }
0x20: {  	s14 =	sor.u32 $0x240000, s0;
	s15 =	sadd.s32 s5, s13;
	[dreg:$0x15] =	wrdreg s12  }
0x21: {  	s16 =	sadd.s32 s5, s14;
	[dreg:$0x16] =	wrdreg s15  }
0x22: {  	s17 =	sadd.s32 s8, s14;
	[dreg:$0x18] =	wrdreg s16  }
0x23: {  	s3 =	sor.u32 $0x260000, s0;
	s2 =	sadd.s32 s8, s13;
	[dreg:$0x19] =	wrdreg s17  }
0x24: {  	s12 =	sadd.s32 s5, s3;
	[dreg:$0x17] =	wrdreg s2  }
0x25: {  	s10 =	sor.u32 $0x280000, s0;
	[dreg:$0x1a] =	wrdreg s12;
	s2 =	sadd.s32 s8, s3  }
0x26: {  	s13 =	sadd.s32 s5, s10;
	[dreg:$0x1b] =	wrdreg s2  }
0x27: {  	s15 =	sor.u32 $0x2A0000, s0;
	s14 =	sadd.s32 s8, s10;
	[dreg:$0x1c] =	wrdreg s13  }
0x28: {  	s16 =	sor.u32 $0x2C0000, s0;
	s17 =	sadd.s32 s5, s15;
	[dreg:$0x1d] =	wrdreg s14  }
0x29: {  	s10 =	sadd.s32 s5, s16;
	[dreg:$0x1e] =	wrdreg s17  }
0x2a: {  	s12 =	sadd.s32 s8, s16;
	[smem:$0x7E8] =	sst s10  }
0x2b: {  	s3 =	sor.u32 $0x320000, s0;
	s2 =	sadd.s32 s8, s15;
	[smem:$0x7E9] =	sst s12  }
0x2c: {  	s13 =	sor.u32 $0x2E0000, s0;
	s12 =	sadd.s32 s5, s3;
	[dreg:$0x1f] =	wrdreg s2  }
0x2d: {  	s15 =	sadd.s32 s5, s13;
	[smem:$0x7EE] =	sst s12  }
0x2e: {  	s14 =	sor.u32 $0x300000, s0;
	s2 =	sadd.s32 s8, s13;
	[smem:$0x7EA] =	sst s15  }
0x2f: {  	s16 =	sadd.s32 s5, s14;
	[smem:$0x7EB] =	sst s2  }
0x30: {  	s10 =	sor.u32 $0x340000, s0;
	s17 =	sadd.s32 s8, s14;
	[smem:$0x7EC] =	sst s16  }
0x31: {  	s13 =	sadd.s32 s5, s10;
	[smem:$0x7ED] =	sst s17  }
0x32: {  	s14 =	sadd.s32 s8, s10;
	[smem:$0x7F0] =	sst s13  }
0x33: {  	s2 =	sadd.s32 s8, s3;
	[smem:$0x7F1] =	sst s14  }
0x34: {  	s13 =	sadd.s32 s5, s0;
	[smem:$0x7EF] =	sst s2  }
0x35: {  	s15 =	sor.u32 $0x360000, s0;
	s14 =	sadd.s32 s8, s0;
	[smem:$0x7F6] =	sst s13  }
0x36: {  	p0 =	sgt.u32 s11, $0xB;
	s17 =	sadd.s32 s5, s15;
	[smem:$0x7F7] =	sst s14  }
0x37: {  	s16 =	sor.u32 $0x380000, s0;
	s2 =	sadd.s32 s8, s15;
	[smem:$0x7F2] =	sst s17  }
0x38: {  	s11 =	simm.s32 $0x5;
	s10 =	sadd.s32 s5, s16;
	[smem:$0x7F3] =	sst s2  }
0x39: {  	s9 =	simm.s32 $0x4;
	s12 =	sadd.s32 s8, s16;
	[smem:$0x7F4] =	sst s10  }
0x3a: {  	s15 =	sor.u32 $0x3A0000, s0;
	s16 =	sor.u32 $0x3C0000, s0;
	[smem:$0x7F5] =	sst s12  }
0x3b: {  	s17 =	sor.u32 $0x3E0000, s0;
	s12 =	sadd.s32 s5, s15;
	s13 =	sadd.s32 s8, s15  }
0x3c: {  	s2 =	sadd.s32 s5, s16;
	s3 =	sadd.s32 s8, s16;
	s10 =	sshll.u32 s4, $0xC  }
0x3d: {  	s16 =	sadd.s32 $0xA00, s6;
	s6 =	simm.s32 $0x8000;
	[smem:$0x7F8] =	sst s12  }
0x3e: {  	[smem:$0x7F9] =	sst s13;
	s4 =	sadd.s32 s5, s17;
	s5 =	sadd.s32 s10, s5  }
0x3f: {  	s10 =	sadd.s32 s10, s8;
	s14 =	sadd.s32 s8, s17;
	s8 =	simm.s32 $0x1  }
.Ltmp0:
0x40: {  	s12 =	simm.s32 $0x3;
	s13 =	simm.s32 $0x6;
	(pc) =	sbr.rel .LBB2_1-.Ltmp0, $4  }
0x41: {  	[smem:$0x7FA] =	sst s14;
	s15 =	sadd.s32 $0x3F0000, s5;
	s17 =	sadd.s32 $0x3F8000, s10  }
0x42: {  	s5 =	smax.u32 s7, $0x1;
	_ =	strace $0x8000004A;
	[smem:$0x7FB] =	sst s15  }
0x43: {  	s7 =	simm.s32 $0x10000;
	s10 =	simm.s32 $0x2;
	[smem:$0x7FC] =	sst s16  }
0x44: {  	s14 =	simm.s32 $0x7;
	[smem:$0x7FD] =	sst s17;
	s15 =	simm.s32 $0x0  }
.LBB2_2:
0x45: {  	_ =	swait.ge [sflag:s10], $0x8000  }
0x46: {  	s0 =	sld [smem:$0x7FA]  }
0x47: {  	[sflag:s10] =	ssyncset.done $0x0  }
0x48: {  	[sflag:s10] =	ssyncadd.s32 $0xFFFF8000  }
0x49: {  	[hbm4b:s0+s1] =	stream.linear.scatter [tilespmem:s6], [sflag:$0x5], $0x8000, $0x38;
	[tilespmem:$0x18200] =	vst v63  }
0x4a: {  	_ =	swait.ge [sflag:s13], $0x8000  }
0x4b: {  	[sflag:s13] =	ssyncset.done $0x0  }
0x4c: {  	[sflag:s13] =	ssyncadd.s32 $0xFFFF8000  }
0x4d: {  	_ =	swait.ge [sflag:s9], $0x8000  }
0x4e: {  	[sflag:s9] =	ssyncset.done $0x0  }
0x4f: {  	s16 =	simm.s32 $0x5;
	[sflag:s9] =	ssyncadd.s32 $0xFFFF8000  }
.LBB2_6:
0x50: {  	s15 =	sadd.s32 $0x1, s15  }
0x51: {  	p1 =	sne.s32 s15, s5  }
.Ltmp1:
0x52: {  	_ = 	snop;
	(pc) =	sbr.rel @!p1 .LBB2_7-.Ltmp1, $4  }
0x53: {  	_ = 	snop  }
0x54: {  	_ =	swait.ge [sflag:s16], $0x8000  }
0x55: {  	[sflag:s16] =	ssyncset.done $0x0  }
0x56: {  	[sflag:s16] =	ssyncadd.s32 $0xFFFF8000  }
.LBB2_1:
0x57: {  	s0 =	sld [smem:$0x7F6];
	_ =	sdelay $0x2  }
0x58: {  	[tilespmem:s1], [sflag:$0x1] =	stream.linear.gather [hbm4b:s0+s1], $0x8000, $0x38;
	[tilespmem:$0x18200] =	vst v63  }
0x59: {  	_ = 	snop  }
0x5a: {  	[tilespmem:s6], [sflag:$0x2] =	stream.linear.gather [hbm4b:s18+s1], $0x8000, $0x38;
	[tilespmem:$0x18200] =	vst v63  }
0x5b: {  	_ = 	snop  }
0x5c: {  	[tilespmem:s7], [sflag:$0x3] =	stream.linear.gather [hbm4b:s19+s1], $0x8000, $0x38;
	[tilespmem:$0x18200] =	vst v63  }
0x5d: {  	_ =	swait.ge [sflag:s8], $0x8000  }
0x5e: {  	s16 =	sld [smem:$0x7F7]  }
0x5f: {  	[sflag:s8] =	ssyncset.done $0x0  }
0x60: {  	[sflag:s8] =	ssyncadd.s32 $0xFFFF8000  }
0x61: {  	[hbm4b:s16+s1] =	stream.linear.scatter [tilespmem:s1], [sflag:$0x4], $0x8000, $0x38;
	[tilespmem:$0x18200] =	vst v63  }
0x62: {  	_ =	swait.ge [sflag:s9], $0x8000  }
0x63: {  	[sflag:s9] =	ssyncset.done $0x0  }
0x64: {  	[sflag:s9] =	ssyncadd.s32 $0xFFFF8000  }
0x65: {  	[tilespmem:s1], [sflag:$0x1] =	stream.linear.gather [hbm4b:s20+s1], $0x8000, $0x38;
	[tilespmem:$0x18200] =	vst v63  }
0x66: {  	_ =	swait.ge [sflag:s10], $0x8000  }
0x67: {  	[sflag:s10] =	ssyncset.done $0x0  }
0x68: {  	[sflag:s10] =	ssyncadd.s32 $0xFFFF8000  }
0x69: {  	[hbm4b:s21+s1] =	stream.linear.scatter [tilespmem:s6], [sflag:$0x5], $0x8000, $0x38;
	[tilespmem:$0x18200] =	vst v63  }
0x6a: {  	_ =	swait.ge [sflag:s11], $0x8000  }
0x6b: {  	[sflag:s11] =	ssyncset.done $0x0  }
0x6c: {  	[sflag:s11] =	ssyncadd.s32 $0xFFFF8000  }
0x6d: {  	[tilespmem:s6], [sflag:$0x2] =	stream.linear.gather [hbm4b:s22+s1], $0x8000, $0x38;
	[tilespmem:$0x18200] =	vst v63  }
0x6e: {  	_ =	swait.ge [sflag:s12], $0x8000  }
0x6f: {  	[sflag:s12] =	ssyncset.done $0x0  }
0x70: {  	[sflag:s12] =	ssyncadd.s32 $0xFFFF8000  }
0x71: {  	[hbm4b:s23+s1] =	stream.linear.scatter [tilespmem:s7], [sflag:$0x6], $0x8000, $0x38;
	[tilespmem:$0x18200] =	vst v63  }
0x72: {  	_ =	swait.ge [sflag:s13], $0x8000  }
0x73: {  	[sflag:s13] =	ssyncset.done $0x0  }
0x74: {  	[sflag:s13] =	ssyncadd.s32 $0xFFFF8000  }
0x75: {  	[tilespmem:s7], [sflag:$0x3] =	stream.linear.gather [hbm4b:s24+s1], $0x8000, $0x38;
	[tilespmem:$0x18200] =	vst v63  }
0x76: {  	_ =	swait.ge [sflag:s8], $0x8000  }
0x77: {  	[sflag:s8] =	ssyncset.done $0x0  }
0x78: {  	[sflag:s8] =	ssyncadd.s32 $0xFFFF8000  }
0x79: {  	[hbm4b:s25+s1] =	stream.linear.scatter [tilespmem:s1], [sflag:$0x4], $0x8000, $0x38;
	[tilespmem:$0x18200] =	vst v63  }
0x7a: {  	_ =	swait.ge [sflag:s9], $0x8000  }
0x7b: {  	[sflag:s9] =	ssyncset.done $0x0  }
0x7c: {  	[sflag:s9] =	ssyncadd.s32 $0xFFFF8000  }
0x7d: {  	[tilespmem:s1], [sflag:$0x1] =	stream.linear.gather [hbm4b:s26+s1], $0x8000, $0x38;
	[tilespmem:$0x18200] =	vst v63  }
0x7e: {  	_ =	swait.ge [sflag:s10], $0x8000  }
0x7f: {  	[sflag:s10] =	ssyncset.done $0x0  }
0x80: {  	[sflag:s10] =	ssyncadd.s32 $0xFFFF8000  }
0x81: {  	[hbm4b:s28+s1] =	stream.linear.scatter [tilespmem:s6], [sflag:$0x5], $0x8000, $0x38;
	[tilespmem:$0x18200] =	vst v63  }
0x82: {  	_ =	swait.ge [sflag:s11], $0x8000  }
0x83: {  	[sflag:s11] =	ssyncset.done $0x0  }
0x84: {  	[sflag:s11] =	ssyncadd.s32 $0xFFFF8000  }
0x85: {  	[tilespmem:s6], [sflag:$0x2] =	stream.linear.gather [hbm4b:s29+s1], $0x8000, $0x38;
	[tilespmem:$0x18200] =	vst v63  }
0x86: {  	_ =	swait.ge [sflag:s12], $0x8000  }
0x87: {  	[sflag:s12] =	ssyncset.done $0x0  }
0x88: {  	[sflag:s12] =	ssyncadd.s32 $0xFFFF8000  }
0x89: {  	[hbm4b:s30+s1] =	stream.linear.scatter [tilespmem:s7], [sflag:$0x6], $0x8000, $0x38;
	[tilespmem:$0x18200] =	vst v63  }
0x8a: {  	_ =	swait.ge [sflag:s13], $0x8000  }
0x8b: {  	[sflag:s13] =	ssyncset.done $0x0  }
0x8c: {  	[sflag:s13] =	ssyncadd.s32 $0xFFFF8000  }
0x8d: {  	[tilespmem:s7], [sflag:$0x3] =	stream.linear.gather [hbm4b:s31+s1], $0x8000, $0x38;
	[tilespmem:$0x18200] =	vst v63  }
0x8e: {  	_ =	swait.ge [sflag:s8], $0x8000  }
0x8f: {  	[sflag:s8] =	ssyncset.done $0x0  }
0x90: {  	s17 =	rddreg [dreg:$0x3];
	[sflag:s8] =	ssyncadd.s32 $0xFFFF8000  }
0x91: {  	[hbm4b:s17+s1] =	stream.linear.scatter [tilespmem:s1], [sflag:$0x4], $0x8000, $0x38;
	[tilespmem:$0x18200] =	vst v63  }
0x92: {  	_ =	swait.ge [sflag:s9], $0x8000  }
0x93: {  	[sflag:s9] =	ssyncset.done $0x0  }
0x94: {  	s16 =	rddreg [dreg:$0x6];
	[sflag:s9] =	ssyncadd.s32 $0xFFFF8000  }
0x95: {  	[tilespmem:s1], [sflag:$0x1] =	stream.linear.gather [hbm4b:s16+s1], $0x8000, $0x38;
	[tilespmem:$0x18200] =	vst v63  }
0x96: {  	_ =	swait.ge [sflag:s10], $0x8000  }
0x97: {  	[sflag:s10] =	ssyncset.done $0x0  }
0x98: {  	s17 =	rddreg [dreg:$0x4];
	[sflag:s10] =	ssyncadd.s32 $0xFFFF8000  }
0x99: {  	[hbm4b:s17+s1] =	stream.linear.scatter [tilespmem:s6], [sflag:$0x5], $0x8000, $0x38;
	[tilespmem:$0x18200] =	vst v63  }
0x9a: {  	_ =	swait.ge [sflag:s11], $0x8000  }
0x9b: {  	[sflag:s11] =	ssyncset.done $0x0  }
0x9c: {  	s16 =	rddreg [dreg:$0x8];
	[sflag:s11] =	ssyncadd.s32 $0xFFFF8000  }
0x9d: {  	[tilespmem:s6], [sflag:$0x2] =	stream.linear.gather [hbm4b:s16+s1], $0x8000, $0x38;
	[tilespmem:$0x18200] =	vst v63  }
0x9e: {  	_ =	swait.ge [sflag:s12], $0x8000  }
0x9f: {  	[sflag:s12] =	ssyncset.done $0x0  }
0xa0: {  	s17 =	rddreg [dreg:$0x5];
	[sflag:s12] =	ssyncadd.s32 $0xFFFF8000  }
0xa1: {  	[hbm4b:s17+s1] =	stream.linear.scatter [tilespmem:s7], [sflag:$0x6], $0x8000, $0x38;
	[tilespmem:$0x18200] =	vst v63  }
0xa2: {  	_ =	swait.ge [sflag:s13], $0x8000  }
0xa3: {  	[sflag:s13] =	ssyncset.done $0x0  }
0xa4: {  	s16 =	rddreg [dreg:$0xa];
	[sflag:s13] =	ssyncadd.s32 $0xFFFF8000  }
0xa5: {  	[tilespmem:s7], [sflag:$0x3] =	stream.linear.gather [hbm4b:s16+s1], $0x8000, $0x38;
	[tilespmem:$0x18200] =	vst v63  }
0xa6: {  	_ =	swait.ge [sflag:s8], $0x8000  }
0xa7: {  	[sflag:s8] =	ssyncset.done $0x0  }
0xa8: {  	s17 =	rddreg [dreg:$0x7];
	[sflag:s8] =	ssyncadd.s32 $0xFFFF8000  }
0xa9: {  	[hbm4b:s17+s1] =	stream.linear.scatter [tilespmem:s1], [sflag:$0x4], $0x8000, $0x38;
	[tilespmem:$0x18200] =	vst v63  }
0xaa: {  	_ =	swait.ge [sflag:s9], $0x8000  }
0xab: {  	[sflag:s9] =	ssyncset.done $0x0  }
0xac: {  	s16 =	rddreg [dreg:$0xc];
	[sflag:s9] =	ssyncadd.s32 $0xFFFF8000  }
0xad: {  	[tilespmem:s1], [sflag:$0x1] =	stream.linear.gather [hbm4b:s16+s1], $0x8000, $0x38;
	[tilespmem:$0x18200] =	vst v63  }
0xae: {  	_ =	swait.ge [sflag:s10], $0x8000  }
0xaf: {  	[sflag:s10] =	ssyncset.done $0x0  }
0xb0: {  	s17 =	rddreg [dreg:$0x9];
	[sflag:s10] =	ssyncadd.s32 $0xFFFF8000  }
0xb1: {  	[hbm4b:s17+s1] =	stream.linear.scatter [tilespmem:s6], [sflag:$0x5], $0x8000, $0x38;
	[tilespmem:$0x18200] =	vst v63  }
0xb2: {  	_ =	swait.ge [sflag:s11], $0x8000  }
0xb3: {  	[sflag:s11] =	ssyncset.done $0x0  }
0xb4: {  	s16 =	rddreg [dreg:$0xe];
	[sflag:s11] =	ssyncadd.s32 $0xFFFF8000  }
0xb5: {  	[tilespmem:s6], [sflag:$0x2] =	stream.linear.gather [hbm4b:s16+s1], $0x8000, $0x38;
	[tilespmem:$0x18200] =	vst v63  }
0xb6: {  	_ =	swait.ge [sflag:s12], $0x8000  }
0xb7: {  	[sflag:s12] =	ssyncset.done $0x0  }
0xb8: {  	s17 =	rddreg [dreg:$0xb];
	[sflag:s12] =	ssyncadd.s32 $0xFFFF8000  }
0xb9: {  	[hbm4b:s17+s1] =	stream.linear.scatter [tilespmem:s7], [sflag:$0x6], $0x8000, $0x38;
	[tilespmem:$0x18200] =	vst v63  }
0xba: {  	_ =	swait.ge [sflag:s13], $0x8000  }
0xbb: {  	[sflag:s13] =	ssyncset.done $0x0  }
0xbc: {  	s16 =	rddreg [dreg:$0x10];
	[sflag:s13] =	ssyncadd.s32 $0xFFFF8000  }
0xbd: {  	[tilespmem:s7], [sflag:$0x3] =	stream.linear.gather [hbm4b:s16+s1], $0x8000, $0x38;
	[tilespmem:$0x18200] =	vst v63  }
0xbe: {  	_ =	swait.ge [sflag:s8], $0x8000  }
0xbf: {  	[sflag:s8] =	ssyncset.done $0x0  }
0xc0: {  	s17 =	rddreg [dreg:$0xd];
	[sflag:s8] =	ssyncadd.s32 $0xFFFF8000  }
0xc1: {  	[hbm4b:s17+s1] =	stream.linear.scatter [tilespmem:s1], [sflag:$0x4], $0x8000, $0x38;
	[tilespmem:$0x18200] =	vst v63  }
0xc2: {  	_ =	swait.ge [sflag:s9], $0x8000  }
0xc3: {  	[sflag:s9] =	ssyncset.done $0x0  }
0xc4: {  	s16 =	rddreg [dreg:$0x12];
	[sflag:s9] =	ssyncadd.s32 $0xFFFF8000  }
0xc5: {  	[tilespmem:s1], [sflag:$0x1] =	stream.linear.gather [hbm4b:s16+s1], $0x8000, $0x38;
	[tilespmem:$0x18200] =	vst v63  }
0xc6: {  	_ =	swait.ge [sflag:s10], $0x8000  }
0xc7: {  	[sflag:s10] =	ssyncset.done $0x0  }
0xc8: {  	s17 =	rddreg [dreg:$0xf];
	[sflag:s10] =	ssyncadd.s32 $0xFFFF8000  }
0xc9: {  	[hbm4b:s17+s1] =	stream.linear.scatter [tilespmem:s6], [sflag:$0x5], $0x8000, $0x38;
	[tilespmem:$0x18200] =	vst v63  }
0xca: {  	_ =	swait.ge [sflag:s11], $0x8000  }
0xcb: {  	[sflag:s11] =	ssyncset.done $0x0  }
0xcc: {  	s16 =	rddreg [dreg:$0x14];
	[sflag:s11] =	ssyncadd.s32 $0xFFFF8000  }
0xcd: {  	[tilespmem:s6], [sflag:$0x2] =	stream.linear.gather [hbm4b:s16+s1], $0x8000, $0x38;
	[tilespmem:$0x18200] =	vst v63  }
0xce: {  	_ =	swait.ge [sflag:s12], $0x8000  }
0xcf: {  	[sflag:s12] =	ssyncset.done $0x0  }
0xd0: {  	s17 =	rddreg [dreg:$0x11];
	[sflag:s12] =	ssyncadd.s32 $0xFFFF8000  }
0xd1: {  	[hbm4b:s17+s1] =	stream.linear.scatter [tilespmem:s7], [sflag:$0x6], $0x8000, $0x38;
	[tilespmem:$0x18200] =	vst v63  }
0xd2: {  	_ =	swait.ge [sflag:s13], $0x8000  }
0xd3: {  	[sflag:s13] =	ssyncset.done $0x0  }
0xd4: {  	s16 =	rddreg [dreg:$0x16];
	[sflag:s13] =	ssyncadd.s32 $0xFFFF8000  }
0xd5: {  	[tilespmem:s7], [sflag:$0x3] =	stream.linear.gather [hbm4b:s16+s1], $0x8000, $0x38;
	[tilespmem:$0x18200] =	vst v63  }
0xd6: {  	_ =	swait.ge [sflag:s8], $0x8000  }
0xd7: {  	[sflag:s8] =	ssyncset.done $0x0  }
0xd8: {  	s17 =	rddreg [dreg:$0x13];
	[sflag:s8] =	ssyncadd.s32 $0xFFFF8000  }
0xd9: {  	[hbm4b:s17+s1] =	stream.linear.scatter [tilespmem:s1], [sflag:$0x4], $0x8000, $0x38;
	[tilespmem:$0x18200] =	vst v63  }
0xda: {  	_ =	swait.ge [sflag:s9], $0x8000  }
0xdb: {  	[sflag:s9] =	ssyncset.done $0x0  }
0xdc: {  	s16 =	rddreg [dreg:$0x18];
	[sflag:s9] =	ssyncadd.s32 $0xFFFF8000  }
0xdd: {  	[tilespmem:s1], [sflag:$0x1] =	stream.linear.gather [hbm4b:s16+s1], $0x8000, $0x38;
	[tilespmem:$0x18200] =	vst v63  }
0xde: {  	_ =	swait.ge [sflag:s10], $0x8000  }
0xdf: {  	[sflag:s10] =	ssyncset.done $0x0  }
0xe0: {  	s17 =	rddreg [dreg:$0x15];
	[sflag:s10] =	ssyncadd.s32 $0xFFFF8000  }
0xe1: {  	[hbm4b:s17+s1] =	stream.linear.scatter [tilespmem:s6], [sflag:$0x5], $0x8000, $0x38;
	[tilespmem:$0x18200] =	vst v63  }
0xe2: {  	_ =	swait.ge [sflag:s11], $0x8000  }
0xe3: {  	[sflag:s11] =	ssyncset.done $0x0  }
0xe4: {  	s16 =	rddreg [dreg:$0x1a];
	[sflag:s11] =	ssyncadd.s32 $0xFFFF8000  }
0xe5: {  	[tilespmem:s6], [sflag:$0x2] =	stream.linear.gather [hbm4b:s16+s1], $0x8000, $0x38;
	[tilespmem:$0x18200] =	vst v63  }
0xe6: {  	_ =	swait.ge [sflag:s12], $0x8000  }
0xe7: {  	[sflag:s12] =	ssyncset.done $0x0  }
0xe8: {  	s17 =	rddreg [dreg:$0x17];
	[sflag:s12] =	ssyncadd.s32 $0xFFFF8000  }
0xe9: {  	[hbm4b:s17+s1] =	stream.linear.scatter [tilespmem:s7], [sflag:$0x6], $0x8000, $0x38;
	[tilespmem:$0x18200] =	vst v63  }
0xea: {  	_ =	swait.ge [sflag:s13], $0x8000  }
0xeb: {  	[sflag:s13] =	ssyncset.done $0x0  }
0xec: {  	s16 =	rddreg [dreg:$0x1c];
	[sflag:s13] =	ssyncadd.s32 $0xFFFF8000  }
0xed: {  	[tilespmem:s7], [sflag:$0x3] =	stream.linear.gather [hbm4b:s16+s1], $0x8000, $0x38;
	[tilespmem:$0x18200] =	vst v63  }
0xee: {  	_ =	swait.ge [sflag:s8], $0x8000  }
0xef: {  	[sflag:s8] =	ssyncset.done $0x0  }
0xf0: {  	s17 =	rddreg [dreg:$0x19];
	[sflag:s8] =	ssyncadd.s32 $0xFFFF8000  }
0xf1: {  	[hbm4b:s17+s1] =	stream.linear.scatter [tilespmem:s1], [sflag:$0x4], $0x8000, $0x38;
	[tilespmem:$0x18200] =	vst v63  }
0xf2: {  	_ =	swait.ge [sflag:s9], $0x8000  }
0xf3: {  	[sflag:s9] =	ssyncset.done $0x0  }
0xf4: {  	s16 =	rddreg [dreg:$0x1e];
	[sflag:s9] =	ssyncadd.s32 $0xFFFF8000  }
0xf5: {  	[tilespmem:s1], [sflag:$0x1] =	stream.linear.gather [hbm4b:s16+s1], $0x8000, $0x38;
	[tilespmem:$0x18200] =	vst v63  }
0xf6: {  	_ =	swait.ge [sflag:s10], $0x8000  }
0xf7: {  	[sflag:s10] =	ssyncset.done $0x0  }
0xf8: {  	s17 =	rddreg [dreg:$0x1b];
	[sflag:s10] =	ssyncadd.s32 $0xFFFF8000  }
0xf9: {  	[hbm4b:s17+s1] =	stream.linear.scatter [tilespmem:s6], [sflag:$0x5], $0x8000, $0x38;
	[tilespmem:$0x18200] =	vst v63  }
0xfa: {  	_ =	swait.ge [sflag:s11], $0x8000  }
0xfb: {  	s16 =	sld [smem:$0x7E8]  }
0xfc: {  	[sflag:s11] =	ssyncset.done $0x0  }
0xfd: {  	[sflag:s11] =	ssyncadd.s32 $0xFFFF8000  }
0xfe: {  	[tilespmem:s6], [sflag:$0x2] =	stream.linear.gather [hbm4b:s16+s1], $0x8000, $0x38;
	[tilespmem:$0x18200] =	vst v63  }
0xff: {  	_ =	swait.ge [sflag:s12], $0x8000  }
0x100: {  	[sflag:s12] =	ssyncset.done $0x0  }
0x101: {  	s17 =	rddreg [dreg:$0x1d];
	[sflag:s12] =	ssyncadd.s32 $0xFFFF8000  }
0x102: {  	[hbm4b:s17+s1] =	stream.linear.scatter [tilespmem:s7], [sflag:$0x6], $0x8000, $0x38;
	[tilespmem:$0x18200] =	vst v63  }
0x103: {  	_ =	swait.ge [sflag:s13], $0x8000  }
0x104: {  	s16 =	sld [smem:$0x7EA]  }
0x105: {  	[sflag:s13] =	ssyncset.done $0x0  }
0x106: {  	[sflag:s13] =	ssyncadd.s32 $0xFFFF8000  }
0x107: {  	[tilespmem:s7], [sflag:$0x3] =	stream.linear.gather [hbm4b:s16+s1], $0x8000, $0x38;
	[tilespmem:$0x18200] =	vst v63  }
0x108: {  	_ =	swait.ge [sflag:s8], $0x8000  }
0x109: {  	[sflag:s8] =	ssyncset.done $0x0  }
0x10a: {  	s17 =	rddreg [dreg:$0x1f];
	[sflag:s8] =	ssyncadd.s32 $0xFFFF8000  }
0x10b: {  	[hbm4b:s17+s1] =	stream.linear.scatter [tilespmem:s1], [sflag:$0x4], $0x8000, $0x38;
	[tilespmem:$0x18200] =	vst v63  }
0x10c: {  	_ =	swait.ge [sflag:s9], $0x8000  }
0x10d: {  	s16 =	sld [smem:$0x7EC]  }
0x10e: {  	[sflag:s9] =	ssyncset.done $0x0  }
0x10f: {  	[sflag:s9] =	ssyncadd.s32 $0xFFFF8000  }
0x110: {  	[tilespmem:s1], [sflag:$0x1] =	stream.linear.gather [hbm4b:s16+s1], $0x8000, $0x38;
	[tilespmem:$0x18200] =	vst v63  }
0x111: {  	_ =	swait.ge [sflag:s10], $0x8000  }
0x112: {  	s17 =	sld [smem:$0x7E9]  }
0x113: {  	[sflag:s10] =	ssyncset.done $0x0  }
0x114: {  	[sflag:s10] =	ssyncadd.s32 $0xFFFF8000  }
0x115: {  	[hbm4b:s17+s1] =	stream.linear.scatter [tilespmem:s6], [sflag:$0x5], $0x8000, $0x38;
	[tilespmem:$0x18200] =	vst v63  }
0x116: {  	_ =	swait.ge [sflag:s11], $0x8000  }
0x117: {  	s16 =	sld [smem:$0x7EE]  }
0x118: {  	[sflag:s11] =	ssyncset.done $0x0  }
0x119: {  	[sflag:s11] =	ssyncadd.s32 $0xFFFF8000  }
0x11a: {  	[tilespmem:s6], [sflag:$0x2] =	stream.linear.gather [hbm4b:s16+s1], $0x8000, $0x38;
	[tilespmem:$0x18200] =	vst v63  }
0x11b: {  	_ =	swait.ge [sflag:s12], $0x8000  }
0x11c: {  	s17 =	sld [smem:$0x7EB]  }
0x11d: {  	[sflag:s12] =	ssyncset.done $0x0  }
0x11e: {  	[sflag:s12] =	ssyncadd.s32 $0xFFFF8000  }
0x11f: {  	[hbm4b:s17+s1] =	stream.linear.scatter [tilespmem:s7], [sflag:$0x6], $0x8000, $0x38;
	[tilespmem:$0x18200] =	vst v63  }
0x120: {  	_ =	swait.ge [sflag:s13], $0x8000  }
0x121: {  	s16 =	sld [smem:$0x7F0]  }
0x122: {  	[sflag:s13] =	ssyncset.done $0x0  }
0x123: {  	[sflag:s13] =	ssyncadd.s32 $0xFFFF8000  }
0x124: {  	[tilespmem:s7], [sflag:$0x3] =	stream.linear.gather [hbm4b:s16+s1], $0x8000, $0x38;
	[tilespmem:$0x18200] =	vst v63  }
0x125: {  	_ =	swait.ge [sflag:s8], $0x8000  }
0x126: {  	s17 =	sld [smem:$0x7ED]  }
0x127: {  	[sflag:s8] =	ssyncset.done $0x0  }
0x128: {  	[sflag:s8] =	ssyncadd.s32 $0xFFFF8000  }
0x129: {  	[hbm4b:s17+s1] =	stream.linear.scatter [tilespmem:s1], [sflag:$0x4], $0x8000, $0x38;
	[tilespmem:$0x18200] =	vst v63  }
0x12a: {  	_ =	swait.ge [sflag:s9], $0x8000  }
0x12b: {  	s16 =	sld [smem:$0x7F2]  }
0x12c: {  	[sflag:s9] =	ssyncset.done $0x0  }
0x12d: {  	[sflag:s9] =	ssyncadd.s32 $0xFFFF8000  }
0x12e: {  	[tilespmem:s1], [sflag:$0x1] =	stream.linear.gather [hbm4b:s16+s1], $0x8000, $0x38;
	[tilespmem:$0x18200] =	vst v63  }
0x12f: {  	_ =	swait.ge [sflag:s10], $0x8000  }
0x130: {  	s17 =	sld [smem:$0x7EF]  }
0x131: {  	[sflag:s10] =	ssyncset.done $0x0  }
0x132: {  	[sflag:s10] =	ssyncadd.s32 $0xFFFF8000  }
0x133: {  	[hbm4b:s17+s1] =	stream.linear.scatter [tilespmem:s6], [sflag:$0x5], $0x8000, $0x38;
	[tilespmem:$0x18200] =	vst v63  }
0x134: {  	_ =	swait.ge [sflag:s11], $0x8000  }
0x135: {  	s16 =	sld [smem:$0x7F4]  }
0x136: {  	[sflag:s11] =	ssyncset.done $0x0  }
0x137: {  	[sflag:s11] =	ssyncadd.s32 $0xFFFF8000  }
0x138: {  	[tilespmem:s6], [sflag:$0x2] =	stream.linear.gather [hbm4b:s16+s1], $0x8000, $0x38;
	[tilespmem:$0x18200] =	vst v63  }
0x139: {  	_ =	swait.ge [sflag:s12], $0x8000  }
0x13a: {  	s17 =	sld [smem:$0x7F1]  }
0x13b: {  	[sflag:s12] =	ssyncset.done $0x0  }
0x13c: {  	[sflag:s12] =	ssyncadd.s32 $0xFFFF8000  }
0x13d: {  	[hbm4b:s17+s1] =	stream.linear.scatter [tilespmem:s7], [sflag:$0x6], $0x8000, $0x38;
	[tilespmem:$0x18200] =	vst v63  }
0x13e: {  	_ =	swait.ge [sflag:s13], $0x8000  }
0x13f: {  	s16 =	sld [smem:$0x7F8]  }
0x140: {  	[sflag:s13] =	ssyncset.done $0x0  }
0x141: {  	[sflag:s13] =	ssyncadd.s32 $0xFFFF8000  }
0x142: {  	[tilespmem:s7], [sflag:$0x3] =	stream.linear.gather [hbm4b:s16+s1], $0x8000, $0x38;
	[tilespmem:$0x18200] =	vst v63  }
0x143: {  	_ =	swait.ge [sflag:s8], $0x8000  }
0x144: {  	s17 =	sld [smem:$0x7F3]  }
0x145: {  	[sflag:s8] =	ssyncset.done $0x0  }
0x146: {  	[sflag:s8] =	ssyncadd.s32 $0xFFFF8000  }
0x147: {  	[hbm4b:s17+s1] =	stream.linear.scatter [tilespmem:s1], [sflag:$0x4], $0x8000, $0x38;
	[tilespmem:$0x18200] =	vst v63  }
0x148: {  	_ =	swait.ge [sflag:s9], $0x8000  }
0x149: {  	[sflag:s9] =	ssyncset.done $0x0  }
0x14a: {  	[sflag:s9] =	ssyncadd.s32 $0xFFFF8000  }
0x14b: {  	[tilespmem:s1], [sflag:$0x1] =	stream.linear.gather [hbm4b:s2+s1], $0x8000, $0x38;
	[tilespmem:$0x18200] =	vst v63  }
0x14c: {  	_ =	swait.ge [sflag:s10], $0x8000  }
0x14d: {  	s16 =	sld [smem:$0x7F5]  }
0x14e: {  	[sflag:s10] =	ssyncset.done $0x0  }
0x14f: {  	[sflag:s10] =	ssyncadd.s32 $0xFFFF8000  }
0x150: {  	[hbm4b:s16+s1] =	stream.linear.scatter [tilespmem:s6], [sflag:$0x5], $0x8000, $0x38;
	[tilespmem:$0x18200] =	vst v63  }
0x151: {  	_ =	swait.ge [sflag:s11], $0x8000  }
0x152: {  	[sflag:s11] =	ssyncset.done $0x0  }
0x153: {  	s17 =	simm.s32 @!p0 $0x8000;
	s16 =	simm.s32 @!p0 $0x0;
	[sflag:s11] =	ssyncadd.s32 $0xFFFF8000  }
0x154: {  	[tilespmem:s17], [sflag:$0x2] =	stream.linear.gather @!p0 [hbm4b:s4+s16], $0x8000, $0x38;
	[tilespmem:$0x18200] =	vst v63  }
0x155: {  	_ =	swait.ge [sflag:s12], $0x8000  }
0x156: {  	s17 =	sld [smem:$0x7F9]  }
0x157: {  	[sflag:s12] =	ssyncset.done $0x0  }
0x158: {  	[sflag:s12] =	ssyncadd.s32 $0xFFFF8000  }
0x159: {  	[hbm4b:s17+s1] =	stream.linear.scatter [tilespmem:s7], [sflag:$0x6], $0x8000, $0x38;
	[tilespmem:$0x18200] =	vst v63  }
.Ltmp2:
0x15a: {  	_ = 	snop;
	(pc) =	sbr.rel @!p0 .LBB2_2-.Ltmp2, $4  }
0x15b: {  	_ =	swait.ge [sflag:s8], $0x8000  }
0x15c: {  	[sflag:s8] =	ssyncset.done $0x0  }
0x15d: {  	[sflag:s8] =	ssyncadd.s32 $0xFFFF8000  }
0x15e: {  	[hbm4b:s3+s1] =	stream.linear.scatter [tilespmem:s1], [sflag:$0x4], $0x8000, $0x38;
	[tilespmem:$0x18200] =	vst v63  }
0x15f: {  	_ =	swait.ge [sflag:s13], $0x8000  }
0x160: {  	[sflag:s13] =	ssyncset.done $0x0  }
0x161: {  	[sflag:s13] =	ssyncadd.s32 $0xFFFF8000  }
0x162: {  	s0 =	smov.u32 s31;
	_ =	swait.ge [sflag:s9], $0x8000  }
0x163: {  	s31 =	smov.u32 s30;
	s30 =	smov.u32 s29;
	s17 =	sld [smem:$0x7FB]  }
0x164: {  	s29 =	smov.u32 s28;
	s28 =	smov.u32 s26;
	[sflag:s9] =	ssyncset.done $0x0  }
0x165: {  	s26 =	smov.u32 s25;
	s16 =	simm.s32 $0x0;
	[sflag:s9] =	ssyncadd.s32 $0xFFFF8000  }
0x166: {  	[tilespmem:s16], [sflag:$0x7] =	stream.linear.gather [hbm4b:s17+s16], $0x8000, $0x38;
	[tilespmem:$0x18200] =	vst v63  }
0x167: {  	s25 =	smov.u32 s24;
	s24 =	smov.u32 s23;
	_ =	swait.ge [sflag:s14], $0x8000  }
0x168: {  	s23 =	smov.u32 s22;
	s22 =	smov.u32 s21;
	s17 =	sld [smem:$0x7FC]  }
0x169: {  	s21 =	smov.u32 s20;
	s20 =	smov.u32 s19;
	[sflag:s14] =	ssyncset.done $0x0  }
0x16a: {  	s19 =	smov.u32 s18;
	s18 =	simm.s32 $0x18000;
	[sflag:s14] =	ssyncadd.s32 $0xFFFF8000  }
0x16b: {  	[tilespmem:s18], [sflag:$0x7] =	stream.linear.gather [hbm4b:s17+s16], $0x200, $0x38;
	[tilespmem:$0x18200] =	vst v63  }
0x16c: {  	_ =	swait.ge [sflag:s14], $0x200  }
0x16d: {  	s18 =	sand.u32 $0x7C0, s16;
	[sflag:s14] =	ssyncset.done $0x0  }
0x16e: {  	s17 =	sshrl.u32 s18, $0x2;
	[sflag:s14] =	ssyncadd.s32 $0xFFFFFE00  }
0x16f: {  	v0 =	vld [tilespmem:s17+$0x18000]  }
0x170: {  	v1 =	vld [tilespmem:s16+$0x0];
	_ =	sdelay $0x4  }
0x171: {  	s18 =	simm.s32 $0x1;
	v0 =	vadd.f32 v0, v1  }
0x172: {  	s17 =	sand.u32 $0x7C0, s18  }
0x173: {  	s18 =	sshrl.u32 s17, $0x2;
	s17 =	simm.s32 $0x2;
	[tilespmem:s16+$0x0] =	vst v0  }
.LBB2_4:
0x174: {  	p1 =	sne.s32 s17, $0x7FF;
	v0 =	vld [tilespmem:s18+$0x18000];
	s16 =	sadd.s32 $0x10, s16  }
0x175: {  	v1 =	vld [tilespmem:s16+$0x0];
	_ =	sdelay $0x2  }
.Ltmp3:
0x176: {  	(pc) =	sbr.rel @p1 .LBB2_4-.Ltmp3, $4  }
0x177: {  	_ = 	snop  }
0x178: {  	v0 =	vadd.f32 v0, v1  }
0x179: {  	s18 =	sand.u32 $0x7C0, s17  }
0x17a: {  	s17 =	sadd.s32 $0x1, s17;
	s18 =	sshrl.u32 s18, $0x2;
	[tilespmem:s16+$0x0] =	vst v0  }
0x17b: {  	v0 =	vld [tilespmem:s18+$0x18000];
	s16 =	sadd.s32 $0x10, s16  }
0x17c: {  	v1 =	vld [tilespmem:s16+$0x0];
	_ =	sdelay $0x4  }
0x17d: {  	s18 =	sld [smem:$0x7FD];
	v0 =	vadd.f32 v0, v1;
	_ =	sdelay $0x1  }
0x17e: {  	[tilespmem:s16+$0x0] =	vst v0  }
0x17f: {  	[hbm4b:s18+s1] =	stream.linear.scatter [tilespmem:s1], [sflag:$0x7], $0x8000, $0x38;
	[tilespmem:$0x18200] =	vst v63  }
.Ltmp4:
0x180: {  	s16 =	simm.s32 $0x7;
	s18 =	smov.u32 s19;
	(pc) =	sbr.rel .LBB2_6-.Ltmp4, $4  }
0x181: {  	s19 =	smov.u32 s20;
	s20 =	smov.u32 s21;
	s21 =	smov.u32 s22  }
0x182: {  	s22 =	smov.u32 s23;
	s23 =	smov.u32 s24;
	s24 =	smov.u32 s25  }
0x183: {  	s25 =	smov.u32 s26;
	s26 =	smov.u32 s28;
	s28 =	smov.u32 s29  }
0x184: {  	s29 =	smov.u32 s30;
	s30 =	smov.u32 s31;
	s31 =	smov.u32 s0  }
.LBB2_7:
0x185: {  	_ =	sfence.sel $0x180000  }
0x186: {  	[bflag:$0x0] =	sbarrier.arrive $0xFFFF  }
0x187: {  	_ =	strace $0x9000004A  }
0x188: {  	s0 =	stileid.u32;
	[bflag:$0x2] =	sbarrier.arrive $0xFFFF  }
0x189: {  	p0 =	sne.s32 s0, $0x0;
	s0 =	rddreg [dreg:$0x2]  }
0x18a: {  	s0 =	sadd.s32 @!p0 $0x100000, s0  }
0x18b: {  	[sflag:s0] =	ssyncadd.tile.s32 @!p0 $0x1;
	_ =	shalt  }
.Lfunc_end2:
_tile_overlayer_lowered:
.L_overlay_start_2:
0x18c: {  	(tag) =	ssettag $0x2  }
0x18d: {  	s0 =	rddreg [dreg:$0x0];
	s2 =	stileid.u32  }
0x18e: {  	s1 =	rddreg [dreg:$0x1];
	p0 =	sne.s32 s2, $0x0  }
0x18f: {  	s3 =	rddreg [dreg:$0x2];
	[bflag:$0x3] =	sbarrier.arrive $0xFFFF;
	s2 =	simm.s32 @!p0 $0x1C07  }
0x190: {  	[timem:s3], [sflag:s2] =	dma.local @!p0 [hbm:s0], s1  }
0x191: {  	s0 =	simm.s32 @!p0 $0x7  }
0x192: {  	_ =	swait.ge @!p0 [sflag:s0], s1  }
0x193: {  	s1 =	ssub.s32 @!p0 $0x0, s1;
	[sflag:s0] =	ssyncset.done @!p0 $0x0  }
0x194: {  	[sflag:s0] =	ssyncadd.s32 @!p0 s1  }
0x195: {  	[bflag:$0x3] =	sbarrier.arrive $0xFFFF  }
0x196: {  	_ =	shalt  }

// kernel: sparse-core-data-format-call.cloned.1.call-start
scs
called_computation_lowered:
.L_overlay_start_0:
0x0: {  	s2 =	sld [smem:$0x3FD9]  }
0x1: {  	s3 =	sld [smem:$0x3FFE];
	_ =	sdelay $0x1  }
0x2: {  	s1 =	srdreg.scid  }
0x3: {  	s0 =	sand.u32 $0x1, s1  }
0x4: {  	s19 =	sshll.u32 s0, $0xA;
	s2 =	sadd.s32 s3, s2  }
0x5: {  	s2 =	sadd.s32 s2, s19  }
0x6: {  	[smem:$0x3FC6] =	sst s2  }
0x7: {  	_ = 	snop  }
0x8: {  	s2 =	sld [smem:$0x3FC9]  }
0x9: {  	s20 =	sld [smem:$0x3FD0];
	(tm) =	ssettm $0x1  }
0xa: {  	s4 =	sld [smem:$0x3FFB];
	_ =	sdelay $0x3  }
0xb: {  	_ =	strace s4  }
0xc: {  	s4 =	sld [smem:$0x3FFC];
	_ =	sdelay $0x3  }
0xd: {  	_ =	strace s4  }
0xe: {  	s4 =	sld [smem:$0x3FFD];
	_ =	sdelay $0x3  }
0xf: {  	_ =	strace s4  }
0x10: {  	_ =	strace $0x8FFFFFFF  }
0x11: {  	s21 =	sld [smem:$0x3FDB];
	_ =	sdelay $0x1  }
0x12: {  	s5 =	simm.s32 $_scs_section_size  }
0x13: {  	s6 =	simm.s32 $_size__tile_overlayer_lowered;
	s7 =	simm.s32 $_tile_overlayer_lowered  }
0x14: {  	s24 =	simm.s32 $0x1BFF;
	s23 =	sshll.u32 s7, $0x1;
	s4 =	sadd.s32 s5, s21  }
0x15: {  	s8 =	simm.s32 $0x0;
	s22 =	sshll.u32 s6, $0x1;
	s6 =	sadd.s32 s23, s4  }
0x16: {  	[timem:s8], [sflag:s24] =	dma.local [hbm:s6], s22  }
0x17: {  	_ =	swait.ge [sflag:s24], s22  }
0x18: {  	s5 =	ssub.s32 $0x0, s22;
	[sflag:s24] =	ssyncset.done $0x0  }
0x19: {  	[sflag:s24] =	ssyncadd.s32 s5;
	_ =	sdelay $0x1  }
0x1a: {  	s25 =	simm.s32 $0x1B8B  }
0x1b: {  	_ =	swait.ge [sflag:s25], $0x1  }
0x1c: {  	[sflag:s25] =	ssyncset.done $0x0  }
0x1d: {  	s26 =	simm.s32 $0x1B8E;
	[sflag:s25] =	ssyncadd.s32 $0xFFFFFFFF  }
0x1e: {  	s27 =	simm.s32 $execute0_lowered;
	[smem:$0x3FD2] =	sst s26  }
0x1f: {  	s5 =	sshll.u32 s27, $0x1;
	_ =	strace $0x80000046;
	[dreg:$0x1] =	wrdreg $0xFFFFFFFF  }
0x20: {  	s28 =	simm.s32 $_size_execute0_lowered;
	s4 =	sadd.s32 s4, s5;
	[dreg:$0x0] =	wrdreg $0x0  }
0x21: {  	s5 =	sshll.u32 s28, $0x1;
	[dreg:$0x2] =	wrdreg s4  }
0x22: {  	[dreg:$0x3] =	wrdreg s5  }
0x23: {  	[dreg:$0x4] =	wrdreg $0xC0  }
0x24: {  	_ =	task [dreg:s8], $0x5FFFF  }
0x25: {  	[dreg:$0x1] =	wrdreg $0xFFFFFFFF  }
0x26: {  	[dreg:$0x0] =	wrdreg $0x60  }
0x27: {  	[dreg:$0x2] =	wrdreg s2  }
0x28: {  	[dreg:$0x3] =	wrdreg s20  }
0x29: {  	[dreg:$0x4] =	wrdreg $0x9  }
0x2a: {  	_ =	task.clear_ibuf [dreg:s8], $0x5FFFF;
	_ =	strace $0x90000046  }
0x2b: {  	s29 =	simm.s32 $0x9;
	_ =	strace $0x80000048  }
0x2c: {  	_ =	swait.ge [sflag:s29], $0x1  }
0x2d: {  	[sflag:s29] =	ssyncadd.s32 $0xFFFFFFFF  }
0x2e: {  	_ =	strace $0x90000048  }
0x2f: {  	_ =	sfence  }
0x30: {  	s30 =	sld [smem:$0x0];
	_ =	sdelay $0x2  }
0x31: {  	s31 =	sshll.u32 s1, $0xD;
	s1 =	sshrl.u32 s1, $0x2  }
0x32: {  	s3 =	sand.u32 $0x4000, s31;
	s1 =	sadd.s32 s1, s30  }
0x33: {  	s0 =	sor.u32 s3, s0;
	s1 =	sshll.u32 s1, $0x11  }
0x34: {  	s0 =	sor.u32 s1, s0  }
0x35: {  	s0 =	sadd.s32 $0x8F2B, s0  }
0x36: {  	[sflag:s0] =	ssyncadd.remote.s32 $0x1  }
0x37: {  	_ =	sfence.sel $0xFFFF  }
0x38: {  	[dreg:$0x0] =	wrdreg $0xFFFFFFFF;
	(pc) =	sbr.abs _section_cstart, $3  }
0x39: {  	[dreg:$0x1] =	wrdreg $0xFFFFFFFF  }
0x3a: {  	_ =	task.clear_ibuf [dreg:s8], $0x2FFFF;
	_ =	strace $0x9FFFFFFF  }
0x3b: {  	(tm) =	ssettm $0x7FFFFFFF  }
tec
execute0_lowered:
.L_overlay_start_1:
0x0: {  	(tag) =	ssettag $0x1  }
0x1: {  	s0 =	srdreg.scid  }
0x2: {  	s1 =	sshll.u32 s0, $0x4  }
0x3: {  	s2 =	rddreg [dreg:$0x0];
	s0 =	stileid.u32;
	s1 =	sand.u32 $0x10, s1  }
0x4: {  	s4 =	rddreg [dreg:$0x1];
	s1 =	sor.u32 s0, s1  }
0x5: {  	s7 =	simm.s32 $0x1;
	s8 =	simm.s32 $0x2;
	s3 =	sshll.u32 s1, $0x1  }
0x6: {  	s9 =	simm.s32 $0x0;
	s12 =	simm.s32 $0x0;
	s6 =	ssub.s32 $0x1000, s3  }
.Ltmp0:
0x7: {  	s11 =	simm.s32 $0x0;
	s5 =	sand.u32 $0x3E, s6;
	(pc) =	sbr.rel .LBB1_1-.Ltmp0, $4  }
0x8: {  	s1 =	rddreg [dreg:$0x2];
	_ =	strace $0x80000047;
	p0 =	sne.s32 s5, $0x0  }
0x9: {  	s6 =	sshrl.u32 s6, $0x6;
	s5 =	simm.s32 $0x1;
	s7 =	simm.s32 @!p0 $0x0  }
0xa: {  	s10 =	smov.u32 s3;
	[sflag:s5] =	ssyncpa.u1 $0x0;
	s6 =	sadd.s32 s7, s6  }
0xb: {  	[sflag:s8] =	ssyncpa.u1 $0x0;
	s8 =	simm.s32 $0x0;
	s7 =	sadd.s32 $0x1, s6  }
.LBB1_9:
0xc: {  	s14 =	sadd.s32 $0x40, s10  }
0xd: {  	p1 =	sgt.s32 s14, $0xFFF  }
0xe: {  	s14 =	smov.u32 @p1 s3;
	p1 =	sne.s32 s11, s7  }
.Ltmp1:
0xf: {  	p0 =	slt.u32 s11, $0x2;
	(pc) =	sbr.rel @!p1 .LBB1_10-.Ltmp1, $4  }
0x10: {  	s13 =	simm.s32 @!p0 $0x2  }
0x11: {  	s15 =	sadd.s32 $0x1, s11;
	_ =	swait.ge @!p0 [sflag:s13], $0x4000  }
0x12: {  	s12 =	smov.u32 s10;
	s9 =	sadd.s32 $0x4000, s9;
	[sflag:s13] =	ssyncset.done @!p0 $0x0  }
0x13: {  	s11 =	smov.u32 s15;
	s10 =	smov.u32 s14;
	[sflag:s13] =	ssyncadd.s32 @!p0 $0xFFFFC000  }
.LBB1_1:
0x14: {  	p0 =	sge.u32 s11, s6  }
0x15: {  	s13 =	sxor.u32 @!p0 $0xFFFFFFFF, s11  }
0x16: {  	s31 =	sadd.s32 $0xFFFFFFFF, s11;
	s14 =	sshll.u32 @!p0 s10, $0xA;
	s13 =	sshll.u32 @!p0 s13, $0xE  }
0x17: {  	s15 =	simm.s32 @!p0 $0x0;
	s14 =	sadd.s32 @!p0 s2, s14;
	s13 =	sand.u32 @!p0 $0x4000, s13  }
0x18: {  	[tilespmem:s13], [sflag:$0x1] =	stream.linear.gather @!p0 [hbm4b:s14+s15], $0x4000, $0x38;
	[tilespmem:$0x10000] =	vst v63  }
0x19: {  	p0 =	sge.u32 s31, s6  }
.Ltmp2:
0x1a: {  	_ = 	snop;
	(pc) =	sbr.rel @p0 .LBB1_9-.Ltmp2, $1  }
0x1b: {  	_ =	sdelay $0x3  }
0x1c: {  	s13 =	sshll.u32 s9, $0x2  }
0x1d: {  	_ =	swait.ge [sflag:s5], $0x4000;
	s14 =	sshll.u32 s11, $0xE;
	s16 =	simm.s32 $0x0  }
0x1e: {  	p1 =	por $0x1, $0x1;
	s13 =	sand.u32 $0x10000, s13;
	[sflag:s5] =	ssyncset.done $0x0  }
0x1f: {  	s14 =	sand.u32 $0x4000, s14;
	s15 =	sshrl.u32 s13, $0x2;
	[sflag:s5] =	ssyncadd.s32 $0xFFFFC000  }
0x20: {  	s13 =	sor.u32 $0x8000, s14;
	s14 =	sadd.s32 $0x8040, s15;
	s15 =	sadd.s32 $0x40, s15  }
.LBB1_3:
0x21: {  	s16 =	sshll.u32 s16, $0x2  }
0x22: {  	p0 =	por p1, p1;
	s17 =	sshra.s32 s16, $0x2  }
0x23: {  	s18 =	simm.s32 $0x0;
	s16 =	sadd.s32 s17, s14;
	s17 =	sadd.s32 s17, s15  }
.LBB1_4:
0x24: {  	v0 =	vmov s17;
	_ =	sdelay $0x3  }
0x25: {  	s20 =	simm.s32 $0x0  }
0x26: {  	v6 =	vld.idx.msk [tilespmem:v0+s20+$0x30 ss:$0x1], $0xffff  }
0x27: {  	v7 =	vld.idx.msk [tilespmem:v0+s20+$0xFFFFFFC0 ss:$0x1], $0xffff  }
0x28: {  	v5 =	vld.idx.msk [tilespmem:v0+s20+$0xFFFFFFD0 ss:$0x1], $0xffff  }
0x29: {  	v4 =	vld.idx.msk [tilespmem:v0+s20+$0xFFFFFFE0 ss:$0x1], $0xffff  }
0x2a: {  	v3 =	vld.idx.msk [tilespmem:v0+s20+$0xFFFFFFF0 ss:$0x1], $0xffff  }
0x2b: {  	v1 =	vld.idx.msk [tilespmem:v0+s20+$0x0 ss:$0x1], $0xffff  }
0x2c: {  	v2 =	vld.idx.msk [tilespmem:v0+s20+$0x10 ss:$0x1], $0xffff;
	[tilespmem:s16+$0x30] =	vst v6  }
0x2d: {  	s19 =	simm.s32 $0x80;
	s21 =	simm.s32 $0x400;
	[tilespmem:s16+$0xFFFFFFC0] =	vst v7;
	v6 =	vld.idx.msk [tilespmem:v0+s20+$0x20 ss:$0x1], $0xffff;
	s20 =	smov.u32 s16  }
.LBB1_5:
0x2e: {  	p1 =	sne.s32 s21, $0xE00;
	v7 =	vld.idx.msk [tilespmem:v0+s19+$0x30 ss:$0x1], $0xffff;
	[tilespmem:s20+$0xFFFFFFD0] =	vst v5  }
0x2f: {  	v8 =	vld.idx.msk [tilespmem:v0+s19+$0xFFFFFFC0 ss:$0x1], $0xffff;
	[tilespmem:s20+$0xFFFFFFE0] =	vst v4  }
0x30: {  	v5 =	vld.idx.msk [tilespmem:v0+s19+$0xFFFFFFD0 ss:$0x1], $0xffff;
	[tilespmem:s20+$0xFFFFFFF0] =	vst v3  }
.Ltmp3:
0x31: {  	v4 =	vld.idx.msk [tilespmem:v0+s19+$0xFFFFFFE0 ss:$0x1], $0xffff;
	[tilespmem:s20+$0x0] =	vst v1;
	(pc) =	sbr.rel @p1 .LBB1_5-.Ltmp3, $4  }
0x32: {  	v3 =	vld.idx.msk [tilespmem:v0+s19+$0xFFFFFFF0 ss:$0x1], $0xffff;
	[tilespmem:s20+$0x10] =	vst v2  }
0x33: {  	v1 =	vld.idx.msk [tilespmem:v0+s19+$0x0 ss:$0x1], $0xffff;
	[tilespmem:s20+$0x20] =	vst v6;
	s20 =	sadd.s32 $0x400, s20  }
0x34: {  	v2 =	vld.idx.msk [tilespmem:v0+s19+$0x10 ss:$0x1], $0xffff;
	[tilespmem:s20+$0x30] =	vst v7  }
0x35: {  	[tilespmem:s20+$0xFFFFFFC0] =	vst v8;
	v6 =	vld.idx.msk [tilespmem:v0+s19+$0x20 ss:$0x1], $0xffff;
	s19 =	sshra.s32 s21, $0x2;
	s21 =	sadd.s32 $0x200, s21  }
0x36: {  	_ =	sdelay $0x2  }
0x37: {  	[tilespmem:s20+$0xFFFFFFD0] =	vst v5  }
0x38: {  	v56 =	vld.idx.msk [tilespmem:v0+s19+$0x30 ss:$0x1], $0xffff;
	[tilespmem:s20+$0xFFFFFFE0] =	vst v4  }
0x39: {  	v57 =	vld.idx.msk [tilespmem:v0+s19+$0xFFFFFFC0 ss:$0x1], $0xffff;
	[tilespmem:s20+$0xFFFFFFF0] =	vst v3  }
0x3a: {  	v58 =	vld.idx.msk [tilespmem:v0+s19+$0xFFFFFFD0 ss:$0x1], $0xffff;
	[tilespmem:s20+$0x0] =	vst v1  }
0x3b: {  	v59 =	vld.idx.msk [tilespmem:v0+s19+$0xFFFFFFE0 ss:$0x1], $0xffff;
	[tilespmem:s20+$0x10] =	vst v2  }
0x3c: {  	v60 =	vld.idx.msk [tilespmem:v0+s19+$0xFFFFFFF0 ss:$0x1], $0xffff;
	s31 =	sadd.s32 $0x400, s20;
	[tilespmem:s20+$0x20] =	vst v6  }
0x3d: {  	v61 =	vld.idx.msk [tilespmem:v0+s19+$0x0 ss:$0x1], $0xffff;
	[tilespmem:s31+$0x30] =	vst v56  }
0x3e: {  	v62 =	vld.idx.msk [tilespmem:v0+s19+$0x10 ss:$0x1], $0xffff;
	s18 =	sadd.s32 $0x1, s18;
	[tilespmem:s31+$0xFFFFFFC0] =	vst v57  }
0x3f: {  	v63 =	vld.idx.msk [tilespmem:v0+s19+$0x20 ss:$0x1], $0xffff;
	p1 =	sne.s32 s18, $0x8;
	[tilespmem:s31+$0xFFFFFFD0] =	vst v58  }
.Ltmp4:
0x40: {  	[tilespmem:s31+$0xFFFFFFE0] =	vst v59;
	(pc) =	sbr.rel @p1 .LBB1_4-.Ltmp4, $4  }
0x41: {  	[tilespmem:s31+$0xFFFFFFF0] =	vst v60  }
0x42: {  	[tilespmem:s31+$0x0] =	vst v61  }
0x43: {  	[tilespmem:s31+$0x10] =	vst v62  }
0x44: {  	s16 =	sadd.s32 $0x80, s16;
	s17 =	sadd.s32 $0x400, s17;
	[tilespmem:s31+$0x20] =	vst v63  }
.Ltmp5:
0x45: {  	(pc) =	sbr.rel @p0 .LBB1_3-.Ltmp5, $2  }
0x46: {  	_ =	sdelay $0x2  }
0x47: {  	s16 =	simm.s32 $0x2000;
	p1 =	por $0x0, $0x0  }
.Ltmp6:
0x48: {  	(pc) =	sbr.rel .LBB1_9-.Ltmp6, $4  }
0x49: {  	_ = 	snop  }
0x4a: {  	s12 =	sshll.u32 s12, $0xA  }
0x4b: {  	s12 =	sadd.s32 s4, s12  }
0x4c: {  	[hbm4b:s12+s8] =	stream.linear.scatter [tilespmem:s13], [sflag:$0x2], $0x4000, $0x38;
	[tilespmem:$0x10000] =	vst v63  }
.LBB1_10:
0x4d: {  	_ =	sfence.sel $0x180000  }
0x4e: {  	s2 =	simm.s32 $0x1;
	[bflag:$0x0] =	sbarrier.arrive $0xFFFF  }
0x4f: {  	s31 =	simm.s32 $0x2;
	[sflag:s2] =	ssyncpa.u1 $0x1  }
0x50: {  	[sflag:s31] =	ssyncpa.u1 $0x1  }
0x51: {  	p0 =	sne.s32 s0, $0x0;
	_ =	strace $0x90000047  }
0x52: {  	s0 =	sadd.s32 @!p0 $0x100000, s1;
	[bflag:$0x2] =	sbarrier.arrive $0xFFFF  }
0x53: {  	[sflag:s0] =	ssyncadd.tile.s32 @!p0 $0x1;
	_ =	shalt  }
.Lfunc_end1:
_tile_overlayer_lowered:
.L_overlay_start_2:
0x54: {  	(tag) =	ssettag $0x2  }
0x55: {  	s0 =	rddreg [dreg:$0x0];
	s2 =	stileid.u32  }
0x56: {  	s1 =	rddreg [dreg:$0x1];
	p0 =	sne.s32 s2, $0x0  }
0x57: {  	s3 =	rddreg [dreg:$0x2];
	[bflag:$0x3] =	sbarrier.arrive $0xFFFF;
	s2 =	simm.s32 @!p0 $0x1C01  }
0x58: {  	[timem:s3], [sflag:s2] =	dma.local @!p0 [hbm:s0], s1  }
0x59: {  	s0 =	simm.s32 @!p0 $0x1  }
0x5a: {  	_ =	swait.ge @!p0 [sflag:s0], s1  }
0x5b: {  	s1 =	ssub.s32 @!p0 $0x0, s1;
	[sflag:s0] =	ssyncset.done @!p0 $0x0  }
0x5c: {  	[sflag:s0] =	ssyncadd.s32 @!p0 s1  }
0x5d: {  	[bflag:$0x3] =	sbarrier.arrive $0xFFFF  }
0x5e: {  	_ =	shalt  }

</sc_bundles>
